<compile_context>
chip_gen: v7x
topology: tpu7x:2x2x1
jax: 0.10.2.dev20260603
libtpu: 0.0.44.dev20260713+nightly
codegen_flags: <defaults>
</compile_context>

<pallas_src>
import functools

import jax
import jax.numpy as jnp
from jax import lax
from jax.experimental import pallas as pl
from jax.experimental.pallas import tpu as pltpu
from jax.experimental.pallas import tpu_sc as plsc

N = 320000
D = 128
S = 10000
NC = 2
SH = S // NC
NS = 16
CHUNK = 128
NCHUNKS = N // CHUNK
NBUF = 4
AROWS = SH + 8

_mesh = plsc.VectorSubcoreMesh(core_axis_name="c", subcore_axis_name="s")


@functools.partial(
    pl.kernel,
    out_type=jax.ShapeDtypeStruct((S, D), jnp.float32),
    mesh=_mesh,
    scratch_types=[
        pltpu.VMEM((NBUF, CHUNK, D), jnp.float32),
        pltpu.VMEM((NBUF, 128), jnp.int32),
        pltpu.VMEM((16,), jnp.int32),
        pltpu.VMEM_SHARED((AROWS, D), jnp.float32),
        pltpu.SemaphoreType.DMA,
        pltpu.SemaphoreType.DMA,
        pltpu.SemaphoreType.DMA,
        pltpu.SemaphoreType.DMA,
        pltpu.SemaphoreType.DMA,
    ],
)
def _seg_sum_sc(feat_hbm, idx_hbm, out_hbm,
                feat_bufs, idx_bufs, pbuf, acc,
                gsem0, gsem1, gsem2, gsem3, zsem):
    c = lax.axis_index("c")
    s = lax.axis_index("s")
    gsems = (gsem0, gsem1, gsem2, gsem3)

    zero16 = jnp.zeros((16,), jnp.float32)

    def zrow(i, carry):
        for j in range(D // 16):
            feat_bufs[0, i, pl.ds(j * 16, 16)] = zero16
        return carry

    lax.fori_loop(0, CHUNK, zrow, 0)
    zbuf = feat_bufs.at[0]
    off = pl.multiple_of(s * (AROWS // NS) - (s % 8), 8)
    zcopies = [(zbuf, acc.at[pl.ds(pl.multiple_of(off + z * CHUNK, 8), CHUNK)])
               for z in range(312 // CHUNK)]
    zrem = 312 % CHUNK
    if zrem:
        zcopies.append(
            (zbuf.at[pl.ds(0, zrem)],
             acc.at[pl.ds(pl.multiple_of(off + 312 - zrem, 8), zrem)]))
    for src, dst in zcopies:
        pltpu.async_copy(src, dst, zsem)

    @pl.when(s % 8 == 7)
    def _zero_tail():
        pltpu.async_copy(zbuf.at[pl.ds(0, 8)],
                         acc.at[pl.ds(pl.multiple_of(off + 312, 8), 8)], zsem)

    def probe(_, lohi):
        lo, hi = lohi
        mid = (lo + hi) // 2

        def probed():
            pltpu.sync_copy(idx_hbm.at[pl.ds(pl.multiple_of(mid * CHUNK, 8),
                                             16)], pbuf)
            v = pbuf[...][0]
            ge = (v >= SH).astype(jnp.int32)
            return ge * mid + (1 - ge) * hi, ge * lo + (1 - ge) * (mid + 1)

        def done():
            return hi, lo

        hi2, lo2 = lax.cond(lo < hi, probed, done)
        return lo2, hi2

    lo0, hi0 = jnp.int32(0), jnp.int32(NCHUNKS)
    r_lo, r_hi = lax.fori_loop(0, 12, probe, (lo0, hi0))
    r = r_hi
    nc0 = r
    nc1 = jnp.maximum(r - 1, 0)

    for src, dst in zcopies:
        pltpu.make_async_copy(src, dst, zsem).wait()

    @pl.when(s % 8 == 7)
    def _zero_tail_wait():
        pltpu.make_async_copy(
            zbuf.at[pl.ds(0, 8)],
            acc.at[pl.ds(pl.multiple_of(off + 312, 8), 8)], zsem).wait()
    mybase = c * nc1
    mycnt = (1 - c) * nc0 + c * (NCHUNKS - nc1)
    q = (mycnt + NS - 1) // NS
    lo = s * q
    qs = jnp.minimum(jnp.maximum(mycnt - lo, 0), q)

    plsc.subcore_barrier()

    rowbase = c * SH

    def issue_gather(b, k):
        rbase = pl.multiple_of((mybase + lo + k) * CHUNK, 8)
        pltpu.async_copy(feat_hbm.at[pl.ds(rbase, CHUNK)],
                         feat_bufs.at[b], gsems[b])
        pltpu.async_copy(idx_hbm.at[pl.ds(rbase, CHUNK)],
                         idx_bufs.at[b], gsems[b])

    def wait_gather(b, k):
        rbase = pl.multiple_of((mybase + lo + k) * CHUNK, 8)
        pltpu.make_async_copy(feat_hbm.at[pl.ds(rbase, CHUNK)],
                              feat_bufs.at[b], gsems[b]).wait()
        pltpu.make_async_copy(idx_hbm.at[pl.ds(rbase, CHUNK)],
                              idx_bufs.at[b], gsems[b]).wait()

    for b in range(NBUF):
        @pl.when(b < qs)
        def _prime():
            issue_gather(b, b)

    def superstep(i, carry):
        for b in range(NBUF):
            k = i * NBUF + b

            @pl.when(k < qs)
            def _do():
                wait_gather(b, k)
                for j in range(128 // 16):
                    v = idx_bufs[b, pl.ds(j * 16, 16)] - rowbase
                    oob = (v < 0) | (v >= SH)
                    idx_bufs[b, pl.ds(j * 16, 16)] = jnp.where(oob, SH, v)
                pltpu.sync_copy(feat_bufs.at[b], acc.at[idx_bufs.at[b]],
                                add=True)

                @pl.when(k + NBUF < qs)
                def _prefetch():
                    issue_gather(b, k + NBUF)
        return carry

    lax.fori_loop(0, (q + NBUF - 1) // NBUF, superstep, 0)
    plsc.subcore_barrier()

    obase = pl.multiple_of(c * SH + off, 8)
    pltpu.sync_copy(acc.at[pl.ds(off, 312)], out_hbm.at[pl.ds(obase, 312)])

    @pl.when((s % 8 == 7) & (s < NS - 1))
    def _dump_tail():
        pltpu.sync_copy(acc.at[pl.ds(pl.multiple_of(off + 312, 8), 8)],
                        out_hbm.at[pl.ds(pl.multiple_of(c * SH + off + 312, 8), 8)])


@jax.jit
def kernel(features, structural_indices):
    return _seg_sum_sc(features, structural_indices)

# --- scband reference (transcript-rebuilt; emitter-appended) ---
"""Pipeline reference for scband-accumulator-27839978013280 (READ-ONLY COPY).

The authoritative reference and input builder live on the scoring server;
editing this copy changes nothing except your own understanding.
"""

import jax, jax.numpy as jnp
import numpy as np

N = 320000
D = 128
NUM_STRUCTURES = 10000


def setup_inputs(seed: int = 0) -> dict:
    key = jax.random.key(seed)
    k1, k2 = jax.random.split(key)
    features = jax.random.normal(k1, (N, D), dtype=jnp.float32)
    idx = jnp.sort(jax.random.randint(k2, (N,), 0, NUM_STRUCTURES, dtype=jnp.int32))
    # pin the max so n_structures = NUM_STRUCTURES deterministically (matches np.max(idx)+1)
    idx = idx.at[-1].set(NUM_STRUCTURES - 1)
    return {"features": features, "structural_indices": idx}


def reference(features, structural_indices):
    # Original torch module: n_structures = np.max(structural_indices) + 1;
    # result = zeros([n_structures, *feat.shape[1:]]); result.index_add_(0, idx, feat)
    # For each key in the features dict; here modeled with a single feature tensor.
    n_structures = NUM_STRUCTURES
    result = jax.ops.segment_sum(features, structural_indices, num_segments=n_structures)
    return result

if __name__ == "__main__":
    import jax
    _d = setup_inputs()
    print(jax.jit(kernel)(*tuple(_d.values())))

</pallas_src>

<mosaic_0001>
#map = affine_map<(d0, d1) -> (0, 0)>
#map1 = affine_map<(d0, d1) -> (0)>
module attributes {stable_mosaic.version = 14 : i64} {
  func.func @_seg_sum_sc(%arg0: i32, %arg1: i32, %arg2: memref<320000x128xf32, #tpu.memory_space<hbm>>, %arg3: memref<320000xi32, #tpu.memory_space<hbm>>, %arg4: memref<10000x128xf32, #tpu.memory_space<hbm>>, %arg5: memref<4x128x128xf32, #tpu.memory_space<vmem>>, %arg6: memref<4x128xi32, #tpu.memory_space<vmem>>, %arg7: memref<16xi32, #tpu.memory_space<vmem>>, %arg8: memref<5008x128xf32, #tpu.memory_space<vmem_shared>>, %arg9: memref<!tpu.dma_semaphore, #tpu.memory_space<semaphore_mem>>, %arg10: memref<!tpu.dma_semaphore, #tpu.memory_space<semaphore_mem>>, %arg11: memref<!tpu.dma_semaphore, #tpu.memory_space<semaphore_mem>>, %arg12: memref<!tpu.dma_semaphore, #tpu.memory_space<semaphore_mem>>, %arg13: memref<!tpu.dma_semaphore, #tpu.memory_space<semaphore_mem>>) attributes {dimension_semantics = [#tpu.dimension_semantics<core_parallel>, #tpu.dimension_semantics<subcore_parallel>], iteration_bounds = array<i64: 2, 16>, scalar_prefetch = 0 : i64, scratch_operands = 9 : i64, tpu.core_type = #tpu.core_type<sc_vector_subcore>, window_params = [{transform_indices = #map}, {transform_indices = #map1}, {transform_indices = #map}]} {
    %broadcast_in_dim3A = arith.constant 0.000000e+00 : f32
    %broadcast_in_dim3A_0 = vector.broadcast %broadcast_in_dim3A : f32 to vector<16xf32>
    %scan3A = arith.constant 0 : i32
    %scan3A_1 = arith.constant 0 : i32
    %scan3A_2 = arith.constant 128 : i32
    %scan3A_3 = arith.addi %scan3A_1, %scan3A_2 : i32
    %scan3A_4 = arith.constant 1 : i32
    scf.for %scan3A_292 = %scan3A_1 to %scan3A_3 step %scan3A_4  : i32 {
      %swap3A = arith.constant 0 : i32
      %swap3A_293 = arith.index_cast %swap3A : i32 to index
      %swap3A_294 = arith.index_cast %scan3A_292 : i32 to index
      %swap3A_295 = arith.constant 0 : index
      %swap3A_296 = tpu.vector_load %arg5[%swap3A_293, %swap3A_294, %swap3A_295] {strides = array<i32>} : memref<4x128x128xf32, #tpu.memory_space<vmem>>, vector<1x1x16xf32>,
      %swap3A_297 = vector.shape_cast %swap3A_296 : vector<1x1x16xf32> to vector<16xf32>
      %swap3A_298 = vector.shape_cast %broadcast_in_dim3A_0 : vector<16xf32> to vector<1x1x16xf32>
      tpu.vector_store %arg5[%swap3A_293, %swap3A_294, %swap3A_295], %swap3A_298 {strides = array<i32>} : memref<4x128x128xf32, #tpu.memory_space<vmem>>, vector<1x1x16xf32>,
      %swap3A_299 = arith.constant 0 : i32
      %swap3A_300 = arith.index_cast %swap3A_299 : i32 to index
      %swap3A_301 = arith.index_cast %scan3A_292 : i32 to index
      %swap3A_302 = arith.constant 16 : index
      %swap3A_303 = tpu.vector_load %arg5[%swap3A_300, %swap3A_301, %swap3A_302] {strides = array<i32>} : memref<4x128x128xf32, #tpu.memory_space<vmem>>, vector<1x1x16xf32>,
      %swap3A_304 = vector.shape_cast %swap3A_303 : vector<1x1x16xf32> to vector<16xf32>
      %swap3A_305 = vector.shape_cast %broadcast_in_dim3A_0 : vector<16xf32> to vector<1x1x16xf32>
      tpu.vector_store %arg5[%swap3A_300, %swap3A_301, %swap3A_302], %swap3A_305 {strides = array<i32>} : memref<4x128x128xf32, #tpu.memory_space<vmem>>, vector<1x1x16xf32>,
      %swap3A_306 = arith.constant 0 : i32
      %swap3A_307 = arith.index_cast %swap3A_306 : i32 to index
      %swap3A_308 = arith.index_cast %scan3A_292 : i32 to index
      %swap3A_309 = arith.constant 32 : index
      %swap3A_310 = tpu.vector_load %arg5[%swap3A_307, %swap3A_308, %swap3A_309] {strides = array<i32>} : memref<4x128x128xf32, #tpu.memory_space<vmem>>, vector<1x1x16xf32>,
      %swap3A_311 = vector.shape_cast %swap3A_310 : vector<1x1x16xf32> to vector<16xf32>
      %swap3A_312 = vector.shape_cast %broadcast_in_dim3A_0 : vector<16xf32> to vector<1x1x16xf32>
      tpu.vector_store %arg5[%swap3A_307, %swap3A_308, %swap3A_309], %swap3A_312 {strides = array<i32>} : memref<4x128x128xf32, #tpu.memory_space<vmem>>, vector<1x1x16xf32>,
      %swap3A_313 = arith.constant 0 : i32
      %swap3A_314 = arith.index_cast %swap3A_313 : i32 to index
      %swap3A_315 = arith.index_cast %scan3A_292 : i32 to index
      %swap3A_316 = arith.constant 48 : index
      %swap3A_317 = tpu.vector_load %arg5[%swap3A_314, %swap3A_315, %swap3A_316] {strides = array<i32>} : memref<4x128x128xf32, #tpu.memory_space<vmem>>, vector<1x1x16xf32>,
      %swap3A_318 = vector.shape_cast %swap3A_317 : vector<1x1x16xf32> to vector<16xf32>
      %swap3A_319 = vector.shape_cast %broadcast_in_dim3A_0 : vector<16xf32> to vector<1x1x16xf32>
      tpu.vector_store %arg5[%swap3A_314, %swap3A_315, %swap3A_316], %swap3A_319 {strides = array<i32>} : memref<4x128x128xf32, #tpu.memory_space<vmem>>, vector<1x1x16xf32>,
      %swap3A_320 = arith.constant 0 : i32
      %swap3A_321 = arith.index_cast %swap3A_320 : i32 to index
      %swap3A_322 = arith.index_cast %scan3A_292 : i32 to index
      %swap3A_323 = arith.constant 64 : index
      %swap3A_324 = tpu.vector_load %arg5[%swap3A_321, %swap3A_322, %swap3A_323] {strides = array<i32>} : memref<4x128x128xf32, #tpu.memory_space<vmem>>, vector<1x1x16xf32>,
      %swap3A_325 = vector.shape_cast %swap3A_324 : vector<1x1x16xf32> to vector<16xf32>
      %swap3A_326 = vector.shape_cast %broadcast_in_dim3A_0 : vector<16xf32> to vector<1x1x16xf32>
      tpu.vector_store %arg5[%swap3A_321, %swap3A_322, %swap3A_323], %swap3A_326 {strides = array<i32>} : memref<4x128x128xf32, #tpu.memory_space<vmem>>, vector<1x1x16xf32>,
      %swap3A_327 = arith.constant 0 : i32
      %swap3A_328 = arith.index_cast %swap3A_327 : i32 to index
      %swap3A_329 = arith.index_cast %scan3A_292 : i32 to index
      %swap3A_330 = arith.constant 80 : index
      %swap3A_331 = tpu.vector_load %arg5[%swap3A_328, %swap3A_329, %swap3A_330] {strides = array<i32>} : memref<4x128x128xf32, #tpu.memory_space<vmem>>, vector<1x1x16xf32>,
      %swap3A_332 = vector.shape_cast %swap3A_331 : vector<1x1x16xf32> to vector<16xf32>
      %swap3A_333 = vector.shape_cast %broadcast_in_dim3A_0 : vector<16xf32> to vector<1x1x16xf32>
      tpu.vector_store %arg5[%swap3A_328, %swap3A_329, %swap3A_330], %swap3A_333 {strides = array<i32>} : memref<4x128x128xf32, #tpu.memory_space<vmem>>, vector<1x1x16xf32>,
      %swap3A_334 = arith.constant 0 : i32
      %swap3A_335 = arith.index_cast %swap3A_334 : i32 to index
      %swap3A_336 = arith.index_cast %scan3A_292 : i32 to index
      %swap3A_337 = arith.constant 96 : index
      %swap3A_338 = tpu.vector_load %arg5[%swap3A_335, %swap3A_336, %swap3A_337] {strides = array<i32>} : memref<4x128x128xf32, #tpu.memory_space<vmem>>, vector<1x1x16xf32>,
      %swap3A_339 = vector.shape_cast %swap3A_338 : vector<1x1x16xf32> to vector<16xf32>
      %swap3A_340 = vector.shape_cast %broadcast_in_dim3A_0 : vector<16xf32> to vector<1x1x16xf32>
      tpu.vector_store %arg5[%swap3A_335, %swap3A_336, %swap3A_337], %swap3A_340 {strides = array<i32>} : memref<4x128x128xf32, #tpu.memory_space<vmem>>, vector<1x1x16xf32>,
      %swap3A_341 = arith.constant 0 : i32
      %swap3A_342 = arith.index_cast %swap3A_341 : i32 to index
      %swap3A_343 = arith.index_cast %scan3A_292 : i32 to index
      %swap3A_344 = arith.constant 112 : index
      %swap3A_345 = tpu.vector_load %arg5[%swap3A_342, %swap3A_343, %swap3A_344] {strides = array<i32>} : memref<4x128x128xf32, #tpu.memory_space<vmem>>, vector<1x1x16xf32>,
      %swap3A_346 = vector.shape_cast %swap3A_345 : vector<1x1x16xf32> to vector<16xf32>
      %swap3A_347 = vector.shape_cast %broadcast_in_dim3A_0 : vector<16xf32> to vector<1x1x16xf32>
      tpu.vector_store %arg5[%swap3A_342, %swap3A_343, %swap3A_344], %swap3A_347 {strides = array<i32>} : memref<4x128x128xf32, #tpu.memory_space<vmem>>, vector<1x1x16xf32>,
    }
    %scan3A_5 = arith.constant 128 : i32
    %mul3A = arith.constant 313 : i32
    %mul3A_6 = arith.muli %arg1, %mul3A : i32
    %jit3A = arith.constant 8 : i32
    %eq3A = arith.constant 0 : i32
    %eq3A_7 = arith.cmpi eq, %jit3A, %eq3A : i32
    %jit3A_8 = arith.constant 1 : i32
    %select_n3A = arith.select %eq3A_7, %jit3A_8, %jit3A : i32
    %rem3A = arith.remsi %arg1, %select_n3A : i32
    %ne3A = arith.constant 0 : i32
    %ne3A_9 = arith.cmpi ne, %rem3A, %ne3A : i32
    %lt3A = arith.constant 0 : i32
    %lt3A_10 = arith.cmpi slt, %rem3A, %lt3A : i32
    %lt3A_11 = arith.constant 0 : i32
    %lt3A_12 = arith.cmpi slt, %select_n3A, %lt3A_11 : i32
    %ne3A_13 = arith.xori %lt3A_10, %lt3A_12 : i1
    %and3A = arith.andi %ne3A_13, %ne3A_9 : i1
    %add3A = arith.addi %rem3A, %select_n3A : i32
    %select_n3A_14 = arith.select %and3A, %add3A, %rem3A : i32
    %sub3A = arith.subi %mul3A_6, %select_n3A_14 : i32
    %multiple_of3A = tpu.assume_multiple %sub3A, 8 : i32
    %add3A_15 = arith.constant 0 : i32
    %add3A_16 = arith.addi %multiple_of3A, %add3A_15 : i32
    %multiple_of3A_17 = tpu.assume_multiple %add3A_16, 8 : i32
    %add3A_18 = arith.constant 128 : i32
    %add3A_19 = arith.addi %multiple_of3A, %add3A_18 : i32
    %multiple_of3A_20 = tpu.assume_multiple %add3A_19, 8 : i32
    %add3A_21 = arith.constant 312 : i32
    %add3A_22 = arith.addi %multiple_of3A, %add3A_21 : i32
    %sub3A_23 = arith.constant 56 : i32
    %sub3A_24 = arith.subi %add3A_22, %sub3A_23 : i32
    %multiple_of3A_25 = tpu.assume_multiple %sub3A_24, 8 : i32
    %dma_start3A = arith.constant 0 : i32
    %dma_start3A_26 = arith.constant 0 : i32
    %dma_start3A_27 = arith.constant 0 : i32
    %dma_start3A_28 = tpu.memref_slice %arg5[%dma_start3A, %dma_start3A_26, %dma_start3A_27] : memref<4x128x128xf32, #tpu.memory_space<vmem>> -> memref<1x128x128xf32, #tpu.memory_space<vmem>>
    %dma_start3A_29 = tpu.memref_squeeze %dma_start3A_28 : memref<1x128x128xf32, #tpu.memory_space<vmem>> -> memref<128x128xf32, #tpu.memory_space<vmem>>
    %dma_start3A_30 = arith.constant 0 : i32
    %dma_start3A_31 = tpu.memref_slice %arg8[%multiple_of3A_17, %dma_start3A_30] : memref<5008x128xf32, #tpu.memory_space<vmem_shared>> -> memref<128x128xf32, #tpu.memory_space<vmem_shared>>
    %dma_start3A_32 = arith.constant 0 : i32
    %dma_start3A_33 = tpu.memref_slice %arg8[%multiple_of3A_17, %dma_start3A_32] : memref<5008x128xf32, #tpu.memory_space<vmem_shared>> -> memref<128x128xf32, #tpu.memory_space<vmem_shared>>
    %dma_start3A_34 = arith.constant 0 : i32
    %dma_start3A_35 = arith.constant 0 : i32
    %dma_start3A_36 = tpu.memref_slice %arg5[%dma_start3A, %dma_start3A_34, %dma_start3A_35] : memref<4x128x128xf32, #tpu.memory_space<vmem>> -> memref<1x128x128xf32, #tpu.memory_space<vmem>>
    %dma_start3A_37 = tpu.memref_squeeze %dma_start3A_36 : memref<1x128x128xf32, #tpu.memory_space<vmem>> -> memref<128x128xf32, #tpu.memory_space<vmem>>
    tpu.enqueue_dma source(%dma_start3A_37 : memref<128x128xf32, #tpu.memory_space<vmem>>) target(%dma_start3A_33 : memref<128x128xf32, #tpu.memory_space<vmem_shared>>) target_semaphore(%arg13 : memref<!tpu.dma_semaphore, #tpu.memory_space<semaphore_mem>>)
    %dma_start3A_38 = arith.constant 0 : i32
    %dma_start3A_39 = arith.constant 0 : i32
    %dma_start3A_40 = arith.constant 0 : i32
    %dma_start3A_41 = tpu.memref_slice %arg5[%dma_start3A_38, %dma_start3A_39, %dma_start3A_40] : memref<4x128x128xf32, #tpu.memory_space<vmem>> -> memref<1x128x128xf32, #tpu.memory_space<vmem>>
    %dma_start3A_42 = tpu.memref_squeeze %dma_start3A_41 : memref<1x128x128xf32, #tpu.memory_space<vmem>> -> memref<128x128xf32, #tpu.memory_space<vmem>>
    %dma_start3A_43 = arith.constant 0 : i32
    %dma_start3A_44 = tpu.memref_slice %arg8[%multiple_of3A_20, %dma_start3A_43] : memref<5008x128xf32, #tpu.memory_space<vmem_shared>> -> memref<128x128xf32, #tpu.memory_space<vmem_shared>>
    %dma_start3A_45 = arith.constant 0 : i32
    %dma_start3A_46 = tpu.memref_slice %arg8[%multiple_of3A_20, %dma_start3A_45] : memref<5008x128xf32, #tpu.memory_space<vmem_shared>> -> memref<128x128xf32, #tpu.memory_space<vmem_shared>>
    %dma_start3A_47 = arith.constant 0 : i32
    %dma_start3A_48 = arith.constant 0 : i32
    %dma_start3A_49 = tpu.memref_slice %arg5[%dma_start3A_38, %dma_start3A_47, %dma_start3A_48] : memref<4x128x128xf32, #tpu.memory_space<vmem>> -> memref<1x128x128xf32, #tpu.memory_space<vmem>>
    %dma_start3A_50 = tpu.memref_squeeze %dma_start3A_49 : memref<1x128x128xf32, #tpu.memory_space<vmem>> -> memref<128x128xf32, #tpu.memory_space<vmem>>
    tpu.enqueue_dma source(%dma_start3A_50 : memref<128x128xf32, #tpu.memory_space<vmem>>) target(%dma_start3A_46 : memref<128x128xf32, #tpu.memory_space<vmem_shared>>) target_semaphore(%arg13 : memref<!tpu.dma_semaphore, #tpu.memory_space<semaphore_mem>>)
    %dma_start3A_51 = arith.constant 0 : i32
    %dma_start3A_52 = arith.constant 0 : i32
    %dma_start3A_53 = arith.constant 0 : i32
    %dma_start3A_54 = tpu.memref_slice %arg5[%dma_start3A_51, %dma_start3A_52, %dma_start3A_53] : memref<4x128x128xf32, #tpu.memory_space<vmem>> -> memref<1x128x128xf32, #tpu.memory_space<vmem>>
    %dma_start3A_55 = tpu.memref_squeeze %dma_start3A_54 : memref<1x128x128xf32, #tpu.memory_space<vmem>> -> memref<128x128xf32, #tpu.memory_space<vmem>>
    %dma_start3A_56 = arith.constant 0 : i32
    %dma_start3A_57 = arith.constant 0 : i32
    %dma_start3A_58 = tpu.memref_slice %dma_start3A_55[%dma_start3A_56, %dma_start3A_57] : memref<128x128xf32, #tpu.memory_space<vmem>> -> memref<56x128xf32, #tpu.memory_space<vmem>>
    %dma_start3A_59 = arith.constant 0 : i32
    %dma_start3A_60 = tpu.memref_slice %arg8[%multiple_of3A_25, %dma_start3A_59] : memref<5008x128xf32, #tpu.memory_space<vmem_shared>> -> memref<56x128xf32, #tpu.memory_space<vmem_shared>>
    %dma_start3A_61 = arith.constant 0 : i32
    %dma_start3A_62 = tpu.memref_slice %arg8[%multiple_of3A_25, %dma_start3A_61] : memref<5008x128xf32, #tpu.memory_space<vmem_shared>> -> memref<56x128xf32, #tpu.memory_space<vmem_shared>>
    %dma_start3A_63 = arith.constant 0 : i32
    %dma_start3A_64 = arith.constant 0 : i32
    %dma_start3A_65 = tpu.memref_slice %arg5[%dma_start3A_51, %dma_start3A_63, %dma_start3A_64] : memref<4x128x128xf32, #tpu.memory_space<vmem>> -> memref<1x128x128xf32, #tpu.memory_space<vmem>>
    %dma_start3A_66 = tpu.memref_squeeze %dma_start3A_65 : memref<1x128x128xf32, #tpu.memory_space<vmem>> -> memref<128x128xf32, #tpu.memory_space<vmem>>
    %dma_start3A_67 = arith.constant 0 : i32
    %dma_start3A_68 = arith.constant 0 : i32
    %dma_start3A_69 = tpu.memref_slice %dma_start3A_66[%dma_start3A_67, %dma_start3A_68] : memref<128x128xf32, #tpu.memory_space<vmem>> -> memref<56x128xf32, #tpu.memory_space<vmem>>
    tpu.enqueue_dma source(%dma_start3A_69 : memref<56x128xf32, #tpu.memory_space<vmem>>) target(%dma_start3A_62 : memref<56x128xf32, #tpu.memory_space<vmem_shared>>) target_semaphore(%arg13 : memref<!tpu.dma_semaphore, #tpu.memory_space<semaphore_mem>>)
    %jit3A_70 = arith.constant 8 : i32
    %eq3A_71 = arith.constant 0 : i32
    %eq3A_72 = arith.cmpi eq, %jit3A_70, %eq3A_71 : i32
    %jit3A_73 = arith.constant 1 : i32
    %select_n3A_74 = arith.select %eq3A_72, %jit3A_73, %jit3A_70 : i32
    %rem3A_75 = arith.remsi %arg1, %select_n3A_74 : i32
    %ne3A_76 = arith.constant 0 : i32
    %ne3A_77 = arith.cmpi ne, %rem3A_75, %ne3A_76 : i32
    %lt3A_78 = arith.constant 0 : i32
    %lt3A_79 = arith.cmpi slt, %rem3A_75, %lt3A_78 : i32
    %lt3A_80 = arith.constant 0 : i32
    %lt3A_81 = arith.cmpi slt, %select_n3A_74, %lt3A_80 : i32
    %ne3A_82 = arith.xori %lt3A_79, %lt3A_81 : i1
    %and3A_83 = arith.andi %ne3A_82, %ne3A_77 : i1
    %add3A_84 = arith.addi %rem3A_75, %select_n3A_74 : i32
    %select_n3A_85 = arith.select %and3A_83, %add3A_84, %rem3A_75 : i32
    %eq3A_86 = arith.constant 7 : i32
    %eq3A_87 = arith.cmpi eq, %select_n3A_85, %eq3A_86 : i32
    %convert_element_type3A = arith.extui %eq3A_87 : i1 to i32
    %cond3A = arith.constant 0 : i32
    %cond3A_88 = arith.constant 0 : i32
    %cond3A_89 = arith.cmpi ne, %convert_element_type3A, %cond3A_88 : i32
    scf.if %cond3A_89 {
      %add3A_292 = arith.constant 312 : i32
      %add3A_293 = arith.addi %multiple_of3A, %add3A_292 : i32
      %multiple_of3A_294 = tpu.assume_multiple %add3A_293, 8 : i32
      %dma_start3A_295 = arith.constant 0 : i32
      %dma_start3A_296 = arith.constant 0 : i32
      %dma_start3A_297 = tpu.memref_slice %arg5[%cond3A, %dma_start3A_295, %dma_start3A_296] : memref<4x128x128xf32, #tpu.memory_space<vmem>> -> memref<1x128x128xf32, #tpu.memory_space<vmem>>
      %dma_start3A_298 = tpu.memref_squeeze %dma_start3A_297 : memref<1x128x128xf32, #tpu.memory_space<vmem>> -> memref<128x128xf32, #tpu.memory_space<vmem>>
      %dma_start3A_299 = arith.constant 0 : i32
      %dma_start3A_300 = arith.constant 0 : i32
      %dma_start3A_301 = tpu.memref_slice %dma_start3A_298[%dma_start3A_299, %dma_start3A_300] : memref<128x128xf32, #tpu.memory_space<vmem>> -> memref<8x128xf32, #tpu.memory_space<vmem>>
      %dma_start3A_302 = arith.constant 0 : i32
      %dma_start3A_303 = tpu.memref_slice %arg8[%multiple_of3A_294, %dma_start3A_302] : memref<5008x128xf32, #tpu.memory_space<vmem_shared>> -> memref<8x128xf32, #tpu.memory_space<vmem_shared>>
      %dma_start3A_304 = arith.constant 0 : i32
      %dma_start3A_305 = tpu.memref_slice %arg8[%multiple_of3A_294, %dma_start3A_304] : memref<5008x128xf32, #tpu.memory_space<vmem_shared>> -> memref<8x128xf32, #tpu.memory_space<vmem_shared>>
      %dma_start3A_306 = arith.constant 0 : i32
      %dma_start3A_307 = arith.constant 0 : i32
      %dma_start3A_308 = tpu.memref_slice %arg5[%cond3A, %dma_start3A_306, %dma_start3A_307] : memref<4x128x128xf32, #tpu.memory_space<vmem>> -> memref<1x128x128xf32, #tpu.memory_space<vmem>>
      %dma_start3A_309 = tpu.memref_squeeze %dma_start3A_308 : memref<1x128x128xf32, #tpu.memory_space<vmem>> -> memref<128x128xf32, #tpu.memory_space<vmem>>
      %dma_start3A_310 = arith.constant 0 : i32
      %dma_start3A_311 = arith.constant 0 : i32
      %dma_start3A_312 = tpu.memref_slice %dma_start3A_309[%dma_start3A_310, %dma_start3A_311] : memref<128x128xf32, #tpu.memory_space<vmem>> -> memref<8x128xf32, #tpu.memory_space<vmem>>
      tpu.enqueue_dma source(%dma_start3A_312 : memref<8x128xf32, #tpu.memory_space<vmem>>) target(%dma_start3A_305 : memref<8x128xf32, #tpu.memory_space<vmem_shared>>) target_semaphore(%arg13 : memref<!tpu.dma_semaphore, #tpu.memory_space<semaphore_mem>>)
    } else {
    }
    %scan3A_90 = arith.constant 0 : i32
    %scan3A_91 = arith.constant 2500 : i32
    %scan3A_92 = arith.constant 0 : i32
    %scan3A_93 = arith.constant 12 : i32
    %scan3A_94 = arith.addi %scan3A_92, %scan3A_93 : i32
    %scan3A_95 = arith.constant 1 : i32
    %scan3A_96:2 = scf.for %scan3A_292 = %scan3A_92 to %scan3A_94 step %scan3A_95 iter_args(%scan3A_293 = %scan3A_90, %scan3A_294 = %scan3A_91) -> (i32, i32)  : i32 {
      %add3A_295 = arith.addi %scan3A_293, %scan3A_294 : i32
      %jit3A_296 = arith.constant 2 : i32
      %div3A_297 = arith.divsi %add3A_295, %jit3A_296 : i32
      %sign3A_298 = arith.constant 0 : i32
      %sign3A_299 = arith.cmpi sgt, %add3A_295, %sign3A_298 : i32
      %sign3A_300 = arith.extui %sign3A_299 : i1 to i32
      %sign3A_301 = arith.constant 0 : i32
      %sign3A_302 = arith.cmpi slt, %add3A_295, %sign3A_301 : i32
      %sign3A_303 = arith.extui %sign3A_302 : i1 to i32
      %sign3A_304 = arith.subi %sign3A_300, %sign3A_303 : i32
      %sign3A_305 = arith.constant 0 : i32
      %sign3A_306 = arith.cmpi sgt, %jit3A_296, %sign3A_305 : i32
      %sign3A_307 = arith.extui %sign3A_306 : i1 to i32
      %sign3A_308 = arith.constant 0 : i32
      %sign3A_309 = arith.cmpi slt, %jit3A_296, %sign3A_308 : i32
      %sign3A_310 = arith.extui %sign3A_309 : i1 to i32
      %sign3A_311 = arith.subi %sign3A_307, %sign3A_310 : i32
      %ne3A_312 = arith.cmpi ne, %sign3A_304, %sign3A_311 : i32
      %rem3A_313 = arith.remsi %add3A_295, %jit3A_296 : i32
      %ne3A_314 = arith.constant 0 : i32
      %ne3A_315 = arith.cmpi ne, %rem3A_313, %ne3A_314 : i32
      %and3A_316 = arith.andi %ne3A_312, %ne3A_315 : i1
      %sub3A_317 = arith.constant 1 : i32
      %sub3A_318 = arith.subi %div3A_297, %sub3A_317 : i32
      %select_n3A_319 = arith.select %and3A_316, %sub3A_318, %div3A_297 : i32
      %lt3A_320 = arith.cmpi slt, %scan3A_293, %scan3A_294 : i32
      %convert_element_type3A_321 = arith.extui %lt3A_320 : i1 to i32
      %cond3A_322 = arith.constant 0 : i32
      %cond3A_323 = arith.cmpi ne, %convert_element_type3A_321, %cond3A_322 : i32
      %cond3A_324:2 = scf.if %cond3A_323 -> (i32, i32) {
        %mul3A_325 = arith.constant 128 : i32
        %mul3A_326 = arith.muli %select_n3A_319, %mul3A_325 : i32
        %multiple_of3A_327 = tpu.assume_multiple %mul3A_326, 8 : i32
        "tpu.region"() ({
          %run_scoped3A = tpu.sem_alloc : memref<!tpu.dma_semaphore, #tpu.memory_space<semaphore_mem>>
          %dma_start3A_344 = tpu.memref_slice %arg3[%multiple_of3A_327] : memref<320000xi32, #tpu.memory_space<hbm>> -> memref<16xi32, #tpu.memory_space<hbm>>
          %dma_start3A_345 = tpu.memref_slice %arg3[%multiple_of3A_327] : memref<320000xi32, #tpu.memory_space<hbm>> -> memref<16xi32, #tpu.memory_space<hbm>>
          tpu.enqueue_dma source(%dma_start3A_345 : memref<16xi32, #tpu.memory_space<hbm>>) target(%arg7 : memref<16xi32, #tpu.memory_space<vmem>>) target_semaphore(%run_scoped3A : memref<!tpu.dma_semaphore, #tpu.memory_space<semaphore_mem>>)
          %dma_wait3A_346 = tpu.memref_slice %arg3[%multiple_of3A_327] : memref<320000xi32, #tpu.memory_space<hbm>> -> memref<16xi32, #tpu.memory_space<hbm>>
          %dma_wait3A_347 = tpu.memref_slice %arg3[%multiple_of3A_327] : memref<320000xi32, #tpu.memory_space<hbm>> -> memref<16xi32, #tpu.memory_space<hbm>>
          tpu.wait_dma2 semaphore(%run_scoped3A : memref<!tpu.dma_semaphore, #tpu.memory_space<semaphore_mem>>) src(%dma_wait3A_347 : memref<16xi32, #tpu.memory_space<hbm>>) dst(%arg7 : memref<16xi32, #tpu.memory_space<vmem>>)
          tpu.yield
        }) : () -> ()
        %get3A = arith.constant 0 : index
        %get3A_328 = tpu.vector_load %arg7[%get3A] {strides = array<i32>} : memref<16xi32, #tpu.memory_space<vmem>>, vector<16xi32>,
        %get3A_329 = vector.shape_cast %get3A_328 : vector<16xi32> to vector<16xi32>
        %slice3A = vector.extract_strided_slice %get3A_329 {offsets = [0], sizes = [1], strides = [1]} : vector<16xi32> to vector<1xi32>
        %squeeze3A = vector.extract %slice3A[0] : i32 from vector<1xi32>
        %ge3A = arith.constant 5000 : i32
        %ge3A_330 = arith.cmpi sge, %squeeze3A, %ge3A : i32
        %convert_element_type3A_331 = arith.extui %ge3A_330 : i1 to i32
        %mul3A_332 = arith.muli %convert_element_type3A_331, %select_n3A_319 : i32
        %sub3A_333 = arith.constant 1 : i32
        %sub3A_334 = arith.subi %sub3A_333, %convert_element_type3A_331 : i32
        %mul3A_335 = arith.muli %sub3A_334, %scan3A_294 : i32
        %add3A_336 = arith.addi %mul3A_332, %mul3A_335 : i32
        %mul3A_337 = arith.muli %convert_element_type3A_331, %scan3A_293 : i32
        %sub3A_338 = arith.constant 1 : i32
        %sub3A_339 = arith.subi %sub3A_338, %convert_element_type3A_331 : i32
        %add3A_340 = arith.constant 1 : i32
        %add3A_341 = arith.addi %select_n3A_319, %add3A_340 : i32
        %mul3A_342 = arith.muli %sub3A_339, %add3A_341 : i32
        %add3A_343 = arith.addi %mul3A_337, %mul3A_342 : i32
        scf.yield %add3A_336, %add3A_343 : i32, i32
      } else {
        scf.yield %scan3A_294, %scan3A_293 : i32, i32
      }
      scf.yield %cond3A_324#1, %cond3A_324#0 : i32, i32
    }
    %scan3A_97 = arith.constant 12 : i32
    %sub3A_98 = arith.constant 1 : i32
    %sub3A_99 = arith.subi %scan3A_96#1, %sub3A_98 : i32
    %max3A = arith.constant 0 : i32
    %max3A_100 = arith.maxsi %sub3A_99, %max3A : i32
    %dma_wait3A = arith.constant 0 : i32
    %dma_wait3A_101 = arith.constant 0 : i32
    %dma_wait3A_102 = arith.constant 0 : i32
    %dma_wait3A_103 = tpu.memref_slice %arg5[%dma_wait3A, %dma_wait3A_101, %dma_wait3A_102] : memref<4x128x128xf32, #tpu.memory_space<vmem>> -> memref<1x128x128xf32, #tpu.memory_space<vmem>>
    %dma_wait3A_104 = tpu.memref_squeeze %dma_wait3A_103 : memref<1x128x128xf32, #tpu.memory_space<vmem>> -> memref<128x128xf32, #tpu.memory_space<vmem>>
    %dma_wait3A_105 = arith.constant 0 : i32
    %dma_wait3A_106 = tpu.memref_slice %arg8[%multiple_of3A_17, %dma_wait3A_105] : memref<5008x128xf32, #tpu.memory_space<vmem_shared>> -> memref<128x128xf32, #tpu.memory_space<vmem_shared>>
    %dma_wait3A_107 = arith.constant 0 : i32
    %dma_wait3A_108 = tpu.memref_slice %arg8[%multiple_of3A_17, %dma_wait3A_107] : memref<5008x128xf32, #tpu.memory_space<vmem_shared>> -> memref<128x128xf32, #tpu.memory_space<vmem_shared>>
    %dma_wait3A_109 = arith.constant 0 : i32
    %dma_wait3A_110 = arith.constant 0 : i32
    %dma_wait3A_111 = tpu.memref_slice %arg5[%dma_wait3A, %dma_wait3A_109, %dma_wait3A_110] : memref<4x128x128xf32, #tpu.memory_space<vmem>> -> memref<1x128x128xf32, #tpu.memory_space<vmem>>
    %dma_wait3A_112 = tpu.memref_squeeze %dma_wait3A_111 : memref<1x128x128xf32, #tpu.memory_space<vmem>> -> memref<128x128xf32, #tpu.memory_space<vmem>>
    tpu.wait_dma2 semaphore(%arg13 : memref<!tpu.dma_semaphore, #tpu.memory_space<semaphore_mem>>) src(%dma_wait3A_112 : memref<128x128xf32, #tpu.memory_space<vmem>>) dst(%dma_wait3A_108 : memref<128x128xf32, #tpu.memory_space<vmem_shared>>)
    %dma_wait3A_113 = arith.constant 0 : i32
    %dma_wait3A_114 = arith.constant 0 : i32
    %dma_wait3A_115 = arith.constant 0 : i32
    %dma_wait3A_116 = tpu.memref_slice %arg5[%dma_wait3A_113, %dma_wait3A_114, %dma_wait3A_115] : memref<4x128x128xf32, #tpu.memory_space<vmem>> -> memref<1x128x128xf32, #tpu.memory_space<vmem>>
    %dma_wait3A_117 = tpu.memref_squeeze %dma_wait3A_116 : memref<1x128x128xf32, #tpu.memory_space<vmem>> -> memref<128x128xf32, #tpu.memory_space<vmem>>
    %dma_wait3A_118 = arith.constant 0 : i32
    %dma_wait3A_119 = tpu.memref_slice %arg8[%multiple_of3A_20, %dma_wait3A_118] : memref<5008x128xf32, #tpu.memory_space<vmem_shared>> -> memref<128x128xf32, #tpu.memory_space<vmem_shared>>
    %dma_wait3A_120 = arith.constant 0 : i32
    %dma_wait3A_121 = tpu.memref_slice %arg8[%multiple_of3A_20, %dma_wait3A_120] : memref<5008x128xf32, #tpu.memory_space<vmem_shared>> -> memref<128x128xf32, #tpu.memory_space<vmem_shared>>
    %dma_wait3A_122 = arith.constant 0 : i32
    %dma_wait3A_123 = arith.constant 0 : i32
    %dma_wait3A_124 = tpu.memref_slice %arg5[%dma_wait3A_113, %dma_wait3A_122, %dma_wait3A_123] : memref<4x128x128xf32, #tpu.memory_space<vmem>> -> memref<1x128x128xf32, #tpu.memory_space<vmem>>
    %dma_wait3A_125 = tpu.memref_squeeze %dma_wait3A_124 : memref<1x128x128xf32, #tpu.memory_space<vmem>> -> memref<128x128xf32, #tpu.memory_space<vmem>>
    tpu.wait_dma2 semaphore(%arg13 : memref<!tpu.dma_semaphore, #tpu.memory_space<semaphore_mem>>) src(%dma_wait3A_125 : memref<128x128xf32, #tpu.memory_space<vmem>>) dst(%dma_wait3A_121 : memref<128x128xf32, #tpu.memory_space<vmem_shared>>)
    %dma_wait3A_126 = arith.constant 0 : i32
    %dma_wait3A_127 = arith.constant 0 : i32
    %dma_wait3A_128 = arith.constant 0 : i32
    %dma_wait3A_129 = tpu.memref_slice %arg5[%dma_wait3A_126, %dma_wait3A_127, %dma_wait3A_128] : memref<4x128x128xf32, #tpu.memory_space<vmem>> -> memref<1x128x128xf32, #tpu.memory_space<vmem>>
    %dma_wait3A_130 = tpu.memref_squeeze %dma_wait3A_129 : memref<1x128x128xf32, #tpu.memory_space<vmem>> -> memref<128x128xf32, #tpu.memory_space<vmem>>
    %dma_wait3A_131 = arith.constant 0 : i32
    %dma_wait3A_132 = arith.constant 0 : i32
    %dma_wait3A_133 = tpu.memref_slice %dma_wait3A_130[%dma_wait3A_131, %dma_wait3A_132] : memref<128x128xf32, #tpu.memory_space<vmem>> -> memref<56x128xf32, #tpu.memory_space<vmem>>
    %dma_wait3A_134 = arith.constant 0 : i32
    %dma_wait3A_135 = tpu.memref_slice %arg8[%multiple_of3A_25, %dma_wait3A_134] : memref<5008x128xf32, #tpu.memory_space<vmem_shared>> -> memref<56x128xf32, #tpu.memory_space<vmem_shared>>
    %dma_wait3A_136 = arith.constant 0 : i32
    %dma_wait3A_137 = tpu.memref_slice %arg8[%multiple_of3A_25, %dma_wait3A_136] : memref<5008x128xf32, #tpu.memory_space<vmem_shared>> -> memref<56x128xf32, #tpu.memory_space<vmem_shared>>
    %dma_wait3A_138 = arith.constant 0 : i32
    %dma_wait3A_139 = arith.constant 0 : i32
    %dma_wait3A_140 = tpu.memref_slice %arg5[%dma_wait3A_126, %dma_wait3A_138, %dma_wait3A_139] : memref<4x128x128xf32, #tpu.memory_space<vmem>> -> memref<1x128x128xf32, #tpu.memory_space<vmem>>
    %dma_wait3A_141 = tpu.memref_squeeze %dma_wait3A_140 : memref<1x128x128xf32, #tpu.memory_space<vmem>> -> memref<128x128xf32, #tpu.memory_space<vmem>>
    %dma_wait3A_142 = arith.constant 0 : i32
    %dma_wait3A_143 = arith.constant 0 : i32
    %dma_wait3A_144 = tpu.memref_slice %dma_wait3A_141[%dma_wait3A_142, %dma_wait3A_143] : memref<128x128xf32, #tpu.memory_space<vmem>> -> memref<56x128xf32, #tpu.memory_space<vmem>>
    tpu.wait_dma2 semaphore(%arg13 : memref<!tpu.dma_semaphore, #tpu.memory_space<semaphore_mem>>) src(%dma_wait3A_144 : memref<56x128xf32, #tpu.memory_space<vmem>>) dst(%dma_wait3A_137 : memref<56x128xf32, #tpu.memory_space<vmem_shared>>)
    %jit3A_145 = arith.constant 8 : i32
    %eq3A_146 = arith.constant 0 : i32
    %eq3A_147 = arith.cmpi eq, %jit3A_145, %eq3A_146 : i32
    %jit3A_148 = arith.constant 1 : i32
    %select_n3A_149 = arith.select %eq3A_147, %jit3A_148, %jit3A_145 : i32
    %rem3A_150 = arith.remsi %arg1, %select_n3A_149 : i32
    %ne3A_151 = arith.constant 0 : i32
    %ne3A_152 = arith.cmpi ne, %rem3A_150, %ne3A_151 : i32
    %lt3A_153 = arith.constant 0 : i32
    %lt3A_154 = arith.cmpi slt, %rem3A_150, %lt3A_153 : i32
    %lt3A_155 = arith.constant 0 : i32
    %lt3A_156 = arith.cmpi slt, %select_n3A_149, %lt3A_155 : i32
    %ne3A_157 = arith.xori %lt3A_154, %lt3A_156 : i1
    %and3A_158 = arith.andi %ne3A_157, %ne3A_152 : i1
    %add3A_159 = arith.addi %rem3A_150, %select_n3A_149 : i32
    %select_n3A_160 = arith.select %and3A_158, %add3A_159, %rem3A_150 : i32
    %eq3A_161 = arith.constant 7 : i32
    %eq3A_162 = arith.cmpi eq, %select_n3A_160, %eq3A_161 : i32
    %convert_element_type3A_163 = arith.extui %eq3A_162 : i1 to i32
    %cond3A_164 = arith.constant 0 : i32
    %cond3A_165 = arith.constant 0 : i32
    %cond3A_166 = arith.cmpi ne, %convert_element_type3A_163, %cond3A_165 : i32
    scf.if %cond3A_166 {
      %add3A_292 = arith.constant 312 : i32
      %add3A_293 = arith.addi %multiple_of3A, %add3A_292 : i32
      %multiple_of3A_294 = tpu.assume_multiple %add3A_293, 8 : i32
      %dma_wait3A_295 = arith.constant 0 : i32
      %dma_wait3A_296 = arith.constant 0 : i32
      %dma_wait3A_297 = tpu.memref_slice %arg5[%cond3A_164, %dma_wait3A_295, %dma_wait3A_296] : memref<4x128x128xf32, #tpu.memory_space<vmem>> -> memref<1x128x128xf32, #tpu.memory_space<vmem>>
      %dma_wait3A_298 = tpu.memref_squeeze %dma_wait3A_297 : memref<1x128x128xf32, #tpu.memory_space<vmem>> -> memref<128x128xf32, #tpu.memory_space<vmem>>
      %dma_wait3A_299 = arith.constant 0 : i32
      %dma_wait3A_300 = arith.constant 0 : i32
      %dma_wait3A_301 = tpu.memref_slice %dma_wait3A_298[%dma_wait3A_299, %dma_wait3A_300] : memref<128x128xf32, #tpu.memory_space<vmem>> -> memref<8x128xf32, #tpu.memory_space<vmem>>
      %dma_wait3A_302 = arith.constant 0 : i32
      %dma_wait3A_303 = tpu.memref_slice %arg8[%multiple_of3A_294, %dma_wait3A_302] : memref<5008x128xf32, #tpu.memory_space<vmem_shared>> -> memref<8x128xf32, #tpu.memory_space<vmem_shared>>
      %dma_wait3A_304 = arith.constant 0 : i32
      %dma_wait3A_305 = tpu.memref_slice %arg8[%multiple_of3A_294, %dma_wait3A_304] : memref<5008x128xf32, #tpu.memory_space<vmem_shared>> -> memref<8x128xf32, #tpu.memory_space<vmem_shared>>
      %dma_wait3A_306 = arith.constant 0 : i32
      %dma_wait3A_307 = arith.constant 0 : i32
      %dma_wait3A_308 = tpu.memref_slice %arg5[%cond3A_164, %dma_wait3A_306, %dma_wait3A_307] : memref<4x128x128xf32, #tpu.memory_space<vmem>> -> memref<1x128x128xf32, #tpu.memory_space<vmem>>
      %dma_wait3A_309 = tpu.memref_squeeze %dma_wait3A_308 : memref<1x128x128xf32, #tpu.memory_space<vmem>> -> memref<128x128xf32, #tpu.memory_space<vmem>>
      %dma_wait3A_310 = arith.constant 0 : i32
      %dma_wait3A_311 = arith.constant 0 : i32
      %dma_wait3A_312 = tpu.memref_slice %dma_wait3A_309[%dma_wait3A_310, %dma_wait3A_311] : memref<128x128xf32, #tpu.memory_space<vmem>> -> memref<8x128xf32, #tpu.memory_space<vmem>>
      tpu.wait_dma2 semaphore(%arg13 : memref<!tpu.dma_semaphore, #tpu.memory_space<semaphore_mem>>) src(%dma_wait3A_312 : memref<8x128xf32, #tpu.memory_space<vmem>>) dst(%dma_wait3A_305 : memref<8x128xf32, #tpu.memory_space<vmem_shared>>)
    } else {
    }
    %mul3A_167 = arith.muli %arg0, %max3A_100 : i32
    %sub3A_168 = arith.constant 1 : i32
    %sub3A_169 = arith.subi %sub3A_168, %arg0 : i32
    %mul3A_170 = arith.muli %sub3A_169, %scan3A_96#1 : i32
    %sub3A_171 = arith.constant 2500 : i32
    %sub3A_172 = arith.subi %sub3A_171, %max3A_100 : i32
    %mul3A_173 = arith.muli %arg0, %sub3A_172 : i32
    %add3A_174 = arith.addi %mul3A_170, %mul3A_173 : i32
    %add3A_175 = arith.constant 16 : i32
    %add3A_176 = arith.addi %add3A_174, %add3A_175 : i32
    %sub3A_177 = arith.constant 1 : i32
    %sub3A_178 = arith.subi %add3A_176, %sub3A_177 : i32
    %jit3A_179 = arith.constant 16 : i32
    %div3A = arith.divsi %sub3A_178, %jit3A_179 : i32
    %sign3A = arith.constant 0 : i32
    %sign3A_180 = arith.cmpi sgt, %sub3A_178, %sign3A : i32
    %sign3A_181 = arith.extui %sign3A_180 : i1 to i32
    %sign3A_182 = arith.constant 0 : i32
    %sign3A_183 = arith.cmpi slt, %sub3A_178, %sign3A_182 : i32
    %sign3A_184 = arith.extui %sign3A_183 : i1 to i32
    %sign3A_185 = arith.subi %sign3A_181, %sign3A_184 : i32
    %sign3A_186 = arith.constant 0 : i32
    %sign3A_187 = arith.cmpi sgt, %jit3A_179, %sign3A_186 : i32
    %sign3A_188 = arith.extui %sign3A_187 : i1 to i32
    %sign3A_189 = arith.constant 0 : i32
    %sign3A_190 = arith.cmpi slt, %jit3A_179, %sign3A_189 : i32
    %sign3A_191 = arith.extui %sign3A_190 : i1 to i32
    %sign3A_192 = arith.subi %sign3A_188, %sign3A_191 : i32
    %ne3A_193 = arith.cmpi ne, %sign3A_185, %sign3A_192 : i32
    %rem3A_194 = arith.remsi %sub3A_178, %jit3A_179 : i32
    %ne3A_195 = arith.constant 0 : i32
    %ne3A_196 = arith.cmpi ne, %rem3A_194, %ne3A_195 : i32
    %and3A_197 = arith.andi %ne3A_193, %ne3A_196 : i1
    %sub3A_198 = arith.constant 1 : i32
    %sub3A_199 = arith.subi %div3A, %sub3A_198 : i32
    %select_n3A_200 = arith.select %and3A_197, %sub3A_199, %div3A : i32
    %mul3A_201 = arith.muli %arg1, %select_n3A_200 : i32
    %sub3A_202 = arith.subi %add3A_174, %mul3A_201 : i32
    %max3A_203 = arith.constant 0 : i32
    %max3A_204 = arith.maxsi %sub3A_202, %max3A_203 : i32
    %min3A = arith.minsi %max3A_204, %select_n3A_200 : i32
    %barrier3A = arith.constant 0 : index
    tpu.barrier barrier_id(%barrier3A)
    %mul3A_205 = arith.constant 5000 : i32
    %mul3A_206 = arith.muli %arg0, %mul3A_205 : i32
    %gt3A = arith.constant 0 : i32
    %gt3A_207 = arith.cmpi sgt, %min3A, %gt3A : i32
    %convert_element_type3A_208 = arith.extui %gt3A_207 : i1 to i32
    %cond3A_209 = arith.constant 0 : i32
    %cond3A_210 = arith.cmpi ne, %convert_element_type3A_208, %cond3A_209 : i32
    scf.if %cond3A_210 {
      %add3A_292 = arith.addi %mul3A_167, %mul3A_201 : i32
      %add3A_293 = arith.constant 0 : i32
      %add3A_294 = arith.addi %add3A_292, %add3A_293 : i32
      %mul3A_295 = arith.constant 128 : i32
      %mul3A_296 = arith.muli %add3A_294, %mul3A_295 : i32
      %multiple_of3A_297 = tpu.assume_multiple %mul3A_296, 8 : i32
      %dma_start3A_298 = arith.constant 0 : i32
      %dma_start3A_299 = arith.constant 0 : i32
      %dma_start3A_300 = arith.constant 0 : i32
      %dma_start3A_301 = tpu.memref_slice %arg5[%dma_start3A_298, %dma_start3A_299, %dma_start3A_300] : memref<4x128x128xf32, #tpu.memory_space<vmem>> -> memref<1x128x128xf32, #tpu.memory_space<vmem>>
      %dma_start3A_302 = tpu.memref_squeeze %dma_start3A_301 : memref<1x128x128xf32, #tpu.memory_space<vmem>> -> memref<128x128xf32, #tpu.memory_space<vmem>>
      %dma_start3A_303 = arith.constant 0 : i32
      %dma_start3A_304 = tpu.memref_slice %arg2[%multiple_of3A_297, %dma_start3A_303] : memref<320000x128xf32, #tpu.memory_space<hbm>> -> memref<128x128xf32, #tpu.memory_space<hbm>>
      %dma_start3A_305 = arith.constant 0 : i32
      %dma_start3A_306 = arith.constant 0 : i32
      %dma_start3A_307 = tpu.memref_slice %arg5[%dma_start3A_298, %dma_start3A_305, %dma_start3A_306] : memref<4x128x128xf32, #tpu.memory_space<vmem>> -> memref<1x128x128xf32, #tpu.memory_space<vmem>>
      %dma_start3A_308 = tpu.memref_squeeze %dma_start3A_307 : memref<1x128x128xf32, #tpu.memory_space<vmem>> -> memref<128x128xf32, #tpu.memory_space<vmem>>
      %dma_start3A_309 = arith.constant 0 : i32
      %dma_start3A_310 = tpu.memref_slice %arg2[%multiple_of3A_297, %dma_start3A_309] : memref<320000x128xf32, #tpu.memory_space<hbm>> -> memref<128x128xf32, #tpu.memory_space<hbm>>
      tpu.enqueue_dma source(%dma_start3A_310 : memref<128x128xf32, #tpu.memory_space<hbm>>) target(%dma_start3A_308 : memref<128x128xf32, #tpu.memory_space<vmem>>) target_semaphore(%arg9 : memref<!tpu.dma_semaphore, #tpu.memory_space<semaphore_mem>>)
      %dma_start3A_311 = arith.constant 0 : i32
      %dma_start3A_312 = arith.constant 0 : i32
      %dma_start3A_313 = tpu.memref_slice %arg6[%dma_start3A_311, %dma_start3A_312] : memref<4x128xi32, #tpu.memory_space<vmem>> -> memref<1x128xi32, #tpu.memory_space<vmem>>
      %dma_start3A_314 = tpu.memref_squeeze %dma_start3A_313 : memref<1x128xi32, #tpu.memory_space<vmem>> -> memref<128xi32, #tpu.memory_space<vmem>>
      %dma_start3A_315 = tpu.memref_slice %arg3[%multiple_of3A_297] : memref<320000xi32, #tpu.memory_space<hbm>> -> memref<128xi32, #tpu.memory_space<hbm>>
      %dma_start3A_316 = arith.constant 0 : i32
      %dma_start3A_317 = tpu.memref_slice %arg6[%dma_start3A_311, %dma_start3A_316] : memref<4x128xi32, #tpu.memory_space<vmem>> -> memref<1x128xi32, #tpu.memory_space<vmem>>
      %dma_start3A_318 = tpu.memref_squeeze %dma_start3A_317 : memref<1x128xi32, #tpu.memory_space<vmem>> -> memref<128xi32, #tpu.memory_space<vmem>>
      %dma_start3A_319 = tpu.memref_slice %arg3[%multiple_of3A_297] : memref<320000xi32, #tpu.memory_space<hbm>> -> memref<128xi32, #tpu.memory_space<hbm>>
      tpu.enqueue_dma source(%dma_start3A_319 : memref<128xi32, #tpu.memory_space<hbm>>) target(%dma_start3A_318 : memref<128xi32, #tpu.memory_space<vmem>>) target_semaphore(%arg9 : memref<!tpu.dma_semaphore, #tpu.memory_space<semaphore_mem>>)
    } else {
    }
    %gt3A_211 = arith.constant 1 : i32
    %gt3A_212 = arith.cmpi sgt, %min3A, %gt3A_211 : i32
    %convert_element_type3A_213 = arith.extui %gt3A_212 : i1 to i32
    %cond3A_214 = arith.constant 0 : i32
    %cond3A_215 = arith.cmpi ne, %convert_element_type3A_213, %cond3A_214 : i32
    scf.if %cond3A_215 {
      %add3A_292 = arith.addi %mul3A_167, %mul3A_201 : i32
      %add3A_293 = arith.constant 1 : i32
      %add3A_294 = arith.addi %add3A_292, %add3A_293 : i32
      %mul3A_295 = arith.constant 128 : i32
      %mul3A_296 = arith.muli %add3A_294, %mul3A_295 : i32
      %multiple_of3A_297 = tpu.assume_multiple %mul3A_296, 8 : i32
      %dma_start3A_298 = arith.constant 1 : i32
      %dma_start3A_299 = arith.constant 0 : i32
      %dma_start3A_300 = arith.constant 0 : i32
      %dma_start3A_301 = tpu.memref_slice %arg5[%dma_start3A_298, %dma_start3A_299, %dma_start3A_300] : memref<4x128x128xf32, #tpu.memory_space<vmem>> -> memref<1x128x128xf32, #tpu.memory_space<vmem>>
      %dma_start3A_302 = tpu.memref_squeeze %dma_start3A_301 : memref<1x128x128xf32, #tpu.memory_space<vmem>> -> memref<128x128xf32, #tpu.memory_space<vmem>>
      %dma_start3A_303 = arith.constant 0 : i32
      %dma_start3A_304 = tpu.memref_slice %arg2[%multiple_of3A_297, %dma_start3A_303] : memref<320000x128xf32, #tpu.memory_space<hbm>> -> memref<128x128xf32, #tpu.memory_space<hbm>>
      %dma_start3A_305 = arith.constant 0 : i32
      %dma_start3A_306 = arith.constant 0 : i32
      %dma_start3A_307 = tpu.memref_slice %arg5[%dma_start3A_298, %dma_start3A_305, %dma_start3A_306] : memref<4x128x128xf32, #tpu.memory_space<vmem>> -> memref<1x128x128xf32, #tpu.memory_space<vmem>>
      %dma_start3A_308 = tpu.memref_squeeze %dma_start3A_307 : memref<1x128x128xf32, #tpu.memory_space<vmem>> -> memref<128x128xf32, #tpu.memory_space<vmem>>
      %dma_start3A_309 = arith.constant 0 : i32
      %dma_start3A_310 = tpu.memref_slice %arg2[%multiple_of3A_297, %dma_start3A_309] : memref<320000x128xf32, #tpu.memory_space<hbm>> -> memref<128x128xf32, #tpu.memory_space<hbm>>
      tpu.enqueue_dma source(%dma_start3A_310 : memref<128x128xf32, #tpu.memory_space<hbm>>) target(%dma_start3A_308 : memref<128x128xf32, #tpu.memory_space<vmem>>) target_semaphore(%arg10 : memref<!tpu.dma_semaphore, #tpu.memory_space<semaphore_mem>>)
      %dma_start3A_311 = arith.constant 1 : i32
      %dma_start3A_312 = arith.constant 0 : i32
      %dma_start3A_313 = tpu.memref_slice %arg6[%dma_start3A_311, %dma_start3A_312] : memref<4x128xi32, #tpu.memory_space<vmem>> -> memref<1x128xi32, #tpu.memory_space<vmem>>
      %dma_start3A_314 = tpu.memref_squeeze %dma_start3A_313 : memref<1x128xi32, #tpu.memory_space<vmem>> -> memref<128xi32, #tpu.memory_space<vmem>>
      %dma_start3A_315 = tpu.memref_slice %arg3[%multiple_of3A_297] : memref<320000xi32, #tpu.memory_space<hbm>> -> memref<128xi32, #tpu.memory_space<hbm>>
      %dma_start3A_316 = arith.constant 0 : i32
      %dma_start3A_317 = tpu.memref_slice %arg6[%dma_start3A_311, %dma_start3A_316] : memref<4x128xi32, #tpu.memory_space<vmem>> -> memref<1x128xi32, #tpu.memory_space<vmem>>
      %dma_start3A_318 = tpu.memref_squeeze %dma_start3A_317 : memref<1x128xi32, #tpu.memory_space<vmem>> -> memref<128xi32, #tpu.memory_space<vmem>>
      %dma_start3A_319 = tpu.memref_slice %arg3[%multiple_of3A_297] : memref<320000xi32, #tpu.memory_space<hbm>> -> memref<128xi32, #tpu.memory_space<hbm>>
      tpu.enqueue_dma source(%dma_start3A_319 : memref<128xi32, #tpu.memory_space<hbm>>) target(%dma_start3A_318 : memref<128xi32, #tpu.memory_space<vmem>>) target_semaphore(%arg10 : memref<!tpu.dma_semaphore, #tpu.memory_space<semaphore_mem>>)
    } else {
    }
    %gt3A_216 = arith.constant 2 : i32
    %gt3A_217 = arith.cmpi sgt, %min3A, %gt3A_216 : i32
    %convert_element_type3A_218 = arith.extui %gt3A_217 : i1 to i32
    %cond3A_219 = arith.constant 0 : i32
    %cond3A_220 = arith.cmpi ne, %convert_element_type3A_218, %cond3A_219 : i32
    scf.if %cond3A_220 {
      %add3A_292 = arith.addi %mul3A_167, %mul3A_201 : i32
      %add3A_293 = arith.constant 2 : i32
      %add3A_294 = arith.addi %add3A_292, %add3A_293 : i32
      %mul3A_295 = arith.constant 128 : i32
      %mul3A_296 = arith.muli %add3A_294, %mul3A_295 : i32
      %multiple_of3A_297 = tpu.assume_multiple %mul3A_296, 8 : i32
      %dma_start3A_298 = arith.constant 2 : i32
      %dma_start3A_299 = arith.constant 0 : i32
      %dma_start3A_300 = arith.constant 0 : i32
      %dma_start3A_301 = tpu.memref_slice %arg5[%dma_start3A_298, %dma_start3A_299, %dma_start3A_300] : memref<4x128x128xf32, #tpu.memory_space<vmem>> -> memref<1x128x128xf32, #tpu.memory_space<vmem>>
      %dma_start3A_302 = tpu.memref_squeeze %dma_start3A_301 : memref<1x128x128xf32, #tpu.memory_space<vmem>> -> memref<128x128xf32, #tpu.memory_space<vmem>>
      %dma_start3A_303 = arith.constant 0 : i32
      %dma_start3A_304 = tpu.memref_slice %arg2[%multiple_of3A_297, %dma_start3A_303] : memref<320000x128xf32, #tpu.memory_space<hbm>> -> memref<128x128xf32, #tpu.memory_space<hbm>>
      %dma_start3A_305 = arith.constant 0 : i32
      %dma_start3A_306 = arith.constant 0 : i32
      %dma_start3A_307 = tpu.memref_slice %arg5[%dma_start3A_298, %dma_start3A_305, %dma_start3A_306] : memref<4x128x128xf32, #tpu.memory_space<vmem>> -> memref<1x128x128xf32, #tpu.memory_space<vmem>>
      %dma_start3A_308 = tpu.memref_squeeze %dma_start3A_307 : memref<1x128x128xf32, #tpu.memory_space<vmem>> -> memref<128x128xf32, #tpu.memory_space<vmem>>
      %dma_start3A_309 = arith.constant 0 : i32
      %dma_start3A_310 = tpu.memref_slice %arg2[%multiple_of3A_297, %dma_start3A_309] : memref<320000x128xf32, #tpu.memory_space<hbm>> -> memref<128x128xf32, #tpu.memory_space<hbm>>
      tpu.enqueue_dma source(%dma_start3A_310 : memref<128x128xf32, #tpu.memory_space<hbm>>) target(%dma_start3A_308 : memref<128x128xf32, #tpu.memory_space<vmem>>) target_semaphore(%arg11 : memref<!tpu.dma_semaphore, #tpu.memory_space<semaphore_mem>>)
      %dma_start3A_311 = arith.constant 2 : i32
      %dma_start3A_312 = arith.constant 0 : i32
      %dma_start3A_313 = tpu.memref_slice %arg6[%dma_start3A_311, %dma_start3A_312] : memref<4x128xi32, #tpu.memory_space<vmem>> -> memref<1x128xi32, #tpu.memory_space<vmem>>
      %dma_start3A_314 = tpu.memref_squeeze %dma_start3A_313 : memref<1x128xi32, #tpu.memory_space<vmem>> -> memref<128xi32, #tpu.memory_space<vmem>>
      %dma_start3A_315 = tpu.memref_slice %arg3[%multiple_of3A_297] : memref<320000xi32, #tpu.memory_space<hbm>> -> memref<128xi32, #tpu.memory_space<hbm>>
      %dma_start3A_316 = arith.constant 0 : i32
      %dma_start3A_317 = tpu.memref_slice %arg6[%dma_start3A_311, %dma_start3A_316] : memref<4x128xi32, #tpu.memory_space<vmem>> -> memref<1x128xi32, #tpu.memory_space<vmem>>
      %dma_start3A_318 = tpu.memref_squeeze %dma_start3A_317 : memref<1x128xi32, #tpu.memory_space<vmem>> -> memref<128xi32, #tpu.memory_space<vmem>>
      %dma_start3A_319 = tpu.memref_slice %arg3[%multiple_of3A_297] : memref<320000xi32, #tpu.memory_space<hbm>> -> memref<128xi32, #tpu.memory_space<hbm>>
      tpu.enqueue_dma source(%dma_start3A_319 : memref<128xi32, #tpu.memory_space<hbm>>) target(%dma_start3A_318 : memref<128xi32, #tpu.memory_space<vmem>>) target_semaphore(%arg11 : memref<!tpu.dma_semaphore, #tpu.memory_space<semaphore_mem>>)
    } else {
    }
    %gt3A_221 = arith.constant 3 : i32
    %gt3A_222 = arith.cmpi sgt, %min3A, %gt3A_221 : i32
    %convert_element_type3A_223 = arith.extui %gt3A_222 : i1 to i32
    %cond3A_224 = arith.constant 0 : i32
    %cond3A_225 = arith.cmpi ne, %convert_element_type3A_223, %cond3A_224 : i32
    scf.if %cond3A_225 {
      %add3A_292 = arith.addi %mul3A_167, %mul3A_201 : i32
      %add3A_293 = arith.constant 3 : i32
      %add3A_294 = arith.addi %add3A_292, %add3A_293 : i32
      %mul3A_295 = arith.constant 128 : i32
      %mul3A_296 = arith.muli %add3A_294, %mul3A_295 : i32
      %multiple_of3A_297 = tpu.assume_multiple %mul3A_296, 8 : i32
      %dma_start3A_298 = arith.constant 3 : i32
      %dma_start3A_299 = arith.constant 0 : i32
      %dma_start3A_300 = arith.constant 0 : i32
      %dma_start3A_301 = tpu.memref_slice %arg5[%dma_start3A_298, %dma_start3A_299, %dma_start3A_300] : memref<4x128x128xf32, #tpu.memory_space<vmem>> -> memref<1x128x128xf32, #tpu.memory_space<vmem>>
      %dma_start3A_302 = tpu.memref_squeeze %dma_start3A_301 : memref<1x128x128xf32, #tpu.memory_space<vmem>> -> memref<128x128xf32, #tpu.memory_space<vmem>>
      %dma_start3A_303 = arith.constant 0 : i32
      %dma_start3A_304 = tpu.memref_slice %arg2[%multiple_of3A_297, %dma_start3A_303] : memref<320000x128xf32, #tpu.memory_space<hbm>> -> memref<128x128xf32, #tpu.memory_space<hbm>>
      %dma_start3A_305 = arith.constant 0 : i32
      %dma_start3A_306 = arith.constant 0 : i32
      %dma_start3A_307 = tpu.memref_slice %arg5[%dma_start3A_298, %dma_start3A_305, %dma_start3A_306] : memref<4x128x128xf32, #tpu.memory_space<vmem>> -> memref<1x128x128xf32, #tpu.memory_space<vmem>>
      %dma_start3A_308 = tpu.memref_squeeze %dma_start3A_307 : memref<1x128x128xf32, #tpu.memory_space<vmem>> -> memref<128x128xf32, #tpu.memory_space<vmem>>
      %dma_start3A_309 = arith.constant 0 : i32
      %dma_start3A_310 = tpu.memref_slice %arg2[%multiple_of3A_297, %dma_start3A_309] : memref<320000x128xf32, #tpu.memory_space<hbm>> -> memref<128x128xf32, #tpu.memory_space<hbm>>
      tpu.enqueue_dma source(%dma_start3A_310 : memref<128x128xf32, #tpu.memory_space<hbm>>) target(%dma_start3A_308 : memref<128x128xf32, #tpu.memory_space<vmem>>) target_semaphore(%arg12 : memref<!tpu.dma_semaphore, #tpu.memory_space<semaphore_mem>>)
      %dma_start3A_311 = arith.constant 3 : i32
      %dma_start3A_312 = arith.constant 0 : i32
      %dma_start3A_313 = tpu.memref_slice %arg6[%dma_start3A_311, %dma_start3A_312] : memref<4x128xi32, #tpu.memory_space<vmem>> -> memref<1x128xi32, #tpu.memory_space<vmem>>
      %dma_start3A_314 = tpu.memref_squeeze %dma_start3A_313 : memref<1x128xi32, #tpu.memory_space<vmem>> -> memref<128xi32, #tpu.memory_space<vmem>>
      %dma_start3A_315 = tpu.memref_slice %arg3[%multiple_of3A_297] : memref<320000xi32, #tpu.memory_space<hbm>> -> memref<128xi32, #tpu.memory_space<hbm>>
      %dma_start3A_316 = arith.constant 0 : i32
      %dma_start3A_317 = tpu.memref_slice %arg6[%dma_start3A_311, %dma_start3A_316] : memref<4x128xi32, #tpu.memory_space<vmem>> -> memref<1x128xi32, #tpu.memory_space<vmem>>
      %dma_start3A_318 = tpu.memref_squeeze %dma_start3A_317 : memref<1x128xi32, #tpu.memory_space<vmem>> -> memref<128xi32, #tpu.memory_space<vmem>>
      %dma_start3A_319 = tpu.memref_slice %arg3[%multiple_of3A_297] : memref<320000xi32, #tpu.memory_space<hbm>> -> memref<128xi32, #tpu.memory_space<hbm>>
      tpu.enqueue_dma source(%dma_start3A_319 : memref<128xi32, #tpu.memory_space<hbm>>) target(%dma_start3A_318 : memref<128xi32, #tpu.memory_space<vmem>>) target_semaphore(%arg12 : memref<!tpu.dma_semaphore, #tpu.memory_space<semaphore_mem>>)
    } else {
    }
    %add3A_226 = arith.constant 4 : i32
    %add3A_227 = arith.addi %select_n3A_200, %add3A_226 : i32
    %sub3A_228 = arith.constant 1 : i32
    %sub3A_229 = arith.subi %add3A_227, %sub3A_228 : i32
    %jit3A_230 = arith.constant 4 : i32
    %div3A_231 = arith.divsi %sub3A_229, %jit3A_230 : i32
    %sign3A_232 = arith.constant 0 : i32
    %sign3A_233 = arith.cmpi sgt, %sub3A_229, %sign3A_232 : i32
    %sign3A_234 = arith.extui %sign3A_233 : i1 to i32
    %sign3A_235 = arith.constant 0 : i32
    %sign3A_236 = arith.cmpi slt, %sub3A_229, %sign3A_235 : i32
    %sign3A_237 = arith.extui %sign3A_236 : i1 to i32
    %sign3A_238 = arith.subi %sign3A_234, %sign3A_237 : i32
    %sign3A_239 = arith.constant 0 : i32
    %sign3A_240 = arith.cmpi sgt, %jit3A_230, %sign3A_239 : i32
    %sign3A_241 = arith.extui %sign3A_240 : i1 to i32
    %sign3A_242 = arith.constant 0 : i32
    %sign3A_243 = arith.cmpi slt, %jit3A_230, %sign3A_242 : i32
    %sign3A_244 = arith.extui %sign3A_243 : i1 to i32
    %sign3A_245 = arith.subi %sign3A_241, %sign3A_244 : i32
    %ne3A_246 = arith.cmpi ne, %sign3A_238, %sign3A_245 : i32
    %rem3A_247 = arith.remsi %sub3A_229, %jit3A_230 : i32
    %ne3A_248 = arith.constant 0 : i32
    %ne3A_249 = arith.cmpi ne, %rem3A_247, %ne3A_248 : i32
    %and3A_250 = arith.andi %ne3A_246, %ne3A_249 : i1
    %sub3A_251 = arith.constant 1 : i32
    %sub3A_252 = arith.subi %div3A_231, %sub3A_251 : i32
    %select_n3A_253 = arith.select %and3A_250, %sub3A_252, %div3A_231 : i32
    %while3A = arith.constant 0 : i32
    %while3A_254 = arith.constant 0 : i32
    %while3A_255 = arith.subi %select_n3A_253, %while3A_254 : i32
    %while3A_256 = arith.addi %while3A_254, %while3A_255 : i32
    %while3A_257 = arith.constant 1 : i32
    %while3A_258 = arith.divsi %while3A_255, %while3A_257 : i32
    %while3A_259 = arith.muli %while3A_258, %while3A_257 : i32
    %while3A_260 = arith.addi %while3A_254, %while3A_259 : i32
    %while3A_261 = arith.constant 1 : i32
    scf.for %while3A_292 = %while3A_254 to %while3A_260 step %while3A_261  : i32 {
      %mul3A_293 = arith.constant 4 : i32
      %mul3A_294 = arith.muli %while3A_292, %mul3A_293 : i32
      %add3A_295 = arith.constant 0 : i32
      %add3A_296 = arith.addi %mul3A_294, %add3A_295 : i32
      %lt3A_297 = arith.cmpi slt, %add3A_296, %min3A : i32
      %convert_element_type3A_298 = arith.extui %lt3A_297 : i1 to i32
      %cond3A_299 = arith.constant 0 : i32
      %cond3A_300 = arith.cmpi ne, %convert_element_type3A_298, %cond3A_299 : i32
      scf.if %cond3A_300 {
        %add3A_325 = arith.addi %mul3A_167, %mul3A_201 : i32
        %add3A_326 = arith.addi %add3A_325, %add3A_296 : i32
        %mul3A_327 = arith.constant 128 : i32
        %mul3A_328 = arith.muli %add3A_326, %mul3A_327 : i32
        %multiple_of3A_329 = tpu.assume_multiple %mul3A_328, 8 : i32
        %dma_wait3A_330 = arith.constant 0 : i32
        %dma_wait3A_331 = arith.constant 0 : i32
        %dma_wait3A_332 = arith.constant 0 : i32
        %dma_wait3A_333 = tpu.memref_slice %arg5[%dma_wait3A_330, %dma_wait3A_331, %dma_wait3A_332] : memref<4x128x128xf32, #tpu.memory_space<vmem>> -> memref<1x128x128xf32, #tpu.memory_space<vmem>>
        %dma_wait3A_334 = tpu.memref_squeeze %dma_wait3A_333 : memref<1x128x128xf32, #tpu.memory_space<vmem>> -> memref<128x128xf32, #tpu.memory_space<vmem>>
        %dma_wait3A_335 = arith.constant 0 : i32
        %dma_wait3A_336 = tpu.memref_slice %arg2[%multiple_of3A_329, %dma_wait3A_335] : memref<320000x128xf32, #tpu.memory_space<hbm>> -> memref<128x128xf32, #tpu.memory_space<hbm>>
        %dma_wait3A_337 = arith.constant 0 : i32
        %dma_wait3A_338 = arith.constant 0 : i32
        %dma_wait3A_339 = tpu.memref_slice %arg5[%dma_wait3A_330, %dma_wait3A_337, %dma_wait3A_338] : memref<4x128x128xf32, #tpu.memory_space<vmem>> -> memref<1x128x128xf32, #tpu.memory_space<vmem>>
        %dma_wait3A_340 = tpu.memref_squeeze %dma_wait3A_339 : memref<1x128x128xf32, #tpu.memory_space<vmem>> -> memref<128x128xf32, #tpu.memory_space<vmem>>
        %dma_wait3A_341 = arith.constant 0 : i32
        %dma_wait3A_342 = tpu.memref_slice %arg2[%multiple_of3A_329, %dma_wait3A_341] : memref<320000x128xf32, #tpu.memory_space<hbm>> -> memref<128x128xf32, #tpu.memory_space<hbm>>
        tpu.wait_dma2 semaphore(%arg9 : memref<!tpu.dma_semaphore, #tpu.memory_space<semaphore_mem>>) src(%dma_wait3A_342 : memref<128x128xf32, #tpu.memory_space<hbm>>) dst(%dma_wait3A_340 : memref<128x128xf32, #tpu.memory_space<vmem>>)
        %dma_wait3A_343 = arith.constant 0 : i32
        %dma_wait3A_344 = arith.constant 0 : i32
        %dma_wait3A_345 = tpu.memref_slice %arg6[%dma_wait3A_343, %dma_wait3A_344] : memref<4x128xi32, #tpu.memory_space<vmem>> -> memref<1x128xi32, #tpu.memory_space<vmem>>
        %dma_wait3A_346 = tpu.memref_squeeze %dma_wait3A_345 : memref<1x128xi32, #tpu.memory_space<vmem>> -> memref<128xi32, #tpu.memory_space<vmem>>
        %dma_wait3A_347 = tpu.memref_slice %arg3[%multiple_of3A_329] : memref<320000xi32, #tpu.memory_space<hbm>> -> memref<128xi32, #tpu.memory_space<hbm>>
        %dma_wait3A_348 = arith.constant 0 : i32
        %dma_wait3A_349 = tpu.memref_slice %arg6[%dma_wait3A_343, %dma_wait3A_348] : memref<4x128xi32, #tpu.memory_space<vmem>> -> memref<1x128xi32, #tpu.memory_space<vmem>>
        %dma_wait3A_350 = tpu.memref_squeeze %dma_wait3A_349 : memref<1x128xi32, #tpu.memory_space<vmem>> -> memref<128xi32, #tpu.memory_space<vmem>>
        %dma_wait3A_351 = tpu.memref_slice %arg3[%multiple_of3A_329] : memref<320000xi32, #tpu.memory_space<hbm>> -> memref<128xi32, #tpu.memory_space<hbm>>
        tpu.wait_dma2 semaphore(%arg9 : memref<!tpu.dma_semaphore, #tpu.memory_space<semaphore_mem>>) src(%dma_wait3A_351 : memref<128xi32, #tpu.memory_space<hbm>>) dst(%dma_wait3A_350 : memref<128xi32, #tpu.memory_space<vmem>>)
        %get3A = arith.constant 0 : i32
        %get3A_352 = arith.index_cast %get3A : i32 to index
        %get3A_353 = arith.constant 0 : index
        %get3A_354 = tpu.vector_load %arg6[%get3A_352, %get3A_353] {strides = array<i32>} : memref<4x128xi32, #tpu.memory_space<vmem>>, vector<1x16xi32>,
        %get3A_355 = vector.shape_cast %get3A_354 : vector<1x16xi32> to vector<16xi32>
        %sub3A_356 = vector.broadcast %mul3A_206 : i32 to vector<16xi32>
        %sub3A_357 = arith.subi %get3A_355, %sub3A_356 : vector<16xi32>
        %lt3A_358 = arith.constant 0 : i32
        %lt3A_359 = vector.broadcast %lt3A_358 : i32 to vector<16xi32>
        %lt3A_360 = arith.cmpi slt, %sub3A_357, %lt3A_359 : vector<16xi32>
        %ge3A = arith.constant 5000 : i32
        %ge3A_361 = vector.broadcast %ge3A : i32 to vector<16xi32>
        %ge3A_362 = arith.cmpi sge, %sub3A_357, %ge3A_361 : vector<16xi32>
        %or3A = arith.ori %lt3A_360, %ge3A_362 : vector<16xi1>
        %jit3A_363 = arith.constant 5000 : i32
        %broadcast_in_dim3A_364 = vector.broadcast %jit3A_363 : i32 to vector<16xi32>
        %select_n3A_365 = arith.select %or3A, %broadcast_in_dim3A_364, %sub3A_357 : vector<16xi1>, vector<16xi32>
        %swap3A = arith.constant 0 : i32
        %swap3A_366 = arith.index_cast %swap3A : i32 to index
        %swap3A_367 = arith.constant 0 : index
        %swap3A_368 = tpu.vector_load %arg6[%swap3A_366, %swap3A_367] {strides = array<i32>} : memref<4x128xi32, #tpu.memory_space<vmem>>, vector<1x16xi32>,
        %swap3A_369 = vector.shape_cast %swap3A_368 : vector<1x16xi32> to vector<16xi32>
        %swap3A_370 = vector.shape_cast %select_n3A_365 : vector<16xi32> to vector<1x16xi32>
        tpu.vector_store %arg6[%swap3A_366, %swap3A_367], %swap3A_370 {strides = array<i32>} : memref<4x128xi32, #tpu.memory_space<vmem>>, vector<1x16xi32>,
        %get3A_371 = arith.constant 0 : i32
        %get3A_372 = arith.index_cast %get3A_371 : i32 to index
        %get3A_373 = arith.constant 16 : index
        %get3A_374 = tpu.vector_load %arg6[%get3A_372, %get3A_373] {strides = array<i32>} : memref<4x128xi32, #tpu.memory_space<vmem>>, vector<1x16xi32>,
        %get3A_375 = vector.shape_cast %get3A_374 : vector<1x16xi32> to vector<16xi32>
        %sub3A_376 = vector.broadcast %mul3A_206 : i32 to vector<16xi32>
        %sub3A_377 = arith.subi %get3A_375, %sub3A_376 : vector<16xi32>
        %lt3A_378 = arith.constant 0 : i32
        %lt3A_379 = vector.broadcast %lt3A_378 : i32 to vector<16xi32>
        %lt3A_380 = arith.cmpi slt, %sub3A_377, %lt3A_379 : vector<16xi32>
        %ge3A_381 = arith.constant 5000 : i32
        %ge3A_382 = vector.broadcast %ge3A_381 : i32 to vector<16xi32>
        %ge3A_383 = arith.cmpi sge, %sub3A_377, %ge3A_382 : vector<16xi32>
        %or3A_384 = arith.ori %lt3A_380, %ge3A_383 : vector<16xi1>
        %jit3A_385 = arith.constant 5000 : i32
        %broadcast_in_dim3A_386 = vector.broadcast %jit3A_385 : i32 to vector<16xi32>
        %select_n3A_387 = arith.select %or3A_384, %broadcast_in_dim3A_386, %sub3A_377 : vector<16xi1>, vector<16xi32>
        %swap3A_388 = arith.constant 0 : i32
        %swap3A_389 = arith.index_cast %swap3A_388 : i32 to index
        %swap3A_390 = arith.constant 16 : index
        %swap3A_391 = tpu.vector_load %arg6[%swap3A_389, %swap3A_390] {strides = array<i32>} : memref<4x128xi32, #tpu.memory_space<vmem>>, vector<1x16xi32>,
        %swap3A_392 = vector.shape_cast %swap3A_391 : vector<1x16xi32> to vector<16xi32>
        %swap3A_393 = vector.shape_cast %select_n3A_387 : vector<16xi32> to vector<1x16xi32>
        tpu.vector_store %arg6[%swap3A_389, %swap3A_390], %swap3A_393 {strides = array<i32>} : memref<4x128xi32, #tpu.memory_space<vmem>>, vector<1x16xi32>,
        %get3A_394 = arith.constant 0 : i32
        %get3A_395 = arith.index_cast %get3A_394 : i32 to index
        %get3A_396 = arith.constant 32 : index
        %get3A_397 = tpu.vector_load %arg6[%get3A_395, %get3A_396] {strides = array<i32>} : memref<4x128xi32, #tpu.memory_space<vmem>>, vector<1x16xi32>,
        %get3A_398 = vector.shape_cast %get3A_397 : vector<1x16xi32> to vector<16xi32>
        %sub3A_399 = vector.broadcast %mul3A_206 : i32 to vector<16xi32>
        %sub3A_400 = arith.subi %get3A_398, %sub3A_399 : vector<16xi32>
        %lt3A_401 = arith.constant 0 : i32
        %lt3A_402 = vector.broadcast %lt3A_401 : i32 to vector<16xi32>
        %lt3A_403 = arith.cmpi slt, %sub3A_400, %lt3A_402 : vector<16xi32>
        %ge3A_404 = arith.constant 5000 : i32
        %ge3A_405 = vector.broadcast %ge3A_404 : i32 to vector<16xi32>
        %ge3A_406 = arith.cmpi sge, %sub3A_400, %ge3A_405 : vector<16xi32>
        %or3A_407 = arith.ori %lt3A_403, %ge3A_406 : vector<16xi1>
        %jit3A_408 = arith.constant 5000 : i32
        %broadcast_in_dim3A_409 = vector.broadcast %jit3A_408 : i32 to vector<16xi32>
        %select_n3A_410 = arith.select %or3A_407, %broadcast_in_dim3A_409, %sub3A_400 : vector<16xi1>, vector<16xi32>
        %swap3A_411 = arith.constant 0 : i32
        %swap3A_412 = arith.index_cast %swap3A_411 : i32 to index
        %swap3A_413 = arith.constant 32 : index
        %swap3A_414 = tpu.vector_load %arg6[%swap3A_412, %swap3A_413] {strides = array<i32>} : memref<4x128xi32, #tpu.memory_space<vmem>>, vector<1x16xi32>,
        %swap3A_415 = vector.shape_cast %swap3A_414 : vector<1x16xi32> to vector<16xi32>
        %swap3A_416 = vector.shape_cast %select_n3A_410 : vector<16xi32> to vector<1x16xi32>
        tpu.vector_store %arg6[%swap3A_412, %swap3A_413], %swap3A_416 {strides = array<i32>} : memref<4x128xi32, #tpu.memory_space<vmem>>, vector<1x16xi32>,
        %get3A_417 = arith.constant 0 : i32
        %get3A_418 = arith.index_cast %get3A_417 : i32 to index
        %get3A_419 = arith.constant 48 : index
        %get3A_420 = tpu.vector_load %arg6[%get3A_418, %get3A_419] {strides = array<i32>} : memref<4x128xi32, #tpu.memory_space<vmem>>, vector<1x16xi32>,
        %get3A_421 = vector.shape_cast %get3A_420 : vector<1x16xi32> to vector<16xi32>
        %sub3A_422 = vector.broadcast %mul3A_206 : i32 to vector<16xi32>
        %sub3A_423 = arith.subi %get3A_421, %sub3A_422 : vector<16xi32>
        %lt3A_424 = arith.constant 0 : i32
        %lt3A_425 = vector.broadcast %lt3A_424 : i32 to vector<16xi32>
        %lt3A_426 = arith.cmpi slt, %sub3A_423, %lt3A_425 : vector<16xi32>
        %ge3A_427 = arith.constant 5000 : i32
        %ge3A_428 = vector.broadcast %ge3A_427 : i32 to vector<16xi32>
        %ge3A_429 = arith.cmpi sge, %sub3A_423, %ge3A_428 : vector<16xi32>
        %or3A_430 = arith.ori %lt3A_426, %ge3A_429 : vector<16xi1>
        %jit3A_431 = arith.constant 5000 : i32
        %broadcast_in_dim3A_432 = vector.broadcast %jit3A_431 : i32 to vector<16xi32>
        %select_n3A_433 = arith.select %or3A_430, %broadcast_in_dim3A_432, %sub3A_423 : vector<16xi1>, vector<16xi32>
        %swap3A_434 = arith.constant 0 : i32
        %swap3A_435 = arith.index_cast %swap3A_434 : i32 to index
        %swap3A_436 = arith.constant 48 : index
        %swap3A_437 = tpu.vector_load %arg6[%swap3A_435, %swap3A_436] {strides = array<i32>} : memref<4x128xi32, #tpu.memory_space<vmem>>, vector<1x16xi32>,
        %swap3A_438 = vector.shape_cast %swap3A_437 : vector<1x16xi32> to vector<16xi32>
        %swap3A_439 = vector.shape_cast %select_n3A_433 : vector<16xi32> to vector<1x16xi32>
        tpu.vector_store %arg6[%swap3A_435, %swap3A_436], %swap3A_439 {strides = array<i32>} : memref<4x128xi32, #tpu.memory_space<vmem>>, vector<1x16xi32>,
        %get3A_440 = arith.constant 0 : i32
        %get3A_441 = arith.index_cast %get3A_440 : i32 to index
        %get3A_442 = arith.constant 64 : index
        %get3A_443 = tpu.vector_load %arg6[%get3A_441, %get3A_442] {strides = array<i32>} : memref<4x128xi32, #tpu.memory_space<vmem>>, vector<1x16xi32>,
        %get3A_444 = vector.shape_cast %get3A_443 : vector<1x16xi32> to vector<16xi32>
        %sub3A_445 = vector.broadcast %mul3A_206 : i32 to vector<16xi32>
        %sub3A_446 = arith.subi %get3A_444, %sub3A_445 : vector<16xi32>
        %lt3A_447 = arith.constant 0 : i32
        %lt3A_448 = vector.broadcast %lt3A_447 : i32 to vector<16xi32>
        %lt3A_449 = arith.cmpi slt, %sub3A_446, %lt3A_448 : vector<16xi32>
        %ge3A_450 = arith.constant 5000 : i32
        %ge3A_451 = vector.broadcast %ge3A_450 : i32 to vector<16xi32>
        %ge3A_452 = arith.cmpi sge, %sub3A_446, %ge3A_451 : vector<16xi32>
        %or3A_453 = arith.ori %lt3A_449, %ge3A_452 : vector<16xi1>
        %jit3A_454 = arith.constant 5000 : i32
        %broadcast_in_dim3A_455 = vector.broadcast %jit3A_454 : i32 to vector<16xi32>
        %select_n3A_456 = arith.select %or3A_453, %broadcast_in_dim3A_455, %sub3A_446 : vector<16xi1>, vector<16xi32>
        %swap3A_457 = arith.constant 0 : i32
        %swap3A_458 = arith.index_cast %swap3A_457 : i32 to index
        %swap3A_459 = arith.constant 64 : index
        %swap3A_460 = tpu.vector_load %arg6[%swap3A_458, %swap3A_459] {strides = array<i32>} : memref<4x128xi32, #tpu.memory_space<vmem>>, vector<1x16xi32>,
        %swap3A_461 = vector.shape_cast %swap3A_460 : vector<1x16xi32> to vector<16xi32>
        %swap3A_462 = vector.shape_cast %select_n3A_456 : vector<16xi32> to vector<1x16xi32>
        tpu.vector_store %arg6[%swap3A_458, %swap3A_459], %swap3A_462 {strides = array<i32>} : memref<4x128xi32, #tpu.memory_space<vmem>>, vector<1x16xi32>,
        %get3A_463 = arith.constant 0 : i32
        %get3A_464 = arith.index_cast %get3A_463 : i32 to index
        %get3A_465 = arith.constant 80 : index
        %get3A_466 = tpu.vector_load %arg6[%get3A_464, %get3A_465] {strides = array<i32>} : memref<4x128xi32, #tpu.memory_space<vmem>>, vector<1x16xi32>,
        %get3A_467 = vector.shape_cast %get3A_466 : vector<1x16xi32> to vector<16xi32>
        %sub3A_468 = vector.broadcast %mul3A_206 : i32 to vector<16xi32>
        %sub3A_469 = arith.subi %get3A_467, %sub3A_468 : vector<16xi32>
        %lt3A_470 = arith.constant 0 : i32
        %lt3A_471 = vector.broadcast %lt3A_470 : i32 to vector<16xi32>
        %lt3A_472 = arith.cmpi slt, %sub3A_469, %lt3A_471 : vector<16xi32>
        %ge3A_473 = arith.constant 5000 : i32
        %ge3A_474 = vector.broadcast %ge3A_473 : i32 to vector<16xi32>
        %ge3A_475 = arith.cmpi sge, %sub3A_469, %ge3A_474 : vector<16xi32>
        %or3A_476 = arith.ori %lt3A_472, %ge3A_475 : vector<16xi1>
        %jit3A_477 = arith.constant 5000 : i32
        %broadcast_in_dim3A_478 = vector.broadcast %jit3A_477 : i32 to vector<16xi32>
        %select_n3A_479 = arith.select %or3A_476, %broadcast_in_dim3A_478, %sub3A_469 : vector<16xi1>, vector<16xi32>
        %swap3A_480 = arith.constant 0 : i32
        %swap3A_481 = arith.index_cast %swap3A_480 : i32 to index
        %swap3A_482 = arith.constant 80 : index
        %swap3A_483 = tpu.vector_load %arg6[%swap3A_481, %swap3A_482] {strides = array<i32>} : memref<4x128xi32, #tpu.memory_space<vmem>>, vector<1x16xi32>,
        %swap3A_484 = vector.shape_cast %swap3A_483 : vector<1x16xi32> to vector<16xi32>
        %swap3A_485 = vector.shape_cast %select_n3A_479 : vector<16xi32> to vector<1x16xi32>
        tpu.vector_store %arg6[%swap3A_481, %swap3A_482], %swap3A_485 {strides = array<i32>} : memref<4x128xi32, #tpu.memory_space<vmem>>, vector<1x16xi32>,
        %get3A_486 = arith.constant 0 : i32
        %get3A_487 = arith.index_cast %get3A_486 : i32 to index
        %get3A_488 = arith.constant 96 : index
        %get3A_489 = tpu.vector_load %arg6[%get3A_487, %get3A_488] {strides = array<i32>} : memref<4x128xi32, #tpu.memory_space<vmem>>, vector<1x16xi32>,
        %get3A_490 = vector.shape_cast %get3A_489 : vector<1x16xi32> to vector<16xi32>
        %sub3A_491 = vector.broadcast %mul3A_206 : i32 to vector<16xi32>
        %sub3A_492 = arith.subi %get3A_490, %sub3A_491 : vector<16xi32>
        %lt3A_493 = arith.constant 0 : i32
        %lt3A_494 = vector.broadcast %lt3A_493 : i32 to vector<16xi32>
        %lt3A_495 = arith.cmpi slt, %sub3A_492, %lt3A_494 : vector<16xi32>
        %ge3A_496 = arith.constant 5000 : i32
        %ge3A_497 = vector.broadcast %ge3A_496 : i32 to vector<16xi32>
        %ge3A_498 = arith.cmpi sge, %sub3A_492, %ge3A_497 : vector<16xi32>
        %or3A_499 = arith.ori %lt3A_495, %ge3A_498 : vector<16xi1>
        %jit3A_500 = arith.constant 5000 : i32
        %broadcast_in_dim3A_501 = vector.broadcast %jit3A_500 : i32 to vector<16xi32>
        %select_n3A_502 = arith.select %or3A_499, %broadcast_in_dim3A_501, %sub3A_492 : vector<16xi1>, vector<16xi32>
        %swap3A_503 = arith.constant 0 : i32
        %swap3A_504 = arith.index_cast %swap3A_503 : i32 to index
        %swap3A_505 = arith.constant 96 : index
        %swap3A_506 = tpu.vector_load %arg6[%swap3A_504, %swap3A_505] {strides = array<i32>} : memref<4x128xi32, #tpu.memory_space<vmem>>, vector<1x16xi32>,
        %swap3A_507 = vector.shape_cast %swap3A_506 : vector<1x16xi32> to vector<16xi32>
        %swap3A_508 = vector.shape_cast %select_n3A_502 : vector<16xi32> to vector<1x16xi32>
        tpu.vector_store %arg6[%swap3A_504, %swap3A_505], %swap3A_508 {strides = array<i32>} : memref<4x128xi32, #tpu.memory_space<vmem>>, vector<1x16xi32>,
        %get3A_509 = arith.constant 0 : i32
        %get3A_510 = arith.index_cast %get3A_509 : i32 to index
        %get3A_511 = arith.constant 112 : index
        %get3A_512 = tpu.vector_load %arg6[%get3A_510, %get3A_511] {strides = array<i32>} : memref<4x128xi32, #tpu.memory_space<vmem>>, vector<1x16xi32>,
        %get3A_513 = vector.shape_cast %get3A_512 : vector<1x16xi32> to vector<16xi32>
        %sub3A_514 = vector.broadcast %mul3A_206 : i32 to vector<16xi32>
        %sub3A_515 = arith.subi %get3A_513, %sub3A_514 : vector<16xi32>
        %lt3A_516 = arith.constant 0 : i32
        %lt3A_517 = vector.broadcast %lt3A_516 : i32 to vector<16xi32>
        %lt3A_518 = arith.cmpi slt, %sub3A_515, %lt3A_517 : vector<16xi32>
        %ge3A_519 = arith.constant 5000 : i32
        %ge3A_520 = vector.broadcast %ge3A_519 : i32 to vector<16xi32>
        %ge3A_521 = arith.cmpi sge, %sub3A_515, %ge3A_520 : vector<16xi32>
        %or3A_522 = arith.ori %lt3A_518, %ge3A_521 : vector<16xi1>
        %jit3A_523 = arith.constant 5000 : i32
        %broadcast_in_dim3A_524 = vector.broadcast %jit3A_523 : i32 to vector<16xi32>
        %select_n3A_525 = arith.select %or3A_522, %broadcast_in_dim3A_524, %sub3A_515 : vector<16xi1>, vector<16xi32>
        %swap3A_526 = arith.constant 0 : i32
        %swap3A_527 = arith.index_cast %swap3A_526 : i32 to index
        %swap3A_528 = arith.constant 112 : index
        %swap3A_529 = tpu.vector_load %arg6[%swap3A_527, %swap3A_528] {strides = array<i32>} : memref<4x128xi32, #tpu.memory_space<vmem>>, vector<1x16xi32>,
        %swap3A_530 = vector.shape_cast %swap3A_529 : vector<1x16xi32> to vector<16xi32>
        %swap3A_531 = vector.shape_cast %select_n3A_525 : vector<16xi32> to vector<1x16xi32>
        tpu.vector_store %arg6[%swap3A_527, %swap3A_528], %swap3A_531 {strides = array<i32>} : memref<4x128xi32, #tpu.memory_space<vmem>>, vector<1x16xi32>,
        %run_scoped3A = arith.constant 0 : i32
        %run_scoped3A_532 = arith.constant 0 : i32
        "tpu.region"() ({
          %run_scoped3A_539 = tpu.sem_alloc : memref<!tpu.dma_semaphore, #tpu.memory_space<semaphore_mem>>
          %dma_start3A_540 = arith.constant 0 : i32
          %dma_start3A_541 = arith.constant 0 : i32
          %dma_start3A_542 = tpu.memref_slice %arg5[%run_scoped3A, %dma_start3A_540, %dma_start3A_541] : memref<4x128x128xf32, #tpu.memory_space<vmem>> -> memref<1x128x128xf32, #tpu.memory_space<vmem>>
          %dma_start3A_543 = tpu.memref_squeeze %dma_start3A_542 : memref<1x128x128xf32, #tpu.memory_space<vmem>> -> memref<128x128xf32, #tpu.memory_space<vmem>>
          %dma_start3A_544 = arith.constant 0 : i32
          %dma_start3A_545 = tpu.memref_slice %arg6[%run_scoped3A_532, %dma_start3A_544] : memref<4x128xi32, #tpu.memory_space<vmem>> -> memref<1x128xi32, #tpu.memory_space<vmem>>
          %dma_start3A_546 = tpu.memref_squeeze %dma_start3A_545 : memref<1x128xi32, #tpu.memory_space<vmem>> -> memref<128xi32, #tpu.memory_space<vmem>>
          %dma_start3A_547 = arith.constant 0 : i32
          %dma_start3A_548 = arith.constant 0 : i32
          %dma_start3A_549 = tpu.memref_slice %arg8[%dma_start3A_547, %dma_start3A_548] : memref<5008x128xf32, #tpu.memory_space<vmem_shared>> -> memref<5008x128xf32, #tpu.memory_space<vmem_shared>>
          tpu.enqueue_indirect_dma source(%dma_start3A_543 : memref<128x128xf32, #tpu.memory_space<vmem>>) target(%dma_start3A_549 : memref<5008x128xf32, #tpu.memory_space<vmem_shared>>) offsets(%dma_start3A_546 : memref<128xi32, #tpu.memory_space<vmem>>) semaphore(%run_scoped3A_539 : memref<!tpu.dma_semaphore, #tpu.memory_space<semaphore_mem>>) {add = true}
          %dma_wait3A_550 = arith.constant 0 : i32
          %dma_wait3A_551 = arith.constant 0 : i32
          %dma_wait3A_552 = tpu.memref_slice %arg5[%run_scoped3A, %dma_wait3A_550, %dma_wait3A_551] : memref<4x128x128xf32, #tpu.memory_space<vmem>> -> memref<1x128x128xf32, #tpu.memory_space<vmem>>
          %dma_wait3A_553 = tpu.memref_squeeze %dma_wait3A_552 : memref<1x128x128xf32, #tpu.memory_space<vmem>> -> memref<128x128xf32, #tpu.memory_space<vmem>>
          %dma_wait3A_554 = arith.constant 0 : i32
          %dma_wait3A_555 = tpu.memref_slice %arg6[%run_scoped3A_532, %dma_wait3A_554] : memref<4x128xi32, #tpu.memory_space<vmem>> -> memref<1x128xi32, #tpu.memory_space<vmem>>
          %dma_wait3A_556 = tpu.memref_squeeze %dma_wait3A_555 : memref<1x128xi32, #tpu.memory_space<vmem>> -> memref<128xi32, #tpu.memory_space<vmem>>
          %dma_wait3A_557 = arith.constant 0 : i32
          %dma_wait3A_558 = arith.constant 0 : i32
          %dma_wait3A_559 = tpu.memref_slice %arg8[%dma_wait3A_557, %dma_wait3A_558] : memref<5008x128xf32, #tpu.memory_space<vmem_shared>> -> memref<5008x128xf32, #tpu.memory_space<vmem_shared>>
          tpu.wait_indirect_dma semaphore(%run_scoped3A_539 : memref<!tpu.dma_semaphore, #tpu.memory_space<semaphore_mem>>) src(%dma_wait3A_553 : memref<128x128xf32, #tpu.memory_space<vmem>>) dst(%dma_wait3A_559 : memref<5008x128xf32, #tpu.memory_space<vmem_shared>>)
          tpu.yield
        }) : () -> ()
        %add3A_533 = arith.constant 4 : i32
        %add3A_534 = arith.addi %add3A_296, %add3A_533 : i32
        %lt3A_535 = arith.cmpi slt, %add3A_534, %min3A : i32
        %convert_element_type3A_536 = arith.extui %lt3A_535 : i1 to i32
        %cond3A_537 = arith.constant 0 : i32
        %cond3A_538 = arith.cmpi ne, %convert_element_type3A_536, %cond3A_537 : i32
        scf.if %cond3A_538 {
          %add3A_539 = arith.constant 4 : i32
          %add3A_540 = arith.addi %add3A_296, %add3A_539 : i32
          %add3A_541 = arith.addi %mul3A_167, %mul3A_201 : i32
          %add3A_542 = arith.addi %add3A_541, %add3A_540 : i32
          %mul3A_543 = arith.constant 128 : i32
          %mul3A_544 = arith.muli %add3A_542, %mul3A_543 : i32
          %multiple_of3A_545 = tpu.assume_multiple %mul3A_544, 8 : i32
          %dma_start3A_546 = arith.constant 0 : i32
          %dma_start3A_547 = arith.constant 0 : i32
          %dma_start3A_548 = arith.constant 0 : i32
          %dma_start3A_549 = tpu.memref_slice %arg5[%dma_start3A_546, %dma_start3A_547, %dma_start3A_548] : memref<4x128x128xf32, #tpu.memory_space<vmem>> -> memref<1x128x128xf32, #tpu.memory_space<vmem>>
          %dma_start3A_550 = tpu.memref_squeeze %dma_start3A_549 : memref<1x128x128xf32, #tpu.memory_space<vmem>> -> memref<128x128xf32, #tpu.memory_space<vmem>>
          %dma_start3A_551 = arith.constant 0 : i32
          %dma_start3A_552 = tpu.memref_slice %arg2[%multiple_of3A_545, %dma_start3A_551] : memref<320000x128xf32, #tpu.memory_space<hbm>> -> memref<128x128xf32, #tpu.memory_space<hbm>>
          %dma_start3A_553 = arith.constant 0 : i32
          %dma_start3A_554 = arith.constant 0 : i32
          %dma_start3A_555 = tpu.memref_slice %arg5[%dma_start3A_546, %dma_start3A_553, %dma_start3A_554] : memref<4x128x128xf32, #tpu.memory_space<vmem>> -> memref<1x128x128xf32, #tpu.memory_space<vmem>>
          %dma_start3A_556 = tpu.memref_squeeze %dma_start3A_555 : memref<1x128x128xf32, #tpu.memory_space<vmem>> -> memref<128x128xf32, #tpu.memory_space<vmem>>
          %dma_start3A_557 = arith.constant 0 : i32
          %dma_start3A_558 = tpu.memref_slice %arg2[%multiple_of3A_545, %dma_start3A_557] : memref<320000x128xf32, #tpu.memory_space<hbm>> -> memref<128x128xf32, #tpu.memory_space<hbm>>
          tpu.enqueue_dma source(%dma_start3A_558 : memref<128x128xf32, #tpu.memory_space<hbm>>) target(%dma_start3A_556 : memref<128x128xf32, #tpu.memory_space<vmem>>) target_semaphore(%arg9 : memref<!tpu.dma_semaphore, #tpu.memory_space<semaphore_mem>>)
          %dma_start3A_559 = arith.constant 0 : i32
          %dma_start3A_560 = arith.constant 0 : i32
          %dma_start3A_561 = tpu.memref_slice %arg6[%dma_start3A_559, %dma_start3A_560] : memref<4x128xi32, #tpu.memory_space<vmem>> -> memref<1x128xi32, #tpu.memory_space<vmem>>
          %dma_start3A_562 = tpu.memref_squeeze %dma_start3A_561 : memref<1x128xi32, #tpu.memory_space<vmem>> -> memref<128xi32, #tpu.memory_space<vmem>>
          %dma_start3A_563 = tpu.memref_slice %arg3[%multiple_of3A_545] : memref<320000xi32, #tpu.memory_space<hbm>> -> memref<128xi32, #tpu.memory_space<hbm>>
          %dma_start3A_564 = arith.constant 0 : i32
          %dma_start3A_565 = tpu.memref_slice %arg6[%dma_start3A_559, %dma_start3A_564] : memref<4x128xi32, #tpu.memory_space<vmem>> -> memref<1x128xi32, #tpu.memory_space<vmem>>
          %dma_start3A_566 = tpu.memref_squeeze %dma_start3A_565 : memref<1x128xi32, #tpu.memory_space<vmem>> -> memref<128xi32, #tpu.memory_space<vmem>>
          %dma_start3A_567 = tpu.memref_slice %arg3[%multiple_of3A_545] : memref<320000xi32, #tpu.memory_space<hbm>> -> memref<128xi32, #tpu.memory_space<hbm>>
          tpu.enqueue_dma source(%dma_start3A_567 : memref<128xi32, #tpu.memory_space<hbm>>) target(%dma_start3A_566 : memref<128xi32, #tpu.memory_space<vmem>>) target_semaphore(%arg9 : memref<!tpu.dma_semaphore, #tpu.memory_space<semaphore_mem>>)
        } else {
        }
      } else {
      }
      %mul3A_301 = arith.constant 4 : i32
      %mul3A_302 = arith.muli %while3A_292, %mul3A_301 : i32
      %add3A_303 = arith.constant 1 : i32
      %add3A_304 = arith.addi %mul3A_302, %add3A_303 : i32
      %lt3A_305 = arith.cmpi slt, %add3A_304, %min3A : i32
      %convert_element_type3A_306 = arith.extui %lt3A_305 : i1 to i32
      %cond3A_307 = arith.constant 0 : i32
      %cond3A_308 = arith.cmpi ne, %convert_element_type3A_306, %cond3A_307 : i32
      scf.if %cond3A_308 {
        %add3A_325 = arith.addi %mul3A_167, %mul3A_201 : i32
        %add3A_326 = arith.addi %add3A_325, %add3A_304 : i32
        %mul3A_327 = arith.constant 128 : i32
        %mul3A_328 = arith.muli %add3A_326, %mul3A_327 : i32
        %multiple_of3A_329 = tpu.assume_multiple %mul3A_328, 8 : i32
        %dma_wait3A_330 = arith.constant 1 : i32
        %dma_wait3A_331 = arith.constant 0 : i32
        %dma_wait3A_332 = arith.constant 0 : i32
        %dma_wait3A_333 = tpu.memref_slice %arg5[%dma_wait3A_330, %dma_wait3A_331, %dma_wait3A_332] : memref<4x128x128xf32, #tpu.memory_space<vmem>> -> memref<1x128x128xf32, #tpu.memory_space<vmem>>
        %dma_wait3A_334 = tpu.memref_squeeze %dma_wait3A_333 : memref<1x128x128xf32, #tpu.memory_space<vmem>> -> memref<128x128xf32, #tpu.memory_space<vmem>>
        %dma_wait3A_335 = arith.constant 0 : i32
        %dma_wait3A_336 = tpu.memref_slice %arg2[%multiple_of3A_329, %dma_wait3A_335] : memref<320000x128xf32, #tpu.memory_space<hbm>> -> memref<128x128xf32, #tpu.memory_space<hbm>>
        %dma_wait3A_337 = arith.constant 0 : i32
        %dma_wait3A_338 = arith.constant 0 : i32
        %dma_wait3A_339 = tpu.memref_slice %arg5[%dma_wait3A_330, %dma_wait3A_337, %dma_wait3A_338] : memref<4x128x128xf32, #tpu.memory_space<vmem>> -> memref<1x128x128xf32, #tpu.memory_space<vmem>>
        %dma_wait3A_340 = tpu.memref_squeeze %dma_wait3A_339 : memref<1x128x128xf32, #tpu.memory_space<vmem>> -> memref<128x128xf32, #tpu.memory_space<vmem>>
        %dma_wait3A_341 = arith.constant 0 : i32
        %dma_wait3A_342 = tpu.memref_slice %arg2[%multiple_of3A_329, %dma_wait3A_341] : memref<320000x128xf32, #tpu.memory_space<hbm>> -> memref<128x128xf32, #tpu.memory_space<hbm>>
        tpu.wait_dma2 semaphore(%arg10 : memref<!tpu.dma_semaphore, #tpu.memory_space<semaphore_mem>>) src(%dma_wait3A_342 : memref<128x128xf32, #tpu.memory_space<hbm>>) dst(%dma_wait3A_340 : memref<128x128xf32, #tpu.memory_space<vmem>>)
        %dma_wait3A_343 = arith.constant 1 : i32
        %dma_wait3A_344 = arith.constant 0 : i32
        %dma_wait3A_345 = tpu.memref_slice %arg6[%dma_wait3A_343, %dma_wait3A_344] : memref<4x128xi32, #tpu.memory_space<vmem>> -> memref<1x128xi32, #tpu.memory_space<vmem>>
        %dma_wait3A_346 = tpu.memref_squeeze %dma_wait3A_345 : memref<1x128xi32, #tpu.memory_space<vmem>> -> memref<128xi32, #tpu.memory_space<vmem>>
        %dma_wait3A_347 = tpu.memref_slice %arg3[%multiple_of3A_329] : memref<320000xi32, #tpu.memory_space<hbm>> -> memref<128xi32, #tpu.memory_space<hbm>>
        %dma_wait3A_348 = arith.constant 0 : i32
        %dma_wait3A_349 = tpu.memref_slice %arg6[%dma_wait3A_343, %dma_wait3A_348] : memref<4x128xi32, #tpu.memory_space<vmem>> -> memref<1x128xi32, #tpu.memory_space<vmem>>
        %dma_wait3A_350 = tpu.memref_squeeze %dma_wait3A_349 : memref<1x128xi32, #tpu.memory_space<vmem>> -> memref<128xi32, #tpu.memory_space<vmem>>
        %dma_wait3A_351 = tpu.memref_slice %arg3[%multiple_of3A_329] : memref<320000xi32, #tpu.memory_space<hbm>> -> memref<128xi32, #tpu.memory_space<hbm>>
        tpu.wait_dma2 semaphore(%arg10 : memref<!tpu.dma_semaphore, #tpu.memory_space<semaphore_mem>>) src(%dma_wait3A_351 : memref<128xi32, #tpu.memory_space<hbm>>) dst(%dma_wait3A_350 : memref<128xi32, #tpu.memory_space<vmem>>)
        %get3A = arith.constant 1 : i32
        %get3A_352 = arith.index_cast %get3A : i32 to index
        %get3A_353 = arith.constant 0 : index
        %get3A_354 = tpu.vector_load %arg6[%get3A_352, %get3A_353] {strides = array<i32>} : memref<4x128xi32, #tpu.memory_space<vmem>>, vector<1x16xi32>,
        %get3A_355 = vector.shape_cast %get3A_354 : vector<1x16xi32> to vector<16xi32>
        %sub3A_356 = vector.broadcast %mul3A_206 : i32 to vector<16xi32>
        %sub3A_357 = arith.subi %get3A_355, %sub3A_356 : vector<16xi32>
        %lt3A_358 = arith.constant 0 : i32
        %lt3A_359 = vector.broadcast %lt3A_358 : i32 to vector<16xi32>
        %lt3A_360 = arith.cmpi slt, %sub3A_357, %lt3A_359 : vector<16xi32>
        %ge3A = arith.constant 5000 : i32
        %ge3A_361 = vector.broadcast %ge3A : i32 to vector<16xi32>
        %ge3A_362 = arith.cmpi sge, %sub3A_357, %ge3A_361 : vector<16xi32>
        %or3A = arith.ori %lt3A_360, %ge3A_362 : vector<16xi1>
        %jit3A_363 = arith.constant 5000 : i32
        %broadcast_in_dim3A_364 = vector.broadcast %jit3A_363 : i32 to vector<16xi32>
        %select_n3A_365 = arith.select %or3A, %broadcast_in_dim3A_364, %sub3A_357 : vector<16xi1>, vector<16xi32>
        %swap3A = arith.constant 1 : i32
        %swap3A_366 = arith.index_cast %swap3A : i32 to index
        %swap3A_367 = arith.constant 0 : index
        %swap3A_368 = tpu.vector_load %arg6[%swap3A_366, %swap3A_367] {strides = array<i32>} : memref<4x128xi32, #tpu.memory_space<vmem>>, vector<1x16xi32>,
        %swap3A_369 = vector.shape_cast %swap3A_368 : vector<1x16xi32> to vector<16xi32>
        %swap3A_370 = vector.shape_cast %select_n3A_365 : vector<16xi32> to vector<1x16xi32>
        tpu.vector_store %arg6[%swap3A_366, %swap3A_367], %swap3A_370 {strides = array<i32>} : memref<4x128xi32, #tpu.memory_space<vmem>>, vector<1x16xi32>,
        %get3A_371 = arith.constant 1 : i32
        %get3A_372 = arith.index_cast %get3A_371 : i32 to index
        %get3A_373 = arith.constant 16 : index
        %get3A_374 = tpu.vector_load %arg6[%get3A_372, %get3A_373] {strides = array<i32>} : memref<4x128xi32, #tpu.memory_space<vmem>>, vector<1x16xi32>,
        %get3A_375 = vector.shape_cast %get3A_374 : vector<1x16xi32> to vector<16xi32>
        %sub3A_376 = vector.broadcast %mul3A_206 : i32 to vector<16xi32>
        %sub3A_377 = arith.subi %get3A_375, %sub3A_376 : vector<16xi32>
        %lt3A_378 = arith.constant 0 : i32
        %lt3A_379 = vector.broadcast %lt3A_378 : i32 to vector<16xi32>
        %lt3A_380 = arith.cmpi slt, %sub3A_377, %lt3A_379 : vector<16xi32>
        %ge3A_381 = arith.constant 5000 : i32
        %ge3A_382 = vector.broadcast %ge3A_381 : i32 to vector<16xi32>
        %ge3A_383 = arith.cmpi sge, %sub3A_377, %ge3A_382 : vector<16xi32>
        %or3A_384 = arith.ori %lt3A_380, %ge3A_383 : vector<16xi1>
        %jit3A_385 = arith.constant 5000 : i32
        %broadcast_in_dim3A_386 = vector.broadcast %jit3A_385 : i32 to vector<16xi32>
        %select_n3A_387 = arith.select %or3A_384, %broadcast_in_dim3A_386, %sub3A_377 : vector<16xi1>, vector<16xi32>
        %swap3A_388 = arith.constant 1 : i32
        %swap3A_389 = arith.index_cast %swap3A_388 : i32 to index
        %swap3A_390 = arith.constant 16 : index
        %swap3A_391 = tpu.vector_load %arg6[%swap3A_389, %swap3A_390] {strides = array<i32>} : memref<4x128xi32, #tpu.memory_space<vmem>>, vector<1x16xi32>,
        %swap3A_392 = vector.shape_cast %swap3A_391 : vector<1x16xi32> to vector<16xi32>
        %swap3A_393 = vector.shape_cast %select_n3A_387 : vector<16xi32> to vector<1x16xi32>
        tpu.vector_store %arg6[%swap3A_389, %swap3A_390], %swap3A_393 {strides = array<i32>} : memref<4x128xi32, #tpu.memory_space<vmem>>, vector<1x16xi32>,
        %get3A_394 = arith.constant 1 : i32
        %get3A_395 = arith.index_cast %get3A_394 : i32 to index
        %get3A_396 = arith.constant 32 : index
        %get3A_397 = tpu.vector_load %arg6[%get3A_395, %get3A_396] {strides = array<i32>} : memref<4x128xi32, #tpu.memory_space<vmem>>, vector<1x16xi32>,
        %get3A_398 = vector.shape_cast %get3A_397 : vector<1x16xi32> to vector<16xi32>
        %sub3A_399 = vector.broadcast %mul3A_206 : i32 to vector<16xi32>
        %sub3A_400 = arith.subi %get3A_398, %sub3A_399 : vector<16xi32>
        %lt3A_401 = arith.constant 0 : i32
        %lt3A_402 = vector.broadcast %lt3A_401 : i32 to vector<16xi32>
        %lt3A_403 = arith.cmpi slt, %sub3A_400, %lt3A_402 : vector<16xi32>
        %ge3A_404 = arith.constant 5000 : i32
        %ge3A_405 = vector.broadcast %ge3A_404 : i32 to vector<16xi32>
        %ge3A_406 = arith.cmpi sge, %sub3A_400, %ge3A_405 : vector<16xi32>
        %or3A_407 = arith.ori %lt3A_403, %ge3A_406 : vector<16xi1>
        %jit3A_408 = arith.constant 5000 : i32
        %broadcast_in_dim3A_409 = vector.broadcast %jit3A_408 : i32 to vector<16xi32>
        %select_n3A_410 = arith.select %or3A_407, %broadcast_in_dim3A_409, %sub3A_400 : vector<16xi1>, vector<16xi32>
        %swap3A_411 = arith.constant 1 : i32
        %swap3A_412 = arith.index_cast %swap3A_411 : i32 to index
        %swap3A_413 = arith.constant 32 : index
        %swap3A_414 = tpu.vector_load %arg6[%swap3A_412, %swap3A_413] {strides = array<i32>} : memref<4x128xi32, #tpu.memory_space<vmem>>, vector<1x16xi32>,
        %swap3A_415 = vector.shape_cast %swap3A_414 : vector<1x16xi32> to vector<16xi32>
        %swap3A_416 = vector.shape_cast %select_n3A_410 : vector<16xi32> to vector<1x16xi32>
        tpu.vector_store %arg6[%swap3A_412, %swap3A_413], %swap3A_416 {strides = array<i32>} : memref<4x128xi32, #tpu.memory_space<vmem>>, vector<1x16xi32>,
        %get3A_417 = arith.constant 1 : i32
        %get3A_418 = arith.index_cast %get3A_417 : i32 to index
        %get3A_419 = arith.constant 48 : index
        %get3A_420 = tpu.vector_load %arg6[%get3A_418, %get3A_419] {strides = array<i32>} : memref<4x128xi32, #tpu.memory_space<vmem>>, vector<1x16xi32>,
        %get3A_421 = vector.shape_cast %get3A_420 : vector<1x16xi32> to vector<16xi32>
        %sub3A_422 = vector.broadcast %mul3A_206 : i32 to vector<16xi32>
        %sub3A_423 = arith.subi %get3A_421, %sub3A_422 : vector<16xi32>
        %lt3A_424 = arith.constant 0 : i32
        %lt3A_425 = vector.broadcast %lt3A_424 : i32 to vector<16xi32>
        %lt3A_426 = arith.cmpi slt, %sub3A_423, %lt3A_425 : vector<16xi32>
        %ge3A_427 = arith.constant 5000 : i32
        %ge3A_428 = vector.broadcast %ge3A_427 : i32 to vector<16xi32>
        %ge3A_429 = arith.cmpi sge, %sub3A_423, %ge3A_428 : vector<16xi32>
        %or3A_430 = arith.ori %lt3A_426, %ge3A_429 : vector<16xi1>
        %jit3A_431 = arith.constant 5000 : i32
        %broadcast_in_dim3A_432 = vector.broadcast %jit3A_431 : i32 to vector<16xi32>
        %select_n3A_433 = arith.select %or3A_430, %broadcast_in_dim3A_432, %sub3A_423 : vector<16xi1>, vector<16xi32>
        %swap3A_434 = arith.constant 1 : i32
        %swap3A_435 = arith.index_cast %swap3A_434 : i32 to index
        %swap3A_436 = arith.constant 48 : index
        %swap3A_437 = tpu.vector_load %arg6[%swap3A_435, %swap3A_436] {strides = array<i32>} : memref<4x128xi32, #tpu.memory_space<vmem>>, vector<1x16xi32>,
        %swap3A_438 = vector.shape_cast %swap3A_437 : vector<1x16xi32> to vector<16xi32>
        %swap3A_439 = vector.shape_cast %select_n3A_433 : vector<16xi32> to vector<1x16xi32>
        tpu.vector_store %arg6[%swap3A_435, %swap3A_436], %swap3A_439 {strides = array<i32>} : memref<4x128xi32, #tpu.memory_space<vmem>>, vector<1x16xi32>,
        %get3A_440 = arith.constant 1 : i32
        %get3A_441 = arith.index_cast %get3A_440 : i32 to index
        %get3A_442 = arith.constant 64 : index
        %get3A_443 = tpu.vector_load %arg6[%get3A_441, %get3A_442] {strides = array<i32>} : memref<4x128xi32, #tpu.memory_space<vmem>>, vector<1x16xi32>,
        %get3A_444 = vector.shape_cast %get3A_443 : vector<1x16xi32> to vector<16xi32>
        %sub3A_445 = vector.broadcast %mul3A_206 : i32 to vector<16xi32>
        %sub3A_446 = arith.subi %get3A_444, %sub3A_445 : vector<16xi32>
        %lt3A_447 = arith.constant 0 : i32
        %lt3A_448 = vector.broadcast %lt3A_447 : i32 to vector<16xi32>
        %lt3A_449 = arith.cmpi slt, %sub3A_446, %lt3A_448 : vector<16xi32>
        %ge3A_450 = arith.constant 5000 : i32
        %ge3A_451 = vector.broadcast %ge3A_450 : i32 to vector<16xi32>
        %ge3A_452 = arith.cmpi sge, %sub3A_446, %ge3A_451 : vector<16xi32>
        %or3A_453 = arith.ori %lt3A_449, %ge3A_452 : vector<16xi1>
        %jit3A_454 = arith.constant 5000 : i32
        %broadcast_in_dim3A_455 = vector.broadcast %jit3A_454 : i32 to vector<16xi32>
        %select_n3A_456 = arith.select %or3A_453, %broadcast_in_dim3A_455, %sub3A_446 : vector<16xi1>, vector<16xi32>
        %swap3A_457 = arith.constant 1 : i32
        %swap3A_458 = arith.index_cast %swap3A_457 : i32 to index
        %swap3A_459 = arith.constant 64 : index
        %swap3A_460 = tpu.vector_load %arg6[%swap3A_458, %swap3A_459] {strides = array<i32>} : memref<4x128xi32, #tpu.memory_space<vmem>>, vector<1x16xi32>,
        %swap3A_461 = vector.shape_cast %swap3A_460 : vector<1x16xi32> to vector<16xi32>
        %swap3A_462 = vector.shape_cast %select_n3A_456 : vector<16xi32> to vector<1x16xi32>
        tpu.vector_store %arg6[%swap3A_458, %swap3A_459], %swap3A_462 {strides = array<i32>} : memref<4x128xi32, #tpu.memory_space<vmem>>, vector<1x16xi32>,
        %get3A_463 = arith.constant 1 : i32
        %get3A_464 = arith.index_cast %get3A_463 : i32 to index
        %get3A_465 = arith.constant 80 : index
        %get3A_466 = tpu.vector_load %arg6[%get3A_464, %get3A_465] {strides = array<i32>} : memref<4x128xi32, #tpu.memory_space<vmem>>, vector<1x16xi32>,
        %get3A_467 = vector.shape_cast %get3A_466 : vector<1x16xi32> to vector<16xi32>
        %sub3A_468 = vector.broadcast %mul3A_206 : i32 to vector<16xi32>
        %sub3A_469 = arith.subi %get3A_467, %sub3A_468 : vector<16xi32>
        %lt3A_470 = arith.constant 0 : i32
        %lt3A_471 = vector.broadcast %lt3A_470 : i32 to vector<16xi32>
        %lt3A_472 = arith.cmpi slt, %sub3A_469, %lt3A_471 : vector<16xi32>
        %ge3A_473 = arith.constant 5000 : i32
        %ge3A_474 = vector.broadcast %ge3A_473 : i32 to vector<16xi32>
        %ge3A_475 = arith.cmpi sge, %sub3A_469, %ge3A_474 : vector<16xi32>
        %or3A_476 = arith.ori %lt3A_472, %ge3A_475 : vector<16xi1>
        %jit3A_477 = arith.constant 5000 : i32
        %broadcast_in_dim3A_478 = vector.broadcast %jit3A_477 : i32 to vector<16xi32>
        %select_n3A_479 = arith.select %or3A_476, %broadcast_in_dim3A_478, %sub3A_469 : vector<16xi1>, vector<16xi32>
        %swap3A_480 = arith.constant 1 : i32
        %swap3A_481 = arith.index_cast %swap3A_480 : i32 to index
        %swap3A_482 = arith.constant 80 : index
        %swap3A_483 = tpu.vector_load %arg6[%swap3A_481, %swap3A_482] {strides = array<i32>} : memref<4x128xi32, #tpu.memory_space<vmem>>, vector<1x16xi32>,
        %swap3A_484 = vector.shape_cast %swap3A_483 : vector<1x16xi32> to vector<16xi32>
        %swap3A_485 = vector.shape_cast %select_n3A_479 : vector<16xi32> to vector<1x16xi32>
        tpu.vector_store %arg6[%swap3A_481, %swap3A_482], %swap3A_485 {strides = array<i32>} : memref<4x128xi32, #tpu.memory_space<vmem>>, vector<1x16xi32>,
        %get3A_486 = arith.constant 1 : i32
        %get3A_487 = arith.index_cast %get3A_486 : i32 to index
        %get3A_488 = arith.constant 96 : index
        %get3A_489 = tpu.vector_load %arg6[%get3A_487, %get3A_488] {strides = array<i32>} : memref<4x128xi32, #tpu.memory_space<vmem>>, vector<1x16xi32>,
        %get3A_490 = vector.shape_cast %get3A_489 : vector<1x16xi32> to vector<16xi32>
        %sub3A_491 = vector.broadcast %mul3A_206 : i32 to vector<16xi32>
        %sub3A_492 = arith.subi %get3A_490, %sub3A_491 : vector<16xi32>
        %lt3A_493 = arith.constant 0 : i32
        %lt3A_494 = vector.broadcast %lt3A_493 : i32 to vector<16xi32>
        %lt3A_495 = arith.cmpi slt, %sub3A_492, %lt3A_494 : vector<16xi32>
        %ge3A_496 = arith.constant 5000 : i32
        %ge3A_497 = vector.broadcast %ge3A_496 : i32 to vector<16xi32>
        %ge3A_498 = arith.cmpi sge, %sub3A_492, %ge3A_497 : vector<16xi32>
        %or3A_499 = arith.ori %lt3A_495, %ge3A_498 : vector<16xi1>
        %jit3A_500 = arith.constant 5000 : i32
        %broadcast_in_dim3A_501 = vector.broadcast %jit3A_500 : i32 to vector<16xi32>
        %select_n3A_502 = arith.select %or3A_499, %broadcast_in_dim3A_501, %sub3A_492 : vector<16xi1>, vector<16xi32>
        %swap3A_503 = arith.constant 1 : i32
        %swap3A_504 = arith.index_cast %swap3A_503 : i32 to index
        %swap3A_505 = arith.constant 96 : index
        %swap3A_506 = tpu.vector_load %arg6[%swap3A_504, %swap3A_505] {strides = array<i32>} : memref<4x128xi32, #tpu.memory_space<vmem>>, vector<1x16xi32>,
        %swap3A_507 = vector.shape_cast %swap3A_506 : vector<1x16xi32> to vector<16xi32>
        %swap3A_508 = vector.shape_cast %select_n3A_502 : vector<16xi32> to vector<1x16xi32>
        tpu.vector_store %arg6[%swap3A_504, %swap3A_505], %swap3A_508 {strides = array<i32>} : memref<4x128xi32, #tpu.memory_space<vmem>>, vector<1x16xi32>,
        %get3A_509 = arith.constant 1 : i32
        %get3A_510 = arith.index_cast %get3A_509 : i32 to index
        %get3A_511 = arith.constant 112 : index
        %get3A_512 = tpu.vector_load %arg6[%get3A_510, %get3A_511] {strides = array<i32>} : memref<4x128xi32, #tpu.memory_space<vmem>>, vector<1x16xi32>,
        %get3A_513 = vector.shape_cast %get3A_512 : vector<1x16xi32> to vector<16xi32>
        %sub3A_514 = vector.broadcast %mul3A_206 : i32 to vector<16xi32>
        %sub3A_515 = arith.subi %get3A_513, %sub3A_514 : vector<16xi32>
        %lt3A_516 = arith.constant 0 : i32
        %lt3A_517 = vector.broadcast %lt3A_516 : i32 to vector<16xi32>
        %lt3A_518 = arith.cmpi slt, %sub3A_515, %lt3A_517 : vector<16xi32>
        %ge3A_519 = arith.constant 5000 : i32
        %ge3A_520 = vector.broadcast %ge3A_519 : i32 to vector<16xi32>
        %ge3A_521 = arith.cmpi sge, %sub3A_515, %ge3A_520 : vector<16xi32>
        %or3A_522 = arith.ori %lt3A_518, %ge3A_521 : vector<16xi1>
        %jit3A_523 = arith.constant 5000 : i32
        %broadcast_in_dim3A_524 = vector.broadcast %jit3A_523 : i32 to vector<16xi32>
        %select_n3A_525 = arith.select %or3A_522, %broadcast_in_dim3A_524, %sub3A_515 : vector<16xi1>, vector<16xi32>
        %swap3A_526 = arith.constant 1 : i32
        %swap3A_527 = arith.index_cast %swap3A_526 : i32 to index
        %swap3A_528 = arith.constant 112 : index
        %swap3A_529 = tpu.vector_load %arg6[%swap3A_527, %swap3A_528] {strides = array<i32>} : memref<4x128xi32, #tpu.memory_space<vmem>>, vector<1x16xi32>,
        %swap3A_530 = vector.shape_cast %swap3A_529 : vector<1x16xi32> to vector<16xi32>
        %swap3A_531 = vector.shape_cast %select_n3A_525 : vector<16xi32> to vector<1x16xi32>
        tpu.vector_store %arg6[%swap3A_527, %swap3A_528], %swap3A_531 {strides = array<i32>} : memref<4x128xi32, #tpu.memory_space<vmem>>, vector<1x16xi32>,
        %run_scoped3A = arith.constant 1 : i32
        %run_scoped3A_532 = arith.constant 1 : i32
        "tpu.region"() ({
          %run_scoped3A_539 = tpu.sem_alloc : memref<!tpu.dma_semaphore, #tpu.memory_space<semaphore_mem>>
          %dma_start3A_540 = arith.constant 0 : i32
          %dma_start3A_541 = arith.constant 0 : i32
          %dma_start3A_542 = tpu.memref_slice %arg5[%run_scoped3A, %dma_start3A_540, %dma_start3A_541] : memref<4x128x128xf32, #tpu.memory_space<vmem>> -> memref<1x128x128xf32, #tpu.memory_space<vmem>>
          %dma_start3A_543 = tpu.memref_squeeze %dma_start3A_542 : memref<1x128x128xf32, #tpu.memory_space<vmem>> -> memref<128x128xf32, #tpu.memory_space<vmem>>
          %dma_start3A_544 = arith.constant 0 : i32
          %dma_start3A_545 = tpu.memref_slice %arg6[%run_scoped3A_532, %dma_start3A_544] : memref<4x128xi32, #tpu.memory_space<vmem>> -> memref<1x128xi32, #tpu.memory_space<vmem>>
          %dma_start3A_546 = tpu.memref_squeeze %dma_start3A_545 : memref<1x128xi32, #tpu.memory_space<vmem>> -> memref<128xi32, #tpu.memory_space<vmem>>
          %dma_start3A_547 = arith.constant 0 : i32
          %dma_start3A_548 = arith.constant 0 : i32
          %dma_start3A_549 = tpu.memref_slice %arg8[%dma_start3A_547, %dma_start3A_548] : memref<5008x128xf32, #tpu.memory_space<vmem_shared>> -> memref<5008x128xf32, #tpu.memory_space<vmem_shared>>
          tpu.enqueue_indirect_dma source(%dma_start3A_543 : memref<128x128xf32, #tpu.memory_space<vmem>>) target(%dma_start3A_549 : memref<5008x128xf32, #tpu.memory_space<vmem_shared>>) offsets(%dma_start3A_546 : memref<128xi32, #tpu.memory_space<vmem>>) semaphore(%run_scoped3A_539 : memref<!tpu.dma_semaphore, #tpu.memory_space<semaphore_mem>>) {add = true}
          %dma_wait3A_550 = arith.constant 0 : i32
          %dma_wait3A_551 = arith.constant 0 : i32
          %dma_wait3A_552 = tpu.memref_slice %arg5[%run_scoped3A, %dma_wait3A_550, %dma_wait3A_551] : memref<4x128x128xf32, #tpu.memory_space<vmem>> -> memref<1x128x128xf32, #tpu.memory_space<vmem>>
          %dma_wait3A_553 = tpu.memref_squeeze %dma_wait3A_552 : memref<1x128x128xf32, #tpu.memory_space<vmem>> -> memref<128x128xf32, #tpu.memory_space<vmem>>
          %dma_wait3A_554 = arith.constant 0 : i32
          %dma_wait3A_555 = tpu.memref_slice %arg6[%run_scoped3A_532, %dma_wait3A_554] : memref<4x128xi32, #tpu.memory_space<vmem>> -> memref<1x128xi32, #tpu.memory_space<vmem>>
          %dma_wait3A_556 = tpu.memref_squeeze %dma_wait3A_555 : memref<1x128xi32, #tpu.memory_space<vmem>> -> memref<128xi32, #tpu.memory_space<vmem>>
          %dma_wait3A_557 = arith.constant 0 : i32
          %dma_wait3A_558 = arith.constant 0 : i32
          %dma_wait3A_559 = tpu.memref_slice %arg8[%dma_wait3A_557, %dma_wait3A_558] : memref<5008x128xf32, #tpu.memory_space<vmem_shared>> -> memref<5008x128xf32, #tpu.memory_space<vmem_shared>>
          tpu.wait_indirect_dma semaphore(%run_scoped3A_539 : memref<!tpu.dma_semaphore, #tpu.memory_space<semaphore_mem>>) src(%dma_wait3A_553 : memref<128x128xf32, #tpu.memory_space<vmem>>) dst(%dma_wait3A_559 : memref<5008x128xf32, #tpu.memory_space<vmem_shared>>)
          tpu.yield
        }) : () -> ()
        %add3A_533 = arith.constant 4 : i32
        %add3A_534 = arith.addi %add3A_304, %add3A_533 : i32
        %lt3A_535 = arith.cmpi slt, %add3A_534, %min3A : i32
        %convert_element_type3A_536 = arith.extui %lt3A_535 : i1 to i32
        %cond3A_537 = arith.constant 0 : i32
        %cond3A_538 = arith.cmpi ne, %convert_element_type3A_536, %cond3A_537 : i32
        scf.if %cond3A_538 {
          %add3A_539 = arith.constant 4 : i32
          %add3A_540 = arith.addi %add3A_304, %add3A_539 : i32
          %add3A_541 = arith.addi %mul3A_167, %mul3A_201 : i32
          %add3A_542 = arith.addi %add3A_541, %add3A_540 : i32
          %mul3A_543 = arith.constant 128 : i32
          %mul3A_544 = arith.muli %add3A_542, %mul3A_543 : i32
          %multiple_of3A_545 = tpu.assume_multiple %mul3A_544, 8 : i32
          %dma_start3A_546 = arith.constant 1 : i32
          %dma_start3A_547 = arith.constant 0 : i32
          %dma_start3A_548 = arith.constant 0 : i32
          %dma_start3A_549 = tpu.memref_slice %arg5[%dma_start3A_546, %dma_start3A_547, %dma_start3A_548] : memref<4x128x128xf32, #tpu.memory_space<vmem>> -> memref<1x128x128xf32, #tpu.memory_space<vmem>>
          %dma_start3A_550 = tpu.memref_squeeze %dma_start3A_549 : memref<1x128x128xf32, #tpu.memory_space<vmem>> -> memref<128x128xf32, #tpu.memory_space<vmem>>
          %dma_start3A_551 = arith.constant 0 : i32
          %dma_start3A_552 = tpu.memref_slice %arg2[%multiple_of3A_545, %dma_start3A_551] : memref<320000x128xf32, #tpu.memory_space<hbm>> -> memref<128x128xf32, #tpu.memory_space<hbm>>
          %dma_start3A_553 = arith.constant 0 : i32
          %dma_start3A_554 = arith.constant 0 : i32
          %dma_start3A_555 = tpu.memref_slice %arg5[%dma_start3A_546, %dma_start3A_553, %dma_start3A_554] : memref<4x128x128xf32, #tpu.memory_space<vmem>> -> memref<1x128x128xf32, #tpu.memory_space<vmem>>
          %dma_start3A_556 = tpu.memref_squeeze %dma_start3A_555 : memref<1x128x128xf32, #tpu.memory_space<vmem>> -> memref<128x128xf32, #tpu.memory_space<vmem>>
          %dma_start3A_557 = arith.constant 0 : i32
          %dma_start3A_558 = tpu.memref_slice %arg2[%multiple_of3A_545, %dma_start3A_557] : memref<320000x128xf32, #tpu.memory_space<hbm>> -> memref<128x128xf32, #tpu.memory_space<hbm>>
          tpu.enqueue_dma source(%dma_start3A_558 : memref<128x128xf32, #tpu.memory_space<hbm>>) target(%dma_start3A_556 : memref<128x128xf32, #tpu.memory_space<vmem>>) target_semaphore(%arg10 : memref<!tpu.dma_semaphore, #tpu.memory_space<semaphore_mem>>)
          %dma_start3A_559 = arith.constant 1 : i32
          %dma_start3A_560 = arith.constant 0 : i32
          %dma_start3A_561 = tpu.memref_slice %arg6[%dma_start3A_559, %dma_start3A_560] : memref<4x128xi32, #tpu.memory_space<vmem>> -> memref<1x128xi32, #tpu.memory_space<vmem>>
          %dma_start3A_562 = tpu.memref_squeeze %dma_start3A_561 : memref<1x128xi32, #tpu.memory_space<vmem>> -> memref<128xi32, #tpu.memory_space<vmem>>
          %dma_start3A_563 = tpu.memref_slice %arg3[%multiple_of3A_545] : memref<320000xi32, #tpu.memory_space<hbm>> -> memref<128xi32, #tpu.memory_space<hbm>>
          %dma_start3A_564 = arith.constant 0 : i32
          %dma_start3A_565 = tpu.memref_slice %arg6[%dma_start3A_559, %dma_start3A_564] : memref<4x128xi32, #tpu.memory_space<vmem>> -> memref<1x128xi32, #tpu.memory_space<vmem>>
          %dma_start3A_566 = tpu.memref_squeeze %dma_start3A_565 : memref<1x128xi32, #tpu.memory_space<vmem>> -> memref<128xi32, #tpu.memory_space<vmem>>
          %dma_start3A_567 = tpu.memref_slice %arg3[%multiple_of3A_545] : memref<320000xi32, #tpu.memory_space<hbm>> -> memref<128xi32, #tpu.memory_space<hbm>>
          tpu.enqueue_dma source(%dma_start3A_567 : memref<128xi32, #tpu.memory_space<hbm>>) target(%dma_start3A_566 : memref<128xi32, #tpu.memory_space<vmem>>) target_semaphore(%arg10 : memref<!tpu.dma_semaphore, #tpu.memory_space<semaphore_mem>>)
        } else {
        }
      } else {
      }
      %mul3A_309 = arith.constant 4 : i32
      %mul3A_310 = arith.muli %while3A_292, %mul3A_309 : i32
      %add3A_311 = arith.constant 2 : i32
      %add3A_312 = arith.addi %mul3A_310, %add3A_311 : i32
      %lt3A_313 = arith.cmpi slt, %add3A_312, %min3A : i32
      %convert_element_type3A_314 = arith.extui %lt3A_313 : i1 to i32
      %cond3A_315 = arith.constant 0 : i32
      %cond3A_316 = arith.cmpi ne, %convert_element_type3A_314, %cond3A_315 : i32
      scf.if %cond3A_316 {
        %add3A_325 = arith.addi %mul3A_167, %mul3A_201 : i32
        %add3A_326 = arith.addi %add3A_325, %add3A_312 : i32
        %mul3A_327 = arith.constant 128 : i32
        %mul3A_328 = arith.muli %add3A_326, %mul3A_327 : i32
        %multiple_of3A_329 = tpu.assume_multiple %mul3A_328, 8 : i32
        %dma_wait3A_330 = arith.constant 2 : i32
        %dma_wait3A_331 = arith.constant 0 : i32
        %dma_wait3A_332 = arith.constant 0 : i32
        %dma_wait3A_333 = tpu.memref_slice %arg5[%dma_wait3A_330, %dma_wait3A_331, %dma_wait3A_332] : memref<4x128x128xf32, #tpu.memory_space<vmem>> -> memref<1x128x128xf32, #tpu.memory_space<vmem>>
        %dma_wait3A_334 = tpu.memref_squeeze %dma_wait3A_333 : memref<1x128x128xf32, #tpu.memory_space<vmem>> -> memref<128x128xf32, #tpu.memory_space<vmem>>
        %dma_wait3A_335 = arith.constant 0 : i32
        %dma_wait3A_336 = tpu.memref_slice %arg2[%multiple_of3A_329, %dma_wait3A_335] : memref<320000x128xf32, #tpu.memory_space<hbm>> -> memref<128x128xf32, #tpu.memory_space<hbm>>
        %dma_wait3A_337 = arith.constant 0 : i32
        %dma_wait3A_338 = arith.constant 0 : i32
        %dma_wait3A_339 = tpu.memref_slice %arg5[%dma_wait3A_330, %dma_wait3A_337, %dma_wait3A_338] : memref<4x128x128xf32, #tpu.memory_space<vmem>> -> memref<1x128x128xf32, #tpu.memory_space<vmem>>
        %dma_wait3A_340 = tpu.memref_squeeze %dma_wait3A_339 : memref<1x128x128xf32, #tpu.memory_space<vmem>> -> memref<128x128xf32, #tpu.memory_space<vmem>>
        %dma_wait3A_341 = arith.constant 0 : i32
        %dma_wait3A_342 = tpu.memref_slice %arg2[%multiple_of3A_329, %dma_wait3A_341] : memref<320000x128xf32, #tpu.memory_space<hbm>> -> memref<128x128xf32, #tpu.memory_space<hbm>>
        tpu.wait_dma2 semaphore(%arg11 : memref<!tpu.dma_semaphore, #tpu.memory_space<semaphore_mem>>) src(%dma_wait3A_342 : memref<128x128xf32, #tpu.memory_space<hbm>>) dst(%dma_wait3A_340 : memref<128x128xf32, #tpu.memory_space<vmem>>)
        %dma_wait3A_343 = arith.constant 2 : i32
        %dma_wait3A_344 = arith.constant 0 : i32
        %dma_wait3A_345 = tpu.memref_slice %arg6[%dma_wait3A_343, %dma_wait3A_344] : memref<4x128xi32, #tpu.memory_space<vmem>> -> memref<1x128xi32, #tpu.memory_space<vmem>>
        %dma_wait3A_346 = tpu.memref_squeeze %dma_wait3A_345 : memref<1x128xi32, #tpu.memory_space<vmem>> -> memref<128xi32, #tpu.memory_space<vmem>>
        %dma_wait3A_347 = tpu.memref_slice %arg3[%multiple_of3A_329] : memref<320000xi32, #tpu.memory_space<hbm>> -> memref<128xi32, #tpu.memory_space<hbm>>
        %dma_wait3A_348 = arith.constant 0 : i32
        %dma_wait3A_349 = tpu.memref_slice %arg6[%dma_wait3A_343, %dma_wait3A_348] : memref<4x128xi32, #tpu.memory_space<vmem>> -> memref<1x128xi32, #tpu.memory_space<vmem>>
        %dma_wait3A_350 = tpu.memref_squeeze %dma_wait3A_349 : memref<1x128xi32, #tpu.memory_space<vmem>> -> memref<128xi32, #tpu.memory_space<vmem>>
        %dma_wait3A_351 = tpu.memref_slice %arg3[%multiple_of3A_329] : memref<320000xi32, #tpu.memory_space<hbm>> -> memref<128xi32, #tpu.memory_space<hbm>>
        tpu.wait_dma2 semaphore(%arg11 : memref<!tpu.dma_semaphore, #tpu.memory_space<semaphore_mem>>) src(%dma_wait3A_351 : memref<128xi32, #tpu.memory_space<hbm>>) dst(%dma_wait3A_350 : memref<128xi32, #tpu.memory_space<vmem>>)
        %get3A = arith.constant 2 : i32
        %get3A_352 = arith.index_cast %get3A : i32 to index
        %get3A_353 = arith.constant 0 : index
        %get3A_354 = tpu.vector_load %arg6[%get3A_352, %get3A_353] {strides = array<i32>} : memref<4x128xi32, #tpu.memory_space<vmem>>, vector<1x16xi32>,
        %get3A_355 = vector.shape_cast %get3A_354 : vector<1x16xi32> to vector<16xi32>
        %sub3A_356 = vector.broadcast %mul3A_206 : i32 to vector<16xi32>
        %sub3A_357 = arith.subi %get3A_355, %sub3A_356 : vector<16xi32>
        %lt3A_358 = arith.constant 0 : i32
        %lt3A_359 = vector.broadcast %lt3A_358 : i32 to vector<16xi32>
        %lt3A_360 = arith.cmpi slt, %sub3A_357, %lt3A_359 : vector<16xi32>
        %ge3A = arith.constant 5000 : i32
        %ge3A_361 = vector.broadcast %ge3A : i32 to vector<16xi32>
        %ge3A_362 = arith.cmpi sge, %sub3A_357, %ge3A_361 : vector<16xi32>
        %or3A = arith.ori %lt3A_360, %ge3A_362 : vector<16xi1>
        %jit3A_363 = arith.constant 5000 : i32
        %broadcast_in_dim3A_364 = vector.broadcast %jit3A_363 : i32 to vector<16xi32>
        %select_n3A_365 = arith.select %or3A, %broadcast_in_dim3A_364, %sub3A_357 : vector<16xi1>, vector<16xi32>
        %swap3A = arith.constant 2 : i32
        %swap3A_366 = arith.index_cast %swap3A : i32 to index
        %swap3A_367 = arith.constant 0 : index
        %swap3A_368 = tpu.vector_load %arg6[%swap3A_366, %swap3A_367] {strides = array<i32>} : memref<4x128xi32, #tpu.memory_space<vmem>>, vector<1x16xi32>,
        %swap3A_369 = vector.shape_cast %swap3A_368 : vector<1x16xi32> to vector<16xi32>
        %swap3A_370 = vector.shape_cast %select_n3A_365 : vector<16xi32> to vector<1x16xi32>
        tpu.vector_store %arg6[%swap3A_366, %swap3A_367], %swap3A_370 {strides = array<i32>} : memref<4x128xi32, #tpu.memory_space<vmem>>, vector<1x16xi32>,
        %get3A_371 = arith.constant 2 : i32
        %get3A_372 = arith.index_cast %get3A_371 : i32 to index
        %get3A_373 = arith.constant 16 : index
        %get3A_374 = tpu.vector_load %arg6[%get3A_372, %get3A_373] {strides = array<i32>} : memref<4x128xi32, #tpu.memory_space<vmem>>, vector<1x16xi32>,
        %get3A_375 = vector.shape_cast %get3A_374 : vector<1x16xi32> to vector<16xi32>
        %sub3A_376 = vector.broadcast %mul3A_206 : i32 to vector<16xi32>
        %sub3A_377 = arith.subi %get3A_375, %sub3A_376 : vector<16xi32>
        %lt3A_378 = arith.constant 0 : i32
        %lt3A_379 = vector.broadcast %lt3A_378 : i32 to vector<16xi32>
        %lt3A_380 = arith.cmpi slt, %sub3A_377, %lt3A_379 : vector<16xi32>
        %ge3A_381 = arith.constant 5000 : i32
        %ge3A_382 = vector.broadcast %ge3A_381 : i32 to vector<16xi32>
        %ge3A_383 = arith.cmpi sge, %sub3A_377, %ge3A_382 : vector<16xi32>
        %or3A_384 = arith.ori %lt3A_380, %ge3A_383 : vector<16xi1>
        %jit3A_385 = arith.constant 5000 : i32
        %broadcast_in_dim3A_386 = vector.broadcast %jit3A_385 : i32 to vector<16xi32>
        %select_n3A_387 = arith.select %or3A_384, %broadcast_in_dim3A_386, %sub3A_377 : vector<16xi1>, vector<16xi32>
        %swap3A_388 = arith.constant 2 : i32
        %swap3A_389 = arith.index_cast %swap3A_388 : i32 to index
        %swap3A_390 = arith.constant 16 : index
        %swap3A_391 = tpu.vector_load %arg6[%swap3A_389, %swap3A_390] {strides = array<i32>} : memref<4x128xi32, #tpu.memory_space<vmem>>, vector<1x16xi32>,
        %swap3A_392 = vector.shape_cast %swap3A_391 : vector<1x16xi32> to vector<16xi32>
        %swap3A_393 = vector.shape_cast %select_n3A_387 : vector<16xi32> to vector<1x16xi32>
        tpu.vector_store %arg6[%swap3A_389, %swap3A_390], %swap3A_393 {strides = array<i32>} : memref<4x128xi32, #tpu.memory_space<vmem>>, vector<1x16xi32>,
        %get3A_394 = arith.constant 2 : i32
        %get3A_395 = arith.index_cast %get3A_394 : i32 to index
        %get3A_396 = arith.constant 32 : index
        %get3A_397 = tpu.vector_load %arg6[%get3A_395, %get3A_396] {strides = array<i32>} : memref<4x128xi32, #tpu.memory_space<vmem>>, vector<1x16xi32>,
        %get3A_398 = vector.shape_cast %get3A_397 : vector<1x16xi32> to vector<16xi32>
        %sub3A_399 = vector.broadcast %mul3A_206 : i32 to vector<16xi32>
        %sub3A_400 = arith.subi %get3A_398, %sub3A_399 : vector<16xi32>
        %lt3A_401 = arith.constant 0 : i32
        %lt3A_402 = vector.broadcast %lt3A_401 : i32 to vector<16xi32>
        %lt3A_403 = arith.cmpi slt, %sub3A_400, %lt3A_402 : vector<16xi32>
        %ge3A_404 = arith.constant 5000 : i32
        %ge3A_405 = vector.broadcast %ge3A_404 : i32 to vector<16xi32>
        %ge3A_406 = arith.cmpi sge, %sub3A_400, %ge3A_405 : vector<16xi32>
        %or3A_407 = arith.ori %lt3A_403, %ge3A_406 : vector<16xi1>
        %jit3A_408 = arith.constant 5000 : i32
        %broadcast_in_dim3A_409 = vector.broadcast %jit3A_408 : i32 to vector<16xi32>
        %select_n3A_410 = arith.select %or3A_407, %broadcast_in_dim3A_409, %sub3A_400 : vector<16xi1>, vector<16xi32>
        %swap3A_411 = arith.constant 2 : i32
        %swap3A_412 = arith.index_cast %swap3A_411 : i32 to index
        %swap3A_413 = arith.constant 32 : index
        %swap3A_414 = tpu.vector_load %arg6[%swap3A_412, %swap3A_413] {strides = array<i32>} : memref<4x128xi32, #tpu.memory_space<vmem>>, vector<1x16xi32>,
        %swap3A_415 = vector.shape_cast %swap3A_414 : vector<1x16xi32> to vector<16xi32>
        %swap3A_416 = vector.shape_cast %select_n3A_410 : vector<16xi32> to vector<1x16xi32>
        tpu.vector_store %arg6[%swap3A_412, %swap3A_413], %swap3A_416 {strides = array<i32>} : memref<4x128xi32, #tpu.memory_space<vmem>>, vector<1x16xi32>,
        %get3A_417 = arith.constant 2 : i32
        %get3A_418 = arith.index_cast %get3A_417 : i32 to index
        %get3A_419 = arith.constant 48 : index
        %get3A_420 = tpu.vector_load %arg6[%get3A_418, %get3A_419] {strides = array<i32>} : memref<4x128xi32, #tpu.memory_space<vmem>>, vector<1x16xi32>,
        %get3A_421 = vector.shape_cast %get3A_420 : vector<1x16xi32> to vector<16xi32>
        %sub3A_422 = vector.broadcast %mul3A_206 : i32 to vector<16xi32>
        %sub3A_423 = arith.subi %get3A_421, %sub3A_422 : vector<16xi32>
        %lt3A_424 = arith.constant 0 : i32
        %lt3A_425 = vector.broadcast %lt3A_424 : i32 to vector<16xi32>
        %lt3A_426 = arith.cmpi slt, %sub3A_423, %lt3A_425 : vector<16xi32>
        %ge3A_427 = arith.constant 5000 : i32
        %ge3A_428 = vector.broadcast %ge3A_427 : i32 to vector<16xi32>
        %ge3A_429 = arith.cmpi sge, %sub3A_423, %ge3A_428 : vector<16xi32>
        %or3A_430 = arith.ori %lt3A_426, %ge3A_429 : vector<16xi1>
        %jit3A_431 = arith.constant 5000 : i32
        %broadcast_in_dim3A_432 = vector.broadcast %jit3A_431 : i32 to vector<16xi32>
        %select_n3A_433 = arith.select %or3A_430, %broadcast_in_dim3A_432, %sub3A_423 : vector<16xi1>, vector<16xi32>
        %swap3A_434 = arith.constant 2 : i32
        %swap3A_435 = arith.index_cast %swap3A_434 : i32 to index
        %swap3A_436 = arith.constant 48 : index
        %swap3A_437 = tpu.vector_load %arg6[%swap3A_435, %swap3A_436] {strides = array<i32>} : memref<4x128xi32, #tpu.memory_space<vmem>>, vector<1x16xi32>,
        %swap3A_438 = vector.shape_cast %swap3A_437 : vector<1x16xi32> to vector<16xi32>
        %swap3A_439 = vector.shape_cast %select_n3A_433 : vector<16xi32> to vector<1x16xi32>
        tpu.vector_store %arg6[%swap3A_435, %swap3A_436], %swap3A_439 {strides = array<i32>} : memref<4x128xi32, #tpu.memory_space<vmem>>, vector<1x16xi32>,
        %get3A_440 = arith.constant 2 : i32
        %get3A_441 = arith.index_cast %get3A_440 : i32 to index
        %get3A_442 = arith.constant 64 : index
        %get3A_443 = tpu.vector_load %arg6[%get3A_441, %get3A_442] {strides = array<i32>} : memref<4x128xi32, #tpu.memory_space<vmem>>, vector<1x16xi32>,
        %get3A_444 = vector.shape_cast %get3A_443 : vector<1x16xi32> to vector<16xi32>
        %sub3A_445 = vector.broadcast %mul3A_206 : i32 to vector<16xi32>
        %sub3A_446 = arith.subi %get3A_444, %sub3A_445 : vector<16xi32>
        %lt3A_447 = arith.constant 0 : i32
        %lt3A_448 = vector.broadcast %lt3A_447 : i32 to vector<16xi32>
        %lt3A_449 = arith.cmpi slt, %sub3A_446, %lt3A_448 : vector<16xi32>
        %ge3A_450 = arith.constant 5000 : i32
        %ge3A_451 = vector.broadcast %ge3A_450 : i32 to vector<16xi32>
        %ge3A_452 = arith.cmpi sge, %sub3A_446, %ge3A_451 : vector<16xi32>
        %or3A_453 = arith.ori %lt3A_449, %ge3A_452 : vector<16xi1>
        %jit3A_454 = arith.constant 5000 : i32
        %broadcast_in_dim3A_455 = vector.broadcast %jit3A_454 : i32 to vector<16xi32>
        %select_n3A_456 = arith.select %or3A_453, %broadcast_in_dim3A_455, %sub3A_446 : vector<16xi1>, vector<16xi32>
        %swap3A_457 = arith.constant 2 : i32
        %swap3A_458 = arith.index_cast %swap3A_457 : i32 to index
        %swap3A_459 = arith.constant 64 : index
        %swap3A_460 = tpu.vector_load %arg6[%swap3A_458, %swap3A_459] {strides = array<i32>} : memref<4x128xi32, #tpu.memory_space<vmem>>, vector<1x16xi32>,
        %swap3A_461 = vector.shape_cast %swap3A_460 : vector<1x16xi32> to vector<16xi32>
        %swap3A_462 = vector.shape_cast %select_n3A_456 : vector<16xi32> to vector<1x16xi32>
        tpu.vector_store %arg6[%swap3A_458, %swap3A_459], %swap3A_462 {strides = array<i32>} : memref<4x128xi32, #tpu.memory_space<vmem>>, vector<1x16xi32>,
        %get3A_463 = arith.constant 2 : i32
        %get3A_464 = arith.index_cast %get3A_463 : i32 to index
        %get3A_465 = arith.constant 80 : index
        %get3A_466 = tpu.vector_load %arg6[%get3A_464, %get3A_465] {strides = array<i32>} : memref<4x128xi32, #tpu.memory_space<vmem>>, vector<1x16xi32>,
        %get3A_467 = vector.shape_cast %get3A_466 : vector<1x16xi32> to vector<16xi32>
        %sub3A_468 = vector.broadcast %mul3A_206 : i32 to vector<16xi32>
        %sub3A_469 = arith.subi %get3A_467, %sub3A_468 : vector<16xi32>
        %lt3A_470 = arith.constant 0 : i32
        %lt3A_471 = vector.broadcast %lt3A_470 : i32 to vector<16xi32>
        %lt3A_472 = arith.cmpi slt, %sub3A_469, %lt3A_471 : vector<16xi32>
        %ge3A_473 = arith.constant 5000 : i32
        %ge3A_474 = vector.broadcast %ge3A_473 : i32 to vector<16xi32>
        %ge3A_475 = arith.cmpi sge, %sub3A_469, %ge3A_474 : vector<16xi32>
        %or3A_476 = arith.ori %lt3A_472, %ge3A_475 : vector<16xi1>
        %jit3A_477 = arith.constant 5000 : i32
        %broadcast_in_dim3A_478 = vector.broadcast %jit3A_477 : i32 to vector<16xi32>
        %select_n3A_479 = arith.select %or3A_476, %broadcast_in_dim3A_478, %sub3A_469 : vector<16xi1>, vector<16xi32>
        %swap3A_480 = arith.constant 2 : i32
        %swap3A_481 = arith.index_cast %swap3A_480 : i32 to index
        %swap3A_482 = arith.constant 80 : index
        %swap3A_483 = tpu.vector_load %arg6[%swap3A_481, %swap3A_482] {strides = array<i32>} : memref<4x128xi32, #tpu.memory_space<vmem>>, vector<1x16xi32>,
        %swap3A_484 = vector.shape_cast %swap3A_483 : vector<1x16xi32> to vector<16xi32>
        %swap3A_485 = vector.shape_cast %select_n3A_479 : vector<16xi32> to vector<1x16xi32>
        tpu.vector_store %arg6[%swap3A_481, %swap3A_482], %swap3A_485 {strides = array<i32>} : memref<4x128xi32, #tpu.memory_space<vmem>>, vector<1x16xi32>,
        %get3A_486 = arith.constant 2 : i32
        %get3A_487 = arith.index_cast %get3A_486 : i32 to index
        %get3A_488 = arith.constant 96 : index
        %get3A_489 = tpu.vector_load %arg6[%get3A_487, %get3A_488] {strides = array<i32>} : memref<4x128xi32, #tpu.memory_space<vmem>>, vector<1x16xi32>,
        %get3A_490 = vector.shape_cast %get3A_489 : vector<1x16xi32> to vector<16xi32>
        %sub3A_491 = vector.broadcast %mul3A_206 : i32 to vector<16xi32>
        %sub3A_492 = arith.subi %get3A_490, %sub3A_491 : vector<16xi32>
        %lt3A_493 = arith.constant 0 : i32
        %lt3A_494 = vector.broadcast %lt3A_493 : i32 to vector<16xi32>
        %lt3A_495 = arith.cmpi slt, %sub3A_492, %lt3A_494 : vector<16xi32>
        %ge3A_496 = arith.constant 5000 : i32
        %ge3A_497 = vector.broadcast %ge3A_496 : i32 to vector<16xi32>
        %ge3A_498 = arith.cmpi sge, %sub3A_492, %ge3A_497 : vector<16xi32>
        %or3A_499 = arith.ori %lt3A_495, %ge3A_498 : vector<16xi1>
        %jit3A_500 = arith.constant 5000 : i32
        %broadcast_in_dim3A_501 = vector.broadcast %jit3A_500 : i32 to vector<16xi32>
        %select_n3A_502 = arith.select %or3A_499, %broadcast_in_dim3A_501, %sub3A_492 : vector<16xi1>, vector<16xi32>
        %swap3A_503 = arith.constant 2 : i32
        %swap3A_504 = arith.index_cast %swap3A_503 : i32 to index
        %swap3A_505 = arith.constant 96 : index
        %swap3A_506 = tpu.vector_load %arg6[%swap3A_504, %swap3A_505] {strides = array<i32>} : memref<4x128xi32, #tpu.memory_space<vmem>>, vector<1x16xi32>,
        %swap3A_507 = vector.shape_cast %swap3A_506 : vector<1x16xi32> to vector<16xi32>
        %swap3A_508 = vector.shape_cast %select_n3A_502 : vector<16xi32> to vector<1x16xi32>
        tpu.vector_store %arg6[%swap3A_504, %swap3A_505], %swap3A_508 {strides = array<i32>} : memref<4x128xi32, #tpu.memory_space<vmem>>, vector<1x16xi32>,
        %get3A_509 = arith.constant 2 : i32
        %get3A_510 = arith.index_cast %get3A_509 : i32 to index
        %get3A_511 = arith.constant 112 : index
        %get3A_512 = tpu.vector_load %arg6[%get3A_510, %get3A_511] {strides = array<i32>} : memref<4x128xi32, #tpu.memory_space<vmem>>, vector<1x16xi32>,
        %get3A_513 = vector.shape_cast %get3A_512 : vector<1x16xi32> to vector<16xi32>
        %sub3A_514 = vector.broadcast %mul3A_206 : i32 to vector<16xi32>
        %sub3A_515 = arith.subi %get3A_513, %sub3A_514 : vector<16xi32>
        %lt3A_516 = arith.constant 0 : i32
        %lt3A_517 = vector.broadcast %lt3A_516 : i32 to vector<16xi32>
        %lt3A_518 = arith.cmpi slt, %sub3A_515, %lt3A_517 : vector<16xi32>
        %ge3A_519 = arith.constant 5000 : i32
        %ge3A_520 = vector.broadcast %ge3A_519 : i32 to vector<16xi32>
        %ge3A_521 = arith.cmpi sge, %sub3A_515, %ge3A_520 : vector<16xi32>
        %or3A_522 = arith.ori %lt3A_518, %ge3A_521 : vector<16xi1>
        %jit3A_523 = arith.constant 5000 : i32
        %broadcast_in_dim3A_524 = vector.broadcast %jit3A_523 : i32 to vector<16xi32>
        %select_n3A_525 = arith.select %or3A_522, %broadcast_in_dim3A_524, %sub3A_515 : vector<16xi1>, vector<16xi32>
        %swap3A_526 = arith.constant 2 : i32
        %swap3A_527 = arith.index_cast %swap3A_526 : i32 to index
        %swap3A_528 = arith.constant 112 : index
        %swap3A_529 = tpu.vector_load %arg6[%swap3A_527, %swap3A_528] {strides = array<i32>} : memref<4x128xi32, #tpu.memory_space<vmem>>, vector<1x16xi32>,
        %swap3A_530 = vector.shape_cast %swap3A_529 : vector<1x16xi32> to vector<16xi32>
        %swap3A_531 = vector.shape_cast %select_n3A_525 : vector<16xi32> to vector<1x16xi32>
        tpu.vector_store %arg6[%swap3A_527, %swap3A_528], %swap3A_531 {strides = array<i32>} : memref<4x128xi32, #tpu.memory_space<vmem>>, vector<1x16xi32>,
        %run_scoped3A = arith.constant 2 : i32
        %run_scoped3A_532 = arith.constant 2 : i32
        "tpu.region"() ({
          %run_scoped3A_539 = tpu.sem_alloc : memref<!tpu.dma_semaphore, #tpu.memory_space<semaphore_mem>>
          %dma_start3A_540 = arith.constant 0 : i32
          %dma_start3A_541 = arith.constant 0 : i32
          %dma_start3A_542 = tpu.memref_slice %arg5[%run_scoped3A, %dma_start3A_540, %dma_start3A_541] : memref<4x128x128xf32, #tpu.memory_space<vmem>> -> memref<1x128x128xf32, #tpu.memory_space<vmem>>
          %dma_start3A_543 = tpu.memref_squeeze %dma_start3A_542 : memref<1x128x128xf32, #tpu.memory_space<vmem>> -> memref<128x128xf32, #tpu.memory_space<vmem>>
          %dma_start3A_544 = arith.constant 0 : i32
          %dma_start3A_545 = tpu.memref_slice %arg6[%run_scoped3A_532, %dma_start3A_544] : memref<4x128xi32, #tpu.memory_space<vmem>> -> memref<1x128xi32, #tpu.memory_space<vmem>>
          %dma_start3A_546 = tpu.memref_squeeze %dma_start3A_545 : memref<1x128xi32, #tpu.memory_space<vmem>> -> memref<128xi32, #tpu.memory_space<vmem>>
          %dma_start3A_547 = arith.constant 0 : i32
          %dma_start3A_548 = arith.constant 0 : i32
          %dma_start3A_549 = tpu.memref_slice %arg8[%dma_start3A_547, %dma_start3A_548] : memref<5008x128xf32, #tpu.memory_space<vmem_shared>> -> memref<5008x128xf32, #tpu.memory_space<vmem_shared>>
          tpu.enqueue_indirect_dma source(%dma_start3A_543 : memref<128x128xf32, #tpu.memory_space<vmem>>) target(%dma_start3A_549 : memref<5008x128xf32, #tpu.memory_space<vmem_shared>>) offsets(%dma_start3A_546 : memref<128xi32, #tpu.memory_space<vmem>>) semaphore(%run_scoped3A_539 : memref<!tpu.dma_semaphore, #tpu.memory_space<semaphore_mem>>) {add = true}
          %dma_wait3A_550 = arith.constant 0 : i32
          %dma_wait3A_551 = arith.constant 0 : i32
          %dma_wait3A_552 = tpu.memref_slice %arg5[%run_scoped3A, %dma_wait3A_550, %dma_wait3A_551] : memref<4x128x128xf32, #tpu.memory_space<vmem>> -> memref<1x128x128xf32, #tpu.memory_space<vmem>>
          %dma_wait3A_553 = tpu.memref_squeeze %dma_wait3A_552 : memref<1x128x128xf32, #tpu.memory_space<vmem>> -> memref<128x128xf32, #tpu.memory_space<vmem>>
          %dma_wait3A_554 = arith.constant 0 : i32
          %dma_wait3A_555 = tpu.memref_slice %arg6[%run_scoped3A_532, %dma_wait3A_554] : memref<4x128xi32, #tpu.memory_space<vmem>> -> memref<1x128xi32, #tpu.memory_space<vmem>>
          %dma_wait3A_556 = tpu.memref_squeeze %dma_wait3A_555 : memref<1x128xi32, #tpu.memory_space<vmem>> -> memref<128xi32, #tpu.memory_space<vmem>>
          %dma_wait3A_557 = arith.constant 0 : i32
          %dma_wait3A_558 = arith.constant 0 : i32
          %dma_wait3A_559 = tpu.memref_slice %arg8[%dma_wait3A_557, %dma_wait3A_558] : memref<5008x128xf32, #tpu.memory_space<vmem_shared>> -> memref<5008x128xf32, #tpu.memory_space<vmem_shared>>
          tpu.wait_indirect_dma semaphore(%run_scoped3A_539 : memref<!tpu.dma_semaphore, #tpu.memory_space<semaphore_mem>>) src(%dma_wait3A_553 : memref<128x128xf32, #tpu.memory_space<vmem>>) dst(%dma_wait3A_559 : memref<5008x128xf32, #tpu.memory_space<vmem_shared>>)
          tpu.yield
        }) : () -> ()
        %add3A_533 = arith.constant 4 : i32
        %add3A_534 = arith.addi %add3A_312, %add3A_533 : i32
        %lt3A_535 = arith.cmpi slt, %add3A_534, %min3A : i32
        %convert_element_type3A_536 = arith.extui %lt3A_535 : i1 to i32
        %cond3A_537 = arith.constant 0 : i32
        %cond3A_538 = arith.cmpi ne, %convert_element_type3A_536, %cond3A_537 : i32
        scf.if %cond3A_538 {
          %add3A_539 = arith.constant 4 : i32
          %add3A_540 = arith.addi %add3A_312, %add3A_539 : i32
          %add3A_541 = arith.addi %mul3A_167, %mul3A_201 : i32
          %add3A_542 = arith.addi %add3A_541, %add3A_540 : i32
          %mul3A_543 = arith.constant 128 : i32
          %mul3A_544 = arith.muli %add3A_542, %mul3A_543 : i32
          %multiple_of3A_545 = tpu.assume_multiple %mul3A_544, 8 : i32
          %dma_start3A_546 = arith.constant 2 : i32
          %dma_start3A_547 = arith.constant 0 : i32
          %dma_start3A_548 = arith.constant 0 : i32
          %dma_start3A_549 = tpu.memref_slice %arg5[%dma_start3A_546, %dma_start3A_547, %dma_start3A_548] : memref<4x128x128xf32, #tpu.memory_space<vmem>> -> memref<1x128x128xf32, #tpu.memory_space<vmem>>
          %dma_start3A_550 = tpu.memref_squeeze %dma_start3A_549 : memref<1x128x128xf32, #tpu.memory_space<vmem>> -> memref<128x128xf32, #tpu.memory_space<vmem>>
          %dma_start3A_551 = arith.constant 0 : i32
          %dma_start3A_552 = tpu.memref_slice %arg2[%multiple_of3A_545, %dma_start3A_551] : memref<320000x128xf32, #tpu.memory_space<hbm>> -> memref<128x128xf32, #tpu.memory_space<hbm>>
          %dma_start3A_553 = arith.constant 0 : i32
          %dma_start3A_554 = arith.constant 0 : i32
          %dma_start3A_555 = tpu.memref_slice %arg5[%dma_start3A_546, %dma_start3A_553, %dma_start3A_554] : memref<4x128x128xf32, #tpu.memory_space<vmem>> -> memref<1x128x128xf32, #tpu.memory_space<vmem>>
          %dma_start3A_556 = tpu.memref_squeeze %dma_start3A_555 : memref<1x128x128xf32, #tpu.memory_space<vmem>> -> memref<128x128xf32, #tpu.memory_space<vmem>>
          %dma_start3A_557 = arith.constant 0 : i32
          %dma_start3A_558 = tpu.memref_slice %arg2[%multiple_of3A_545, %dma_start3A_557] : memref<320000x128xf32, #tpu.memory_space<hbm>> -> memref<128x128xf32, #tpu.memory_space<hbm>>
          tpu.enqueue_dma source(%dma_start3A_558 : memref<128x128xf32, #tpu.memory_space<hbm>>) target(%dma_start3A_556 : memref<128x128xf32, #tpu.memory_space<vmem>>) target_semaphore(%arg11 : memref<!tpu.dma_semaphore, #tpu.memory_space<semaphore_mem>>)
          %dma_start3A_559 = arith.constant 2 : i32
          %dma_start3A_560 = arith.constant 0 : i32
          %dma_start3A_561 = tpu.memref_slice %arg6[%dma_start3A_559, %dma_start3A_560] : memref<4x128xi32, #tpu.memory_space<vmem>> -> memref<1x128xi32, #tpu.memory_space<vmem>>
          %dma_start3A_562 = tpu.memref_squeeze %dma_start3A_561 : memref<1x128xi32, #tpu.memory_space<vmem>> -> memref<128xi32, #tpu.memory_space<vmem>>
          %dma_start3A_563 = tpu.memref_slice %arg3[%multiple_of3A_545] : memref<320000xi32, #tpu.memory_space<hbm>> -> memref<128xi32, #tpu.memory_space<hbm>>
          %dma_start3A_564 = arith.constant 0 : i32
          %dma_start3A_565 = tpu.memref_slice %arg6[%dma_start3A_559, %dma_start3A_564] : memref<4x128xi32, #tpu.memory_space<vmem>> -> memref<1x128xi32, #tpu.memory_space<vmem>>
          %dma_start3A_566 = tpu.memref_squeeze %dma_start3A_565 : memref<1x128xi32, #tpu.memory_space<vmem>> -> memref<128xi32, #tpu.memory_space<vmem>>
          %dma_start3A_567 = tpu.memref_slice %arg3[%multiple_of3A_545] : memref<320000xi32, #tpu.memory_space<hbm>> -> memref<128xi32, #tpu.memory_space<hbm>>
          tpu.enqueue_dma source(%dma_start3A_567 : memref<128xi32, #tpu.memory_space<hbm>>) target(%dma_start3A_566 : memref<128xi32, #tpu.memory_space<vmem>>) target_semaphore(%arg11 : memref<!tpu.dma_semaphore, #tpu.memory_space<semaphore_mem>>)
        } else {
        }
      } else {
      }
      %mul3A_317 = arith.constant 4 : i32
      %mul3A_318 = arith.muli %while3A_292, %mul3A_317 : i32
      %add3A_319 = arith.constant 3 : i32
      %add3A_320 = arith.addi %mul3A_318, %add3A_319 : i32
      %lt3A_321 = arith.cmpi slt, %add3A_320, %min3A : i32
      %convert_element_type3A_322 = arith.extui %lt3A_321 : i1 to i32
      %cond3A_323 = arith.constant 0 : i32
      %cond3A_324 = arith.cmpi ne, %convert_element_type3A_322, %cond3A_323 : i32
      scf.if %cond3A_324 {
        %add3A_325 = arith.addi %mul3A_167, %mul3A_201 : i32
        %add3A_326 = arith.addi %add3A_325, %add3A_320 : i32
        %mul3A_327 = arith.constant 128 : i32
        %mul3A_328 = arith.muli %add3A_326, %mul3A_327 : i32
        %multiple_of3A_329 = tpu.assume_multiple %mul3A_328, 8 : i32
        %dma_wait3A_330 = arith.constant 3 : i32
        %dma_wait3A_331 = arith.constant 0 : i32
        %dma_wait3A_332 = arith.constant 0 : i32
        %dma_wait3A_333 = tpu.memref_slice %arg5[%dma_wait3A_330, %dma_wait3A_331, %dma_wait3A_332] : memref<4x128x128xf32, #tpu.memory_space<vmem>> -> memref<1x128x128xf32, #tpu.memory_space<vmem>>
        %dma_wait3A_334 = tpu.memref_squeeze %dma_wait3A_333 : memref<1x128x128xf32, #tpu.memory_space<vmem>> -> memref<128x128xf32, #tpu.memory_space<vmem>>
        %dma_wait3A_335 = arith.constant 0 : i32
        %dma_wait3A_336 = tpu.memref_slice %arg2[%multiple_of3A_329, %dma_wait3A_335] : memref<320000x128xf32, #tpu.memory_space<hbm>> -> memref<128x128xf32, #tpu.memory_space<hbm>>
        %dma_wait3A_337 = arith.constant 0 : i32
        %dma_wait3A_338 = arith.constant 0 : i32
        %dma_wait3A_339 = tpu.memref_slice %arg5[%dma_wait3A_330, %dma_wait3A_337, %dma_wait3A_338] : memref<4x128x128xf32, #tpu.memory_space<vmem>> -> memref<1x128x128xf32, #tpu.memory_space<vmem>>
        %dma_wait3A_340 = tpu.memref_squeeze %dma_wait3A_339 : memref<1x128x128xf32, #tpu.memory_space<vmem>> -> memref<128x128xf32, #tpu.memory_space<vmem>>
        %dma_wait3A_341 = arith.constant 0 : i32
        %dma_wait3A_342 = tpu.memref_slice %arg2[%multiple_of3A_329, %dma_wait3A_341] : memref<320000x128xf32, #tpu.memory_space<hbm>> -> memref<128x128xf32, #tpu.memory_space<hbm>>
        tpu.wait_dma2 semaphore(%arg12 : memref<!tpu.dma_semaphore, #tpu.memory_space<semaphore_mem>>) src(%dma_wait3A_342 : memref<128x128xf32, #tpu.memory_space<hbm>>) dst(%dma_wait3A_340 : memref<128x128xf32, #tpu.memory_space<vmem>>)
        %dma_wait3A_343 = arith.constant 3 : i32
        %dma_wait3A_344 = arith.constant 0 : i32
        %dma_wait3A_345 = tpu.memref_slice %arg6[%dma_wait3A_343, %dma_wait3A_344] : memref<4x128xi32, #tpu.memory_space<vmem>> -> memref<1x128xi32, #tpu.memory_space<vmem>>
        %dma_wait3A_346 = tpu.memref_squeeze %dma_wait3A_345 : memref<1x128xi32, #tpu.memory_space<vmem>> -> memref<128xi32, #tpu.memory_space<vmem>>
        %dma_wait3A_347 = tpu.memref_slice %arg3[%multiple_of3A_329] : memref<320000xi32, #tpu.memory_space<hbm>> -> memref<128xi32, #tpu.memory_space<hbm>>
        %dma_wait3A_348 = arith.constant 0 : i32
        %dma_wait3A_349 = tpu.memref_slice %arg6[%dma_wait3A_343, %dma_wait3A_348] : memref<4x128xi32, #tpu.memory_space<vmem>> -> memref<1x128xi32, #tpu.memory_space<vmem>>
        %dma_wait3A_350 = tpu.memref_squeeze %dma_wait3A_349 : memref<1x128xi32, #tpu.memory_space<vmem>> -> memref<128xi32, #tpu.memory_space<vmem>>
        %dma_wait3A_351 = tpu.memref_slice %arg3[%multiple_of3A_329] : memref<320000xi32, #tpu.memory_space<hbm>> -> memref<128xi32, #tpu.memory_space<hbm>>
        tpu.wait_dma2 semaphore(%arg12 : memref<!tpu.dma_semaphore, #tpu.memory_space<semaphore_mem>>) src(%dma_wait3A_351 : memref<128xi32, #tpu.memory_space<hbm>>) dst(%dma_wait3A_350 : memref<128xi32, #tpu.memory_space<vmem>>)
        %get3A = arith.constant 3 : i32
        %get3A_352 = arith.index_cast %get3A : i32 to index
        %get3A_353 = arith.constant 0 : index
        %get3A_354 = tpu.vector_load %arg6[%get3A_352, %get3A_353] {strides = array<i32>} : memref<4x128xi32, #tpu.memory_space<vmem>>, vector<1x16xi32>,
        %get3A_355 = vector.shape_cast %get3A_354 : vector<1x16xi32> to vector<16xi32>
        %sub3A_356 = vector.broadcast %mul3A_206 : i32 to vector<16xi32>
        %sub3A_357 = arith.subi %get3A_355, %sub3A_356 : vector<16xi32>
        %lt3A_358 = arith.constant 0 : i32
        %lt3A_359 = vector.broadcast %lt3A_358 : i32 to vector<16xi32>
        %lt3A_360 = arith.cmpi slt, %sub3A_357, %lt3A_359 : vector<16xi32>
        %ge3A = arith.constant 5000 : i32
        %ge3A_361 = vector.broadcast %ge3A : i32 to vector<16xi32>
        %ge3A_362 = arith.cmpi sge, %sub3A_357, %ge3A_361 : vector<16xi32>
        %or3A = arith.ori %lt3A_360, %ge3A_362 : vector<16xi1>
        %jit3A_363 = arith.constant 5000 : i32
        %broadcast_in_dim3A_364 = vector.broadcast %jit3A_363 : i32 to vector<16xi32>
        %select_n3A_365 = arith.select %or3A, %broadcast_in_dim3A_364, %sub3A_357 : vector<16xi1>, vector<16xi32>
        %swap3A = arith.constant 3 : i32
        %swap3A_366 = arith.index_cast %swap3A : i32 to index
        %swap3A_367 = arith.constant 0 : index
        %swap3A_368 = tpu.vector_load %arg6[%swap3A_366, %swap3A_367] {strides = array<i32>} : memref<4x128xi32, #tpu.memory_space<vmem>>, vector<1x16xi32>,
        %swap3A_369 = vector.shape_cast %swap3A_368 : vector<1x16xi32> to vector<16xi32>
        %swap3A_370 = vector.shape_cast %select_n3A_365 : vector<16xi32> to vector<1x16xi32>
        tpu.vector_store %arg6[%swap3A_366, %swap3A_367], %swap3A_370 {strides = array<i32>} : memref<4x128xi32, #tpu.memory_space<vmem>>, vector<1x16xi32>,
        %get3A_371 = arith.constant 3 : i32
        %get3A_372 = arith.index_cast %get3A_371 : i32 to index
        %get3A_373 = arith.constant 16 : index
        %get3A_374 = tpu.vector_load %arg6[%get3A_372, %get3A_373] {strides = array<i32>} : memref<4x128xi32, #tpu.memory_space<vmem>>, vector<1x16xi32>,
        %get3A_375 = vector.shape_cast %get3A_374 : vector<1x16xi32> to vector<16xi32>
        %sub3A_376 = vector.broadcast %mul3A_206 : i32 to vector<16xi32>
        %sub3A_377 = arith.subi %get3A_375, %sub3A_376 : vector<16xi32>
        %lt3A_378 = arith.constant 0 : i32
        %lt3A_379 = vector.broadcast %lt3A_378 : i32 to vector<16xi32>
        %lt3A_380 = arith.cmpi slt, %sub3A_377, %lt3A_379 : vector<16xi32>
        %ge3A_381 = arith.constant 5000 : i32
        %ge3A_382 = vector.broadcast %ge3A_381 : i32 to vector<16xi32>
        %ge3A_383 = arith.cmpi sge, %sub3A_377, %ge3A_382 : vector<16xi32>
        %or3A_384 = arith.ori %lt3A_380, %ge3A_383 : vector<16xi1>
        %jit3A_385 = arith.constant 5000 : i32
        %broadcast_in_dim3A_386 = vector.broadcast %jit3A_385 : i32 to vector<16xi32>
        %select_n3A_387 = arith.select %or3A_384, %broadcast_in_dim3A_386, %sub3A_377 : vector<16xi1>, vector<16xi32>
        %swap3A_388 = arith.constant 3 : i32
        %swap3A_389 = arith.index_cast %swap3A_388 : i32 to index
        %swap3A_390 = arith.constant 16 : index
        %swap3A_391 = tpu.vector_load %arg6[%swap3A_389, %swap3A_390] {strides = array<i32>} : memref<4x128xi32, #tpu.memory_space<vmem>>, vector<1x16xi32>,
        %swap3A_392 = vector.shape_cast %swap3A_391 : vector<1x16xi32> to vector<16xi32>
        %swap3A_393 = vector.shape_cast %select_n3A_387 : vector<16xi32> to vector<1x16xi32>
        tpu.vector_store %arg6[%swap3A_389, %swap3A_390], %swap3A_393 {strides = array<i32>} : memref<4x128xi32, #tpu.memory_space<vmem>>, vector<1x16xi32>,
        %get3A_394 = arith.constant 3 : i32
        %get3A_395 = arith.index_cast %get3A_394 : i32 to index
        %get3A_396 = arith.constant 32 : index
        %get3A_397 = tpu.vector_load %arg6[%get3A_395, %get3A_396] {strides = array<i32>} : memref<4x128xi32, #tpu.memory_space<vmem>>, vector<1x16xi32>,
        %get3A_398 = vector.shape_cast %get3A_397 : vector<1x16xi32> to vector<16xi32>
        %sub3A_399 = vector.broadcast %mul3A_206 : i32 to vector<16xi32>
        %sub3A_400 = arith.subi %get3A_398, %sub3A_399 : vector<16xi32>
        %lt3A_401 = arith.constant 0 : i32
        %lt3A_402 = vector.broadcast %lt3A_401 : i32 to vector<16xi32>
        %lt3A_403 = arith.cmpi slt, %sub3A_400, %lt3A_402 : vector<16xi32>
        %ge3A_404 = arith.constant 5000 : i32
        %ge3A_405 = vector.broadcast %ge3A_404 : i32 to vector<16xi32>
        %ge3A_406 = arith.cmpi sge, %sub3A_400, %ge3A_405 : vector<16xi32>
        %or3A_407 = arith.ori %lt3A_403, %ge3A_406 : vector<16xi1>
        %jit3A_408 = arith.constant 5000 : i32
        %broadcast_in_dim3A_409 = vector.broadcast %jit3A_408 : i32 to vector<16xi32>
        %select_n3A_410 = arith.select %or3A_407, %broadcast_in_dim3A_409, %sub3A_400 : vector<16xi1>, vector<16xi32>
        %swap3A_411 = arith.constant 3 : i32
        %swap3A_412 = arith.index_cast %swap3A_411 : i32 to index
        %swap3A_413 = arith.constant 32 : index
        %swap3A_414 = tpu.vector_load %arg6[%swap3A_412, %swap3A_413] {strides = array<i32>} : memref<4x128xi32, #tpu.memory_space<vmem>>, vector<1x16xi32>,
        %swap3A_415 = vector.shape_cast %swap3A_414 : vector<1x16xi32> to vector<16xi32>
        %swap3A_416 = vector.shape_cast %select_n3A_410 : vector<16xi32> to vector<1x16xi32>
        tpu.vector_store %arg6[%swap3A_412, %swap3A_413], %swap3A_416 {strides = array<i32>} : memref<4x128xi32, #tpu.memory_space<vmem>>, vector<1x16xi32>,
        %get3A_417 = arith.constant 3 : i32
        %get3A_418 = arith.index_cast %get3A_417 : i32 to index
        %get3A_419 = arith.constant 48 : index
        %get3A_420 = tpu.vector_load %arg6[%get3A_418, %get3A_419] {strides = array<i32>} : memref<4x128xi32, #tpu.memory_space<vmem>>, vector<1x16xi32>,
        %get3A_421 = vector.shape_cast %get3A_420 : vector<1x16xi32> to vector<16xi32>
        %sub3A_422 = vector.broadcast %mul3A_206 : i32 to vector<16xi32>
        %sub3A_423 = arith.subi %get3A_421, %sub3A_422 : vector<16xi32>
        %lt3A_424 = arith.constant 0 : i32
        %lt3A_425 = vector.broadcast %lt3A_424 : i32 to vector<16xi32>
        %lt3A_426 = arith.cmpi slt, %sub3A_423, %lt3A_425 : vector<16xi32>
        %ge3A_427 = arith.constant 5000 : i32
        %ge3A_428 = vector.broadcast %ge3A_427 : i32 to vector<16xi32>
        %ge3A_429 = arith.cmpi sge, %sub3A_423, %ge3A_428 : vector<16xi32>
        %or3A_430 = arith.ori %lt3A_426, %ge3A_429 : vector<16xi1>
        %jit3A_431 = arith.constant 5000 : i32
        %broadcast_in_dim3A_432 = vector.broadcast %jit3A_431 : i32 to vector<16xi32>
        %select_n3A_433 = arith.select %or3A_430, %broadcast_in_dim3A_432, %sub3A_423 : vector<16xi1>, vector<16xi32>
        %swap3A_434 = arith.constant 3 : i32
        %swap3A_435 = arith.index_cast %swap3A_434 : i32 to index
        %swap3A_436 = arith.constant 48 : index
        %swap3A_437 = tpu.vector_load %arg6[%swap3A_435, %swap3A_436] {strides = array<i32>} : memref<4x128xi32, #tpu.memory_space<vmem>>, vector<1x16xi32>,
        %swap3A_438 = vector.shape_cast %swap3A_437 : vector<1x16xi32> to vector<16xi32>
        %swap3A_439 = vector.shape_cast %select_n3A_433 : vector<16xi32> to vector<1x16xi32>
        tpu.vector_store %arg6[%swap3A_435, %swap3A_436], %swap3A_439 {strides = array<i32>} : memref<4x128xi32, #tpu.memory_space<vmem>>, vector<1x16xi32>,
        %get3A_440 = arith.constant 3 : i32
        %get3A_441 = arith.index_cast %get3A_440 : i32 to index
        %get3A_442 = arith.constant 64 : index
        %get3A_443 = tpu.vector_load %arg6[%get3A_441, %get3A_442] {strides = array<i32>} : memref<4x128xi32, #tpu.memory_space<vmem>>, vector<1x16xi32>,
        %get3A_444 = vector.shape_cast %get3A_443 : vector<1x16xi32> to vector<16xi32>
        %sub3A_445 = vector.broadcast %mul3A_206 : i32 to vector<16xi32>
        %sub3A_446 = arith.subi %get3A_444, %sub3A_445 : vector<16xi32>
        %lt3A_447 = arith.constant 0 : i32
        %lt3A_448 = vector.broadcast %lt3A_447 : i32 to vector<16xi32>
        %lt3A_449 = arith.cmpi slt, %sub3A_446, %lt3A_448 : vector<16xi32>
        %ge3A_450 = arith.constant 5000 : i32
        %ge3A_451 = vector.broadcast %ge3A_450 : i32 to vector<16xi32>
        %ge3A_452 = arith.cmpi sge, %sub3A_446, %ge3A_451 : vector<16xi32>
        %or3A_453 = arith.ori %lt3A_449, %ge3A_452 : vector<16xi1>
        %jit3A_454 = arith.constant 5000 : i32
        %broadcast_in_dim3A_455 = vector.broadcast %jit3A_454 : i32 to vector<16xi32>
        %select_n3A_456 = arith.select %or3A_453, %broadcast_in_dim3A_455, %sub3A_446 : vector<16xi1>, vector<16xi32>
        %swap3A_457 = arith.constant 3 : i32
        %swap3A_458 = arith.index_cast %swap3A_457 : i32 to index
        %swap3A_459 = arith.constant 64 : index
        %swap3A_460 = tpu.vector_load %arg6[%swap3A_458, %swap3A_459] {strides = array<i32>} : memref<4x128xi32, #tpu.memory_space<vmem>>, vector<1x16xi32>,
        %swap3A_461 = vector.shape_cast %swap3A_460 : vector<1x16xi32> to vector<16xi32>
        %swap3A_462 = vector.shape_cast %select_n3A_456 : vector<16xi32> to vector<1x16xi32>
        tpu.vector_store %arg6[%swap3A_458, %swap3A_459], %swap3A_462 {strides = array<i32>} : memref<4x128xi32, #tpu.memory_space<vmem>>, vector<1x16xi32>,
        %get3A_463 = arith.constant 3 : i32
        %get3A_464 = arith.index_cast %get3A_463 : i32 to index
        %get3A_465 = arith.constant 80 : index
        %get3A_466 = tpu.vector_load %arg6[%get3A_464, %get3A_465] {strides = array<i32>} : memref<4x128xi32, #tpu.memory_space<vmem>>, vector<1x16xi32>,
        %get3A_467 = vector.shape_cast %get3A_466 : vector<1x16xi32> to vector<16xi32>
        %sub3A_468 = vector.broadcast %mul3A_206 : i32 to vector<16xi32>
        %sub3A_469 = arith.subi %get3A_467, %sub3A_468 : vector<16xi32>
        %lt3A_470 = arith.constant 0 : i32
        %lt3A_471 = vector.broadcast %lt3A_470 : i32 to vector<16xi32>
        %lt3A_472 = arith.cmpi slt, %sub3A_469, %lt3A_471 : vector<16xi32>
        %ge3A_473 = arith.constant 5000 : i32
        %ge3A_474 = vector.broadcast %ge3A_473 : i32 to vector<16xi32>
        %ge3A_475 = arith.cmpi sge, %sub3A_469, %ge3A_474 : vector<16xi32>
        %or3A_476 = arith.ori %lt3A_472, %ge3A_475 : vector<16xi1>
        %jit3A_477 = arith.constant 5000 : i32
        %broadcast_in_dim3A_478 = vector.broadcast %jit3A_477 : i32 to vector<16xi32>
        %select_n3A_479 = arith.select %or3A_476, %broadcast_in_dim3A_478, %sub3A_469 : vector<16xi1>, vector<16xi32>
        %swap3A_480 = arith.constant 3 : i32
        %swap3A_481 = arith.index_cast %swap3A_480 : i32 to index
        %swap3A_482 = arith.constant 80 : index
        %swap3A_483 = tpu.vector_load %arg6[%swap3A_481, %swap3A_482] {strides = array<i32>} : memref<4x128xi32, #tpu.memory_space<vmem>>, vector<1x16xi32>,
        %swap3A_484 = vector.shape_cast %swap3A_483 : vector<1x16xi32> to vector<16xi32>
        %swap3A_485 = vector.shape_cast %select_n3A_479 : vector<16xi32> to vector<1x16xi32>
        tpu.vector_store %arg6[%swap3A_481, %swap3A_482], %swap3A_485 {strides = array<i32>} : memref<4x128xi32, #tpu.memory_space<vmem>>, vector<1x16xi32>,
        %get3A_486 = arith.constant 3 : i32
        %get3A_487 = arith.index_cast %get3A_486 : i32 to index
        %get3A_488 = arith.constant 96 : index
        %get3A_489 = tpu.vector_load %arg6[%get3A_487, %get3A_488] {strides = array<i32>} : memref<4x128xi32, #tpu.memory_space<vmem>>, vector<1x16xi32>,
        %get3A_490 = vector.shape_cast %get3A_489 : vector<1x16xi32> to vector<16xi32>
        %sub3A_491 = vector.broadcast %mul3A_206 : i32 to vector<16xi32>
        %sub3A_492 = arith.subi %get3A_490, %sub3A_491 : vector<16xi32>
        %lt3A_493 = arith.constant 0 : i32
        %lt3A_494 = vector.broadcast %lt3A_493 : i32 to vector<16xi32>
        %lt3A_495 = arith.cmpi slt, %sub3A_492, %lt3A_494 : vector<16xi32>
        %ge3A_496 = arith.constant 5000 : i32
        %ge3A_497 = vector.broadcast %ge3A_496 : i32 to vector<16xi32>
        %ge3A_498 = arith.cmpi sge, %sub3A_492, %ge3A_497 : vector<16xi32>
        %or3A_499 = arith.ori %lt3A_495, %ge3A_498 : vector<16xi1>
        %jit3A_500 = arith.constant 5000 : i32
        %broadcast_in_dim3A_501 = vector.broadcast %jit3A_500 : i32 to vector<16xi32>
        %select_n3A_502 = arith.select %or3A_499, %broadcast_in_dim3A_501, %sub3A_492 : vector<16xi1>, vector<16xi32>
        %swap3A_503 = arith.constant 3 : i32
        %swap3A_504 = arith.index_cast %swap3A_503 : i32 to index
        %swap3A_505 = arith.constant 96 : index
        %swap3A_506 = tpu.vector_load %arg6[%swap3A_504, %swap3A_505] {strides = array<i32>} : memref<4x128xi32, #tpu.memory_space<vmem>>, vector<1x16xi32>,
        %swap3A_507 = vector.shape_cast %swap3A_506 : vector<1x16xi32> to vector<16xi32>
        %swap3A_508 = vector.shape_cast %select_n3A_502 : vector<16xi32> to vector<1x16xi32>
        tpu.vector_store %arg6[%swap3A_504, %swap3A_505], %swap3A_508 {strides = array<i32>} : memref<4x128xi32, #tpu.memory_space<vmem>>, vector<1x16xi32>,
        %get3A_509 = arith.constant 3 : i32
        %get3A_510 = arith.index_cast %get3A_509 : i32 to index
        %get3A_511 = arith.constant 112 : index
        %get3A_512 = tpu.vector_load %arg6[%get3A_510, %get3A_511] {strides = array<i32>} : memref<4x128xi32, #tpu.memory_space<vmem>>, vector<1x16xi32>,
        %get3A_513 = vector.shape_cast %get3A_512 : vector<1x16xi32> to vector<16xi32>
        %sub3A_514 = vector.broadcast %mul3A_206 : i32 to vector<16xi32>
        %sub3A_515 = arith.subi %get3A_513, %sub3A_514 : vector<16xi32>
        %lt3A_516 = arith.constant 0 : i32
        %lt3A_517 = vector.broadcast %lt3A_516 : i32 to vector<16xi32>
        %lt3A_518 = arith.cmpi slt, %sub3A_515, %lt3A_517 : vector<16xi32>
        %ge3A_519 = arith.constant 5000 : i32
        %ge3A_520 = vector.broadcast %ge3A_519 : i32 to vector<16xi32>
        %ge3A_521 = arith.cmpi sge, %sub3A_515, %ge3A_520 : vector<16xi32>
        %or3A_522 = arith.ori %lt3A_518, %ge3A_521 : vector<16xi1>
        %jit3A_523 = arith.constant 5000 : i32
        %broadcast_in_dim3A_524 = vector.broadcast %jit3A_523 : i32 to vector<16xi32>
        %select_n3A_525 = arith.select %or3A_522, %broadcast_in_dim3A_524, %sub3A_515 : vector<16xi1>, vector<16xi32>
        %swap3A_526 = arith.constant 3 : i32
        %swap3A_527 = arith.index_cast %swap3A_526 : i32 to index
        %swap3A_528 = arith.constant 112 : index
        %swap3A_529 = tpu.vector_load %arg6[%swap3A_527, %swap3A_528] {strides = array<i32>} : memref<4x128xi32, #tpu.memory_space<vmem>>, vector<1x16xi32>,
        %swap3A_530 = vector.shape_cast %swap3A_529 : vector<1x16xi32> to vector<16xi32>
        %swap3A_531 = vector.shape_cast %select_n3A_525 : vector<16xi32> to vector<1x16xi32>
        tpu.vector_store %arg6[%swap3A_527, %swap3A_528], %swap3A_531 {strides = array<i32>} : memref<4x128xi32, #tpu.memory_space<vmem>>, vector<1x16xi32>,
        %run_scoped3A = arith.constant 3 : i32
        %run_scoped3A_532 = arith.constant 3 : i32
        "tpu.region"() ({
          %run_scoped3A_539 = tpu.sem_alloc : memref<!tpu.dma_semaphore, #tpu.memory_space<semaphore_mem>>
          %dma_start3A_540 = arith.constant 0 : i32
          %dma_start3A_541 = arith.constant 0 : i32
          %dma_start3A_542 = tpu.memref_slice %arg5[%run_scoped3A, %dma_start3A_540, %dma_start3A_541] : memref<4x128x128xf32, #tpu.memory_space<vmem>> -> memref<1x128x128xf32, #tpu.memory_space<vmem>>
          %dma_start3A_543 = tpu.memref_squeeze %dma_start3A_542 : memref<1x128x128xf32, #tpu.memory_space<vmem>> -> memref<128x128xf32, #tpu.memory_space<vmem>>
          %dma_start3A_544 = arith.constant 0 : i32
          %dma_start3A_545 = tpu.memref_slice %arg6[%run_scoped3A_532, %dma_start3A_544] : memref<4x128xi32, #tpu.memory_space<vmem>> -> memref<1x128xi32, #tpu.memory_space<vmem>>
          %dma_start3A_546 = tpu.memref_squeeze %dma_start3A_545 : memref<1x128xi32, #tpu.memory_space<vmem>> -> memref<128xi32, #tpu.memory_space<vmem>>
          %dma_start3A_547 = arith.constant 0 : i32
          %dma_start3A_548 = arith.constant 0 : i32
          %dma_start3A_549 = tpu.memref_slice %arg8[%dma_start3A_547, %dma_start3A_548] : memref<5008x128xf32, #tpu.memory_space<vmem_shared>> -> memref<5008x128xf32, #tpu.memory_space<vmem_shared>>
          tpu.enqueue_indirect_dma source(%dma_start3A_543 : memref<128x128xf32, #tpu.memory_space<vmem>>) target(%dma_start3A_549 : memref<5008x128xf32, #tpu.memory_space<vmem_shared>>) offsets(%dma_start3A_546 : memref<128xi32, #tpu.memory_space<vmem>>) semaphore(%run_scoped3A_539 : memref<!tpu.dma_semaphore, #tpu.memory_space<semaphore_mem>>) {add = true}
          %dma_wait3A_550 = arith.constant 0 : i32
          %dma_wait3A_551 = arith.constant 0 : i32
          %dma_wait3A_552 = tpu.memref_slice %arg5[%run_scoped3A, %dma_wait3A_550, %dma_wait3A_551] : memref<4x128x128xf32, #tpu.memory_space<vmem>> -> memref<1x128x128xf32, #tpu.memory_space<vmem>>
          %dma_wait3A_553 = tpu.memref_squeeze %dma_wait3A_552 : memref<1x128x128xf32, #tpu.memory_space<vmem>> -> memref<128x128xf32, #tpu.memory_space<vmem>>
          %dma_wait3A_554 = arith.constant 0 : i32
          %dma_wait3A_555 = tpu.memref_slice %arg6[%run_scoped3A_532, %dma_wait3A_554] : memref<4x128xi32, #tpu.memory_space<vmem>> -> memref<1x128xi32, #tpu.memory_space<vmem>>
          %dma_wait3A_556 = tpu.memref_squeeze %dma_wait3A_555 : memref<1x128xi32, #tpu.memory_space<vmem>> -> memref<128xi32, #tpu.memory_space<vmem>>
          %dma_wait3A_557 = arith.constant 0 : i32
          %dma_wait3A_558 = arith.constant 0 : i32
          %dma_wait3A_559 = tpu.memref_slice %arg8[%dma_wait3A_557, %dma_wait3A_558] : memref<5008x128xf32, #tpu.memory_space<vmem_shared>> -> memref<5008x128xf32, #tpu.memory_space<vmem_shared>>
          tpu.wait_indirect_dma semaphore(%run_scoped3A_539 : memref<!tpu.dma_semaphore, #tpu.memory_space<semaphore_mem>>) src(%dma_wait3A_553 : memref<128x128xf32, #tpu.memory_space<vmem>>) dst(%dma_wait3A_559 : memref<5008x128xf32, #tpu.memory_space<vmem_shared>>)
          tpu.yield
        }) : () -> ()
        %add3A_533 = arith.constant 4 : i32
        %add3A_534 = arith.addi %add3A_320, %add3A_533 : i32
        %lt3A_535 = arith.cmpi slt, %add3A_534, %min3A : i32
        %convert_element_type3A_536 = arith.extui %lt3A_535 : i1 to i32
        %cond3A_537 = arith.constant 0 : i32
        %cond3A_538 = arith.cmpi ne, %convert_element_type3A_536, %cond3A_537 : i32
        scf.if %cond3A_538 {
          %add3A_539 = arith.constant 4 : i32
          %add3A_540 = arith.addi %add3A_320, %add3A_539 : i32
          %add3A_541 = arith.addi %mul3A_167, %mul3A_201 : i32
          %add3A_542 = arith.addi %add3A_541, %add3A_540 : i32
          %mul3A_543 = arith.constant 128 : i32
          %mul3A_544 = arith.muli %add3A_542, %mul3A_543 : i32
          %multiple_of3A_545 = tpu.assume_multiple %mul3A_544, 8 : i32
          %dma_start3A_546 = arith.constant 3 : i32
          %dma_start3A_547 = arith.constant 0 : i32
          %dma_start3A_548 = arith.constant 0 : i32
          %dma_start3A_549 = tpu.memref_slice %arg5[%dma_start3A_546, %dma_start3A_547, %dma_start3A_548] : memref<4x128x128xf32, #tpu.memory_space<vmem>> -> memref<1x128x128xf32, #tpu.memory_space<vmem>>
          %dma_start3A_550 = tpu.memref_squeeze %dma_start3A_549 : memref<1x128x128xf32, #tpu.memory_space<vmem>> -> memref<128x128xf32, #tpu.memory_space<vmem>>
          %dma_start3A_551 = arith.constant 0 : i32
          %dma_start3A_552 = tpu.memref_slice %arg2[%multiple_of3A_545, %dma_start3A_551] : memref<320000x128xf32, #tpu.memory_space<hbm>> -> memref<128x128xf32, #tpu.memory_space<hbm>>
          %dma_start3A_553 = arith.constant 0 : i32
          %dma_start3A_554 = arith.constant 0 : i32
          %dma_start3A_555 = tpu.memref_slice %arg5[%dma_start3A_546, %dma_start3A_553, %dma_start3A_554] : memref<4x128x128xf32, #tpu.memory_space<vmem>> -> memref<1x128x128xf32, #tpu.memory_space<vmem>>
          %dma_start3A_556 = tpu.memref_squeeze %dma_start3A_555 : memref<1x128x128xf32, #tpu.memory_space<vmem>> -> memref<128x128xf32, #tpu.memory_space<vmem>>
          %dma_start3A_557 = arith.constant 0 : i32
          %dma_start3A_558 = tpu.memref_slice %arg2[%multiple_of3A_545, %dma_start3A_557] : memref<320000x128xf32, #tpu.memory_space<hbm>> -> memref<128x128xf32, #tpu.memory_space<hbm>>
          tpu.enqueue_dma source(%dma_start3A_558 : memref<128x128xf32, #tpu.memory_space<hbm>>) target(%dma_start3A_556 : memref<128x128xf32, #tpu.memory_space<vmem>>) target_semaphore(%arg12 : memref<!tpu.dma_semaphore, #tpu.memory_space<semaphore_mem>>)
          %dma_start3A_559 = arith.constant 3 : i32
          %dma_start3A_560 = arith.constant 0 : i32
          %dma_start3A_561 = tpu.memref_slice %arg6[%dma_start3A_559, %dma_start3A_560] : memref<4x128xi32, #tpu.memory_space<vmem>> -> memref<1x128xi32, #tpu.memory_space<vmem>>
          %dma_start3A_562 = tpu.memref_squeeze %dma_start3A_561 : memref<1x128xi32, #tpu.memory_space<vmem>> -> memref<128xi32, #tpu.memory_space<vmem>>
          %dma_start3A_563 = tpu.memref_slice %arg3[%multiple_of3A_545] : memref<320000xi32, #tpu.memory_space<hbm>> -> memref<128xi32, #tpu.memory_space<hbm>>
          %dma_start3A_564 = arith.constant 0 : i32
          %dma_start3A_565 = tpu.memref_slice %arg6[%dma_start3A_559, %dma_start3A_564] : memref<4x128xi32, #tpu.memory_space<vmem>> -> memref<1x128xi32, #tpu.memory_space<vmem>>
          %dma_start3A_566 = tpu.memref_squeeze %dma_start3A_565 : memref<1x128xi32, #tpu.memory_space<vmem>> -> memref<128xi32, #tpu.memory_space<vmem>>
          %dma_start3A_567 = tpu.memref_slice %arg3[%multiple_of3A_545] : memref<320000xi32, #tpu.memory_space<hbm>> -> memref<128xi32, #tpu.memory_space<hbm>>
          tpu.enqueue_dma source(%dma_start3A_567 : memref<128xi32, #tpu.memory_space<hbm>>) target(%dma_start3A_566 : memref<128xi32, #tpu.memory_space<vmem>>) target_semaphore(%arg12 : memref<!tpu.dma_semaphore, #tpu.memory_space<semaphore_mem>>)
        } else {
        }
      } else {
      }
    }
    %while3A_262 = arith.constant 1 : i32
    scf.for %while3A_292 = %while3A_260 to %while3A_256 step %while3A_262  : i32 {
      %mul3A_293 = arith.constant 4 : i32
      %mul3A_294 = arith.muli %while3A_292, %mul3A_293 : i32
      %add3A_295 = arith.constant 0 : i32
      %add3A_296 = arith.addi %mul3A_294, %add3A_295 : i32
      %lt3A_297 = arith.cmpi slt, %add3A_296, %min3A : i32
      %convert_element_type3A_298 = arith.extui %lt3A_297 : i1 to i32
      %cond3A_299 = arith.constant 0 : i32
      %cond3A_300 = arith.cmpi ne, %convert_element_type3A_298, %cond3A_299 : i32
      scf.if %cond3A_300 {
        %add3A_325 = arith.addi %mul3A_167, %mul3A_201 : i32
        %add3A_326 = arith.addi %add3A_325, %add3A_296 : i32
        %mul3A_327 = arith.constant 128 : i32
        %mul3A_328 = arith.muli %add3A_326, %mul3A_327 : i32
        %multiple_of3A_329 = tpu.assume_multiple %mul3A_328, 8 : i32
        %dma_wait3A_330 = arith.constant 0 : i32
        %dma_wait3A_331 = arith.constant 0 : i32
        %dma_wait3A_332 = arith.constant 0 : i32
        %dma_wait3A_333 = tpu.memref_slice %arg5[%dma_wait3A_330, %dma_wait3A_331, %dma_wait3A_332] : memref<4x128x128xf32, #tpu.memory_space<vmem>> -> memref<1x128x128xf32, #tpu.memory_space<vmem>>
        %dma_wait3A_334 = tpu.memref_squeeze %dma_wait3A_333 : memref<1x128x128xf32, #tpu.memory_space<vmem>> -> memref<128x128xf32, #tpu.memory_space<vmem>>
        %dma_wait3A_335 = arith.constant 0 : i32
        %dma_wait3A_336 = tpu.memref_slice %arg2[%multiple_of3A_329, %dma_wait3A_335] : memref<320000x128xf32, #tpu.memory_space<hbm>> -> memref<128x128xf32, #tpu.memory_space<hbm>>
        %dma_wait3A_337 = arith.constant 0 : i32
        %dma_wait3A_338 = arith.constant 0 : i32
        %dma_wait3A_339 = tpu.memref_slice %arg5[%dma_wait3A_330, %dma_wait3A_337, %dma_wait3A_338] : memref<4x128x128xf32, #tpu.memory_space<vmem>> -> memref<1x128x128xf32, #tpu.memory_space<vmem>>
        %dma_wait3A_340 = tpu.memref_squeeze %dma_wait3A_339 : memref<1x128x128xf32, #tpu.memory_space<vmem>> -> memref<128x128xf32, #tpu.memory_space<vmem>>
        %dma_wait3A_341 = arith.constant 0 : i32
        %dma_wait3A_342 = tpu.memref_slice %arg2[%multiple_of3A_329, %dma_wait3A_341] : memref<320000x128xf32, #tpu.memory_space<hbm>> -> memref<128x128xf32, #tpu.memory_space<hbm>>
        tpu.wait_dma2 semaphore(%arg9 : memref<!tpu.dma_semaphore, #tpu.memory_space<semaphore_mem>>) src(%dma_wait3A_342 : memref<128x128xf32, #tpu.memory_space<hbm>>) dst(%dma_wait3A_340 : memref<128x128xf32, #tpu.memory_space<vmem>>)
        %dma_wait3A_343 = arith.constant 0 : i32
        %dma_wait3A_344 = arith.constant 0 : i32
        %dma_wait3A_345 = tpu.memref_slice %arg6[%dma_wait3A_343, %dma_wait3A_344] : memref<4x128xi32, #tpu.memory_space<vmem>> -> memref<1x128xi32, #tpu.memory_space<vmem>>
        %dma_wait3A_346 = tpu.memref_squeeze %dma_wait3A_345 : memref<1x128xi32, #tpu.memory_space<vmem>> -> memref<128xi32, #tpu.memory_space<vmem>>
        %dma_wait3A_347 = tpu.memref_slice %arg3[%multiple_of3A_329] : memref<320000xi32, #tpu.memory_space<hbm>> -> memref<128xi32, #tpu.memory_space<hbm>>
        %dma_wait3A_348 = arith.constant 0 : i32
        %dma_wait3A_349 = tpu.memref_slice %arg6[%dma_wait3A_343, %dma_wait3A_348] : memref<4x128xi32, #tpu.memory_space<vmem>> -> memref<1x128xi32, #tpu.memory_space<vmem>>
        %dma_wait3A_350 = tpu.memref_squeeze %dma_wait3A_349 : memref<1x128xi32, #tpu.memory_space<vmem>> -> memref<128xi32, #tpu.memory_space<vmem>>
        %dma_wait3A_351 = tpu.memref_slice %arg3[%multiple_of3A_329] : memref<320000xi32, #tpu.memory_space<hbm>> -> memref<128xi32, #tpu.memory_space<hbm>>
        tpu.wait_dma2 semaphore(%arg9 : memref<!tpu.dma_semaphore, #tpu.memory_space<semaphore_mem>>) src(%dma_wait3A_351 : memref<128xi32, #tpu.memory_space<hbm>>) dst(%dma_wait3A_350 : memref<128xi32, #tpu.memory_space<vmem>>)
        %get3A = arith.constant 0 : i32
        %get3A_352 = arith.index_cast %get3A : i32 to index
        %get3A_353 = arith.constant 0 : index
        %get3A_354 = tpu.vector_load %arg6[%get3A_352, %get3A_353] {strides = array<i32>} : memref<4x128xi32, #tpu.memory_space<vmem>>, vector<1x16xi32>,
        %get3A_355 = vector.shape_cast %get3A_354 : vector<1x16xi32> to vector<16xi32>
        %sub3A_356 = vector.broadcast %mul3A_206 : i32 to vector<16xi32>
        %sub3A_357 = arith.subi %get3A_355, %sub3A_356 : vector<16xi32>
        %lt3A_358 = arith.constant 0 : i32
        %lt3A_359 = vector.broadcast %lt3A_358 : i32 to vector<16xi32>
        %lt3A_360 = arith.cmpi slt, %sub3A_357, %lt3A_359 : vector<16xi32>
        %ge3A = arith.constant 5000 : i32
        %ge3A_361 = vector.broadcast %ge3A : i32 to vector<16xi32>
        %ge3A_362 = arith.cmpi sge, %sub3A_357, %ge3A_361 : vector<16xi32>
        %or3A = arith.ori %lt3A_360, %ge3A_362 : vector<16xi1>
        %jit3A_363 = arith.constant 5000 : i32
        %broadcast_in_dim3A_364 = vector.broadcast %jit3A_363 : i32 to vector<16xi32>
        %select_n3A_365 = arith.select %or3A, %broadcast_in_dim3A_364, %sub3A_357 : vector<16xi1>, vector<16xi32>
        %swap3A = arith.constant 0 : i32
        %swap3A_366 = arith.index_cast %swap3A : i32 to index
        %swap3A_367 = arith.constant 0 : index
        %swap3A_368 = tpu.vector_load %arg6[%swap3A_366, %swap3A_367] {strides = array<i32>} : memref<4x128xi32, #tpu.memory_space<vmem>>, vector<1x16xi32>,
        %swap3A_369 = vector.shape_cast %swap3A_368 : vector<1x16xi32> to vector<16xi32>
        %swap3A_370 = vector.shape_cast %select_n3A_365 : vector<16xi32> to vector<1x16xi32>
        tpu.vector_store %arg6[%swap3A_366, %swap3A_367], %swap3A_370 {strides = array<i32>} : memref<4x128xi32, #tpu.memory_space<vmem>>, vector<1x16xi32>,
        %get3A_371 = arith.constant 0 : i32
        %get3A_372 = arith.index_cast %get3A_371 : i32 to index
        %get3A_373 = arith.constant 16 : index
        %get3A_374 = tpu.vector_load %arg6[%get3A_372, %get3A_373] {strides = array<i32>} : memref<4x128xi32, #tpu.memory_space<vmem>>, vector<1x16xi32>,
        %get3A_375 = vector.shape_cast %get3A_374 : vector<1x16xi32> to vector<16xi32>
        %sub3A_376 = vector.broadcast %mul3A_206 : i32 to vector<16xi32>
        %sub3A_377 = arith.subi %get3A_375, %sub3A_376 : vector<16xi32>
        %lt3A_378 = arith.constant 0 : i32
        %lt3A_379 = vector.broadcast %lt3A_378 : i32 to vector<16xi32>
        %lt3A_380 = arith.cmpi slt, %sub3A_377, %lt3A_379 : vector<16xi32>
        %ge3A_381 = arith.constant 5000 : i32
        %ge3A_382 = vector.broadcast %ge3A_381 : i32 to vector<16xi32>
        %ge3A_383 = arith.cmpi sge, %sub3A_377, %ge3A_382 : vector<16xi32>
        %or3A_384 = arith.ori %lt3A_380, %ge3A_383 : vector<16xi1>
        %jit3A_385 = arith.constant 5000 : i32
        %broadcast_in_dim3A_386 = vector.broadcast %jit3A_385 : i32 to vector<16xi32>
        %select_n3A_387 = arith.select %or3A_384, %broadcast_in_dim3A_386, %sub3A_377 : vector<16xi1>, vector<16xi32>
        %swap3A_388 = arith.constant 0 : i32
        %swap3A_389 = arith.index_cast %swap3A_388 : i32 to index
        %swap3A_390 = arith.constant 16 : index
        %swap3A_391 = tpu.vector_load %arg6[%swap3A_389, %swap3A_390] {strides = array<i32>} : memref<4x128xi32, #tpu.memory_space<vmem>>, vector<1x16xi32>,
        %swap3A_392 = vector.shape_cast %swap3A_391 : vector<1x16xi32> to vector<16xi32>
        %swap3A_393 = vector.shape_cast %select_n3A_387 : vector<16xi32> to vector<1x16xi32>
        tpu.vector_store %arg6[%swap3A_389, %swap3A_390], %swap3A_393 {strides = array<i32>} : memref<4x128xi32, #tpu.memory_space<vmem>>, vector<1x16xi32>,
        %get3A_394 = arith.constant 0 : i32
        %get3A_395 = arith.index_cast %get3A_394 : i32 to index
        %get3A_396 = arith.constant 32 : index
        %get3A_397 = tpu.vector_load %arg6[%get3A_395, %get3A_396] {strides = array<i32>} : memref<4x128xi32, #tpu.memory_space<vmem>>, vector<1x16xi32>,
        %get3A_398 = vector.shape_cast %get3A_397 : vector<1x16xi32> to vector<16xi32>
        %sub3A_399 = vector.broadcast %mul3A_206 : i32 to vector<16xi32>
        %sub3A_400 = arith.subi %get3A_398, %sub3A_399 : vector<16xi32>
        %lt3A_401 = arith.constant 0 : i32
        %lt3A_402 = vector.broadcast %lt3A_401 : i32 to vector<16xi32>
        %lt3A_403 = arith.cmpi slt, %sub3A_400, %lt3A_402 : vector<16xi32>
        %ge3A_404 = arith.constant 5000 : i32
        %ge3A_405 = vector.broadcast %ge3A_404 : i32 to vector<16xi32>
        %ge3A_406 = arith.cmpi sge, %sub3A_400, %ge3A_405 : vector<16xi32>
        %or3A_407 = arith.ori %lt3A_403, %ge3A_406 : vector<16xi1>
        %jit3A_408 = arith.constant 5000 : i32
        %broadcast_in_dim3A_409 = vector.broadcast %jit3A_408 : i32 to vector<16xi32>
        %select_n3A_410 = arith.select %or3A_407, %broadcast_in_dim3A_409, %sub3A_400 : vector<16xi1>, vector<16xi32>
        %swap3A_411 = arith.constant 0 : i32
        %swap3A_412 = arith.index_cast %swap3A_411 : i32 to index
        %swap3A_413 = arith.constant 32 : index
        %swap3A_414 = tpu.vector_load %arg6[%swap3A_412, %swap3A_413] {strides = array<i32>} : memref<4x128xi32, #tpu.memory_space<vmem>>, vector<1x16xi32>,
        %swap3A_415 = vector.shape_cast %swap3A_414 : vector<1x16xi32> to vector<16xi32>
        %swap3A_416 = vector.shape_cast %select_n3A_410 : vector<16xi32> to vector<1x16xi32>
        tpu.vector_store %arg6[%swap3A_412, %swap3A_413], %swap3A_416 {strides = array<i32>} : memref<4x128xi32, #tpu.memory_space<vmem>>, vector<1x16xi32>,
        %get3A_417 = arith.constant 0 : i32
        %get3A_418 = arith.index_cast %get3A_417 : i32 to index
        %get3A_419 = arith.constant 48 : index
        %get3A_420 = tpu.vector_load %arg6[%get3A_418, %get3A_419] {strides = array<i32>} : memref<4x128xi32, #tpu.memory_space<vmem>>, vector<1x16xi32>,
        %get3A_421 = vector.shape_cast %get3A_420 : vector<1x16xi32> to vector<16xi32>
        %sub3A_422 = vector.broadcast %mul3A_206 : i32 to vector<16xi32>
        %sub3A_423 = arith.subi %get3A_421, %sub3A_422 : vector<16xi32>
        %lt3A_424 = arith.constant 0 : i32
        %lt3A_425 = vector.broadcast %lt3A_424 : i32 to vector<16xi32>
        %lt3A_426 = arith.cmpi slt, %sub3A_423, %lt3A_425 : vector<16xi32>
        %ge3A_427 = arith.constant 5000 : i32
        %ge3A_428 = vector.broadcast %ge3A_427 : i32 to vector<16xi32>
        %ge3A_429 = arith.cmpi sge, %sub3A_423, %ge3A_428 : vector<16xi32>
        %or3A_430 = arith.ori %lt3A_426, %ge3A_429 : vector<16xi1>
        %jit3A_431 = arith.constant 5000 : i32
        %broadcast_in_dim3A_432 = vector.broadcast %jit3A_431 : i32 to vector<16xi32>
        %select_n3A_433 = arith.select %or3A_430, %broadcast_in_dim3A_432, %sub3A_423 : vector<16xi1>, vector<16xi32>
        %swap3A_434 = arith.constant 0 : i32
        %swap3A_435 = arith.index_cast %swap3A_434 : i32 to index
        %swap3A_436 = arith.constant 48 : index
        %swap3A_437 = tpu.vector_load %arg6[%swap3A_435, %swap3A_436] {strides = array<i32>} : memref<4x128xi32, #tpu.memory_space<vmem>>, vector<1x16xi32>,
        %swap3A_438 = vector.shape_cast %swap3A_437 : vector<1x16xi32> to vector<16xi32>
        %swap3A_439 = vector.shape_cast %select_n3A_433 : vector<16xi32> to vector<1x16xi32>
        tpu.vector_store %arg6[%swap3A_435, %swap3A_436], %swap3A_439 {strides = array<i32>} : memref<4x128xi32, #tpu.memory_space<vmem>>, vector<1x16xi32>,
        %get3A_440 = arith.constant 0 : i32
        %get3A_441 = arith.index_cast %get3A_440 : i32 to index
        %get3A_442 = arith.constant 64 : index
        %get3A_443 = tpu.vector_load %arg6[%get3A_441, %get3A_442] {strides = array<i32>} : memref<4x128xi32, #tpu.memory_space<vmem>>, vector<1x16xi32>,
        %get3A_444 = vector.shape_cast %get3A_443 : vector<1x16xi32> to vector<16xi32>
        %sub3A_445 = vector.broadcast %mul3A_206 : i32 to vector<16xi32>
        %sub3A_446 = arith.subi %get3A_444, %sub3A_445 : vector<16xi32>
        %lt3A_447 = arith.constant 0 : i32
        %lt3A_448 = vector.broadcast %lt3A_447 : i32 to vector<16xi32>
        %lt3A_449 = arith.cmpi slt, %sub3A_446, %lt3A_448 : vector<16xi32>
        %ge3A_450 = arith.constant 5000 : i32
        %ge3A_451 = vector.broadcast %ge3A_450 : i32 to vector<16xi32>
        %ge3A_452 = arith.cmpi sge, %sub3A_446, %ge3A_451 : vector<16xi32>
        %or3A_453 = arith.ori %lt3A_449, %ge3A_452 : vector<16xi1>
        %jit3A_454 = arith.constant 5000 : i32
        %broadcast_in_dim3A_455 = vector.broadcast %jit3A_454 : i32 to vector<16xi32>
        %select_n3A_456 = arith.select %or3A_453, %broadcast_in_dim3A_455, %sub3A_446 : vector<16xi1>, vector<16xi32>
        %swap3A_457 = arith.constant 0 : i32
        %swap3A_458 = arith.index_cast %swap3A_457 : i32 to index
        %swap3A_459 = arith.constant 64 : index
        %swap3A_460 = tpu.vector_load %arg6[%swap3A_458, %swap3A_459] {strides = array<i32>} : memref<4x128xi32, #tpu.memory_space<vmem>>, vector<1x16xi32>,
        %swap3A_461 = vector.shape_cast %swap3A_460 : vector<1x16xi32> to vector<16xi32>
        %swap3A_462 = vector.shape_cast %select_n3A_456 : vector<16xi32> to vector<1x16xi32>
        tpu.vector_store %arg6[%swap3A_458, %swap3A_459], %swap3A_462 {strides = array<i32>} : memref<4x128xi32, #tpu.memory_space<vmem>>, vector<1x16xi32>,
        %get3A_463 = arith.constant 0 : i32
        %get3A_464 = arith.index_cast %get3A_463 : i32 to index
        %get3A_465 = arith.constant 80 : index
        %get3A_466 = tpu.vector_load %arg6[%get3A_464, %get3A_465] {strides = array<i32>} : memref<4x128xi32, #tpu.memory_space<vmem>>, vector<1x16xi32>,
        %get3A_467 = vector.shape_cast %get3A_466 : vector<1x16xi32> to vector<16xi32>
        %sub3A_468 = vector.broadcast %mul3A_206 : i32 to vector<16xi32>
        %sub3A_469 = arith.subi %get3A_467, %sub3A_468 : vector<16xi32>
        %lt3A_470 = arith.constant 0 : i32
        %lt3A_471 = vector.broadcast %lt3A_470 : i32 to vector<16xi32>
        %lt3A_472 = arith.cmpi slt, %sub3A_469, %lt3A_471 : vector<16xi32>
        %ge3A_473 = arith.constant 5000 : i32
        %ge3A_474 = vector.broadcast %ge3A_473 : i32 to vector<16xi32>
        %ge3A_475 = arith.cmpi sge, %sub3A_469, %ge3A_474 : vector<16xi32>
        %or3A_476 = arith.ori %lt3A_472, %ge3A_475 : vector<16xi1>
        %jit3A_477 = arith.constant 5000 : i32
        %broadcast_in_dim3A_478 = vector.broadcast %jit3A_477 : i32 to vector<16xi32>
        %select_n3A_479 = arith.select %or3A_476, %broadcast_in_dim3A_478, %sub3A_469 : vector<16xi1>, vector<16xi32>
        %swap3A_480 = arith.constant 0 : i32
        %swap3A_481 = arith.index_cast %swap3A_480 : i32 to index
        %swap3A_482 = arith.constant 80 : index
        %swap3A_483 = tpu.vector_load %arg6[%swap3A_481, %swap3A_482] {strides = array<i32>} : memref<4x128xi32, #tpu.memory_space<vmem>>, vector<1x16xi32>,
        %swap3A_484 = vector.shape_cast %swap3A_483 : vector<1x16xi32> to vector<16xi32>
        %swap3A_485 = vector.shape_cast %select_n3A_479 : vector<16xi32> to vector<1x16xi32>
        tpu.vector_store %arg6[%swap3A_481, %swap3A_482], %swap3A_485 {strides = array<i32>} : memref<4x128xi32, #tpu.memory_space<vmem>>, vector<1x16xi32>,
        %get3A_486 = arith.constant 0 : i32
        %get3A_487 = arith.index_cast %get3A_486 : i32 to index
        %get3A_488 = arith.constant 96 : index
        %get3A_489 = tpu.vector_load %arg6[%get3A_487, %get3A_488] {strides = array<i32>} : memref<4x128xi32, #tpu.memory_space<vmem>>, vector<1x16xi32>,
        %get3A_490 = vector.shape_cast %get3A_489 : vector<1x16xi32> to vector<16xi32>
        %sub3A_491 = vector.broadcast %mul3A_206 : i32 to vector<16xi32>
        %sub3A_492 = arith.subi %get3A_490, %sub3A_491 : vector<16xi32>
        %lt3A_493 = arith.constant 0 : i32
        %lt3A_494 = vector.broadcast %lt3A_493 : i32 to vector<16xi32>
        %lt3A_495 = arith.cmpi slt, %sub3A_492, %lt3A_494 : vector<16xi32>
        %ge3A_496 = arith.constant 5000 : i32
        %ge3A_497 = vector.broadcast %ge3A_496 : i32 to vector<16xi32>
        %ge3A_498 = arith.cmpi sge, %sub3A_492, %ge3A_497 : vector<16xi32>
        %or3A_499 = arith.ori %lt3A_495, %ge3A_498 : vector<16xi1>
        %jit3A_500 = arith.constant 5000 : i32
        %broadcast_in_dim3A_501 = vector.broadcast %jit3A_500 : i32 to vector<16xi32>
        %select_n3A_502 = arith.select %or3A_499, %broadcast_in_dim3A_501, %sub3A_492 : vector<16xi1>, vector<16xi32>
        %swap3A_503 = arith.constant 0 : i32
        %swap3A_504 = arith.index_cast %swap3A_503 : i32 to index
        %swap3A_505 = arith.constant 96 : index
        %swap3A_506 = tpu.vector_load %arg6[%swap3A_504, %swap3A_505] {strides = array<i32>} : memref<4x128xi32, #tpu.memory_space<vmem>>, vector<1x16xi32>,
        %swap3A_507 = vector.shape_cast %swap3A_506 : vector<1x16xi32> to vector<16xi32>
        %swap3A_508 = vector.shape_cast %select_n3A_502 : vector<16xi32> to vector<1x16xi32>
        tpu.vector_store %arg6[%swap3A_504, %swap3A_505], %swap3A_508 {strides = array<i32>} : memref<4x128xi32, #tpu.memory_space<vmem>>, vector<1x16xi32>,
        %get3A_509 = arith.constant 0 : i32
        %get3A_510 = arith.index_cast %get3A_509 : i32 to index
        %get3A_511 = arith.constant 112 : index
        %get3A_512 = tpu.vector_load %arg6[%get3A_510, %get3A_511] {strides = array<i32>} : memref<4x128xi32, #tpu.memory_space<vmem>>, vector<1x16xi32>,
        %get3A_513 = vector.shape_cast %get3A_512 : vector<1x16xi32> to vector<16xi32>
        %sub3A_514 = vector.broadcast %mul3A_206 : i32 to vector<16xi32>
        %sub3A_515 = arith.subi %get3A_513, %sub3A_514 : vector<16xi32>
        %lt3A_516 = arith.constant 0 : i32
        %lt3A_517 = vector.broadcast %lt3A_516 : i32 to vector<16xi32>
        %lt3A_518 = arith.cmpi slt, %sub3A_515, %lt3A_517 : vector<16xi32>
        %ge3A_519 = arith.constant 5000 : i32
        %ge3A_520 = vector.broadcast %ge3A_519 : i32 to vector<16xi32>
        %ge3A_521 = arith.cmpi sge, %sub3A_515, %ge3A_520 : vector<16xi32>
        %or3A_522 = arith.ori %lt3A_518, %ge3A_521 : vector<16xi1>
        %jit3A_523 = arith.constant 5000 : i32
        %broadcast_in_dim3A_524 = vector.broadcast %jit3A_523 : i32 to vector<16xi32>
        %select_n3A_525 = arith.select %or3A_522, %broadcast_in_dim3A_524, %sub3A_515 : vector<16xi1>, vector<16xi32>
        %swap3A_526 = arith.constant 0 : i32
        %swap3A_527 = arith.index_cast %swap3A_526 : i32 to index
        %swap3A_528 = arith.constant 112 : index
        %swap3A_529 = tpu.vector_load %arg6[%swap3A_527, %swap3A_528] {strides = array<i32>} : memref<4x128xi32, #tpu.memory_space<vmem>>, vector<1x16xi32>,
        %swap3A_530 = vector.shape_cast %swap3A_529 : vector<1x16xi32> to vector<16xi32>
        %swap3A_531 = vector.shape_cast %select_n3A_525 : vector<16xi32> to vector<1x16xi32>
        tpu.vector_store %arg6[%swap3A_527, %swap3A_528], %swap3A_531 {strides = array<i32>} : memref<4x128xi32, #tpu.memory_space<vmem>>, vector<1x16xi32>,
        %run_scoped3A = arith.constant 0 : i32
        %run_scoped3A_532 = arith.constant 0 : i32
        "tpu.region"() ({
          %run_scoped3A_539 = tpu.sem_alloc : memref<!tpu.dma_semaphore, #tpu.memory_space<semaphore_mem>>
          %dma_start3A_540 = arith.constant 0 : i32
          %dma_start3A_541 = arith.constant 0 : i32
          %dma_start3A_542 = tpu.memref_slice %arg5[%run_scoped3A, %dma_start3A_540, %dma_start3A_541] : memref<4x128x128xf32, #tpu.memory_space<vmem>> -> memref<1x128x128xf32, #tpu.memory_space<vmem>>
          %dma_start3A_543 = tpu.memref_squeeze %dma_start3A_542 : memref<1x128x128xf32, #tpu.memory_space<vmem>> -> memref<128x128xf32, #tpu.memory_space<vmem>>
          %dma_start3A_544 = arith.constant 0 : i32
          %dma_start3A_545 = tpu.memref_slice %arg6[%run_scoped3A_532, %dma_start3A_544] : memref<4x128xi32, #tpu.memory_space<vmem>> -> memref<1x128xi32, #tpu.memory_space<vmem>>
          %dma_start3A_546 = tpu.memref_squeeze %dma_start3A_545 : memref<1x128xi32, #tpu.memory_space<vmem>> -> memref<128xi32, #tpu.memory_space<vmem>>
          %dma_start3A_547 = arith.constant 0 : i32
          %dma_start3A_548 = arith.constant 0 : i32
          %dma_start3A_549 = tpu.memref_slice %arg8[%dma_start3A_547, %dma_start3A_548] : memref<5008x128xf32, #tpu.memory_space<vmem_shared>> -> memref<5008x128xf32, #tpu.memory_space<vmem_shared>>
          tpu.enqueue_indirect_dma source(%dma_start3A_543 : memref<128x128xf32, #tpu.memory_space<vmem>>) target(%dma_start3A_549 : memref<5008x128xf32, #tpu.memory_space<vmem_shared>>) offsets(%dma_start3A_546 : memref<128xi32, #tpu.memory_space<vmem>>) semaphore(%run_scoped3A_539 : memref<!tpu.dma_semaphore, #tpu.memory_space<semaphore_mem>>) {add = true}
          %dma_wait3A_550 = arith.constant 0 : i32
          %dma_wait3A_551 = arith.constant 0 : i32
          %dma_wait3A_552 = tpu.memref_slice %arg5[%run_scoped3A, %dma_wait3A_550, %dma_wait3A_551] : memref<4x128x128xf32, #tpu.memory_space<vmem>> -> memref<1x128x128xf32, #tpu.memory_space<vmem>>
          %dma_wait3A_553 = tpu.memref_squeeze %dma_wait3A_552 : memref<1x128x128xf32, #tpu.memory_space<vmem>> -> memref<128x128xf32, #tpu.memory_space<vmem>>
          %dma_wait3A_554 = arith.constant 0 : i32
          %dma_wait3A_555 = tpu.memref_slice %arg6[%run_scoped3A_532, %dma_wait3A_554] : memref<4x128xi32, #tpu.memory_space<vmem>> -> memref<1x128xi32, #tpu.memory_space<vmem>>
          %dma_wait3A_556 = tpu.memref_squeeze %dma_wait3A_555 : memref<1x128xi32, #tpu.memory_space<vmem>> -> memref<128xi32, #tpu.memory_space<vmem>>
          %dma_wait3A_557 = arith.constant 0 : i32
          %dma_wait3A_558 = arith.constant 0 : i32
          %dma_wait3A_559 = tpu.memref_slice %arg8[%dma_wait3A_557, %dma_wait3A_558] : memref<5008x128xf32, #tpu.memory_space<vmem_shared>> -> memref<5008x128xf32, #tpu.memory_space<vmem_shared>>
          tpu.wait_indirect_dma semaphore(%run_scoped3A_539 : memref<!tpu.dma_semaphore, #tpu.memory_space<semaphore_mem>>) src(%dma_wait3A_553 : memref<128x128xf32, #tpu.memory_space<vmem>>) dst(%dma_wait3A_559 : memref<5008x128xf32, #tpu.memory_space<vmem_shared>>)
          tpu.yield
        }) : () -> ()
        %add3A_533 = arith.constant 4 : i32
        %add3A_534 = arith.addi %add3A_296, %add3A_533 : i32
        %lt3A_535 = arith.cmpi slt, %add3A_534, %min3A : i32
        %convert_element_type3A_536 = arith.extui %lt3A_535 : i1 to i32
        %cond3A_537 = arith.constant 0 : i32
        %cond3A_538 = arith.cmpi ne, %convert_element_type3A_536, %cond3A_537 : i32
        scf.if %cond3A_538 {
          %add3A_539 = arith.constant 4 : i32
          %add3A_540 = arith.addi %add3A_296, %add3A_539 : i32
          %add3A_541 = arith.addi %mul3A_167, %mul3A_201 : i32
          %add3A_542 = arith.addi %add3A_541, %add3A_540 : i32
          %mul3A_543 = arith.constant 128 : i32
          %mul3A_544 = arith.muli %add3A_542, %mul3A_543 : i32
          %multiple_of3A_545 = tpu.assume_multiple %mul3A_544, 8 : i32
          %dma_start3A_546 = arith.constant 0 : i32
          %dma_start3A_547 = arith.constant 0 : i32
          %dma_start3A_548 = arith.constant 0 : i32
          %dma_start3A_549 = tpu.memref_slice %arg5[%dma_start3A_546, %dma_start3A_547, %dma_start3A_548] : memref<4x128x128xf32, #tpu.memory_space<vmem>> -> memref<1x128x128xf32, #tpu.memory_space<vmem>>
          %dma_start3A_550 = tpu.memref_squeeze %dma_start3A_549 : memref<1x128x128xf32, #tpu.memory_space<vmem>> -> memref<128x128xf32, #tpu.memory_space<vmem>>
          %dma_start3A_551 = arith.constant 0 : i32
          %dma_start3A_552 = tpu.memref_slice %arg2[%multiple_of3A_545, %dma_start3A_551] : memref<320000x128xf32, #tpu.memory_space<hbm>> -> memref<128x128xf32, #tpu.memory_space<hbm>>
          %dma_start3A_553 = arith.constant 0 : i32
          %dma_start3A_554 = arith.constant 0 : i32
          %dma_start3A_555 = tpu.memref_slice %arg5[%dma_start3A_546, %dma_start3A_553, %dma_start3A_554] : memref<4x128x128xf32, #tpu.memory_space<vmem>> -> memref<1x128x128xf32, #tpu.memory_space<vmem>>
          %dma_start3A_556 = tpu.memref_squeeze %dma_start3A_555 : memref<1x128x128xf32, #tpu.memory_space<vmem>> -> memref<128x128xf32, #tpu.memory_space<vmem>>
          %dma_start3A_557 = arith.constant 0 : i32
          %dma_start3A_558 = tpu.memref_slice %arg2[%multiple_of3A_545, %dma_start3A_557] : memref<320000x128xf32, #tpu.memory_space<hbm>> -> memref<128x128xf32, #tpu.memory_space<hbm>>
          tpu.enqueue_dma source(%dma_start3A_558 : memref<128x128xf32, #tpu.memory_space<hbm>>) target(%dma_start3A_556 : memref<128x128xf32, #tpu.memory_space<vmem>>) target_semaphore(%arg9 : memref<!tpu.dma_semaphore, #tpu.memory_space<semaphore_mem>>)
          %dma_start3A_559 = arith.constant 0 : i32
          %dma_start3A_560 = arith.constant 0 : i32
          %dma_start3A_561 = tpu.memref_slice %arg6[%dma_start3A_559, %dma_start3A_560] : memref<4x128xi32, #tpu.memory_space<vmem>> -> memref<1x128xi32, #tpu.memory_space<vmem>>
          %dma_start3A_562 = tpu.memref_squeeze %dma_start3A_561 : memref<1x128xi32, #tpu.memory_space<vmem>> -> memref<128xi32, #tpu.memory_space<vmem>>
          %dma_start3A_563 = tpu.memref_slice %arg3[%multiple_of3A_545] : memref<320000xi32, #tpu.memory_space<hbm>> -> memref<128xi32, #tpu.memory_space<hbm>>
          %dma_start3A_564 = arith.constant 0 : i32
          %dma_start3A_565 = tpu.memref_slice %arg6[%dma_start3A_559, %dma_start3A_564] : memref<4x128xi32, #tpu.memory_space<vmem>> -> memref<1x128xi32, #tpu.memory_space<vmem>>
          %dma_start3A_566 = tpu.memref_squeeze %dma_start3A_565 : memref<1x128xi32, #tpu.memory_space<vmem>> -> memref<128xi32, #tpu.memory_space<vmem>>
          %dma_start3A_567 = tpu.memref_slice %arg3[%multiple_of3A_545] : memref<320000xi32, #tpu.memory_space<hbm>> -> memref<128xi32, #tpu.memory_space<hbm>>
          tpu.enqueue_dma source(%dma_start3A_567 : memref<128xi32, #tpu.memory_space<hbm>>) target(%dma_start3A_566 : memref<128xi32, #tpu.memory_space<vmem>>) target_semaphore(%arg9 : memref<!tpu.dma_semaphore, #tpu.memory_space<semaphore_mem>>)
        } else {
        }
      } else {
      }
      %mul3A_301 = arith.constant 4 : i32
      %mul3A_302 = arith.muli %while3A_292, %mul3A_301 : i32
      %add3A_303 = arith.constant 1 : i32
      %add3A_304 = arith.addi %mul3A_302, %add3A_303 : i32
      %lt3A_305 = arith.cmpi slt, %add3A_304, %min3A : i32
      %convert_element_type3A_306 = arith.extui %lt3A_305 : i1 to i32
      %cond3A_307 = arith.constant 0 : i32
      %cond3A_308 = arith.cmpi ne, %convert_element_type3A_306, %cond3A_307 : i32
      scf.if %cond3A_308 {
        %add3A_325 = arith.addi %mul3A_167, %mul3A_201 : i32
        %add3A_326 = arith.addi %add3A_325, %add3A_304 : i32
        %mul3A_327 = arith.constant 128 : i32
        %mul3A_328 = arith.muli %add3A_326, %mul3A_327 : i32
        %multiple_of3A_329 = tpu.assume_multiple %mul3A_328, 8 : i32
        %dma_wait3A_330 = arith.constant 1 : i32
        %dma_wait3A_331 = arith.constant 0 : i32
        %dma_wait3A_332 = arith.constant 0 : i32
        %dma_wait3A_333 = tpu.memref_slice %arg5[%dma_wait3A_330, %dma_wait3A_331, %dma_wait3A_332] : memref<4x128x128xf32, #tpu.memory_space<vmem>> -> memref<1x128x128xf32, #tpu.memory_space<vmem>>
        %dma_wait3A_334 = tpu.memref_squeeze %dma_wait3A_333 : memref<1x128x128xf32, #tpu.memory_space<vmem>> -> memref<128x128xf32, #tpu.memory_space<vmem>>
        %dma_wait3A_335 = arith.constant 0 : i32
        %dma_wait3A_336 = tpu.memref_slice %arg2[%multiple_of3A_329, %dma_wait3A_335] : memref<320000x128xf32, #tpu.memory_space<hbm>> -> memref<128x128xf32, #tpu.memory_space<hbm>>
        %dma_wait3A_337 = arith.constant 0 : i32
        %dma_wait3A_338 = arith.constant 0 : i32
        %dma_wait3A_339 = tpu.memref_slice %arg5[%dma_wait3A_330, %dma_wait3A_337, %dma_wait3A_338] : memref<4x128x128xf32, #tpu.memory_space<vmem>> -> memref<1x128x128xf32, #tpu.memory_space<vmem>>
        %dma_wait3A_340 = tpu.memref_squeeze %dma_wait3A_339 : memref<1x128x128xf32, #tpu.memory_space<vmem>> -> memref<128x128xf32, #tpu.memory_space<vmem>>
        %dma_wait3A_341 = arith.constant 0 : i32
        %dma_wait3A_342 = tpu.memref_slice %arg2[%multiple_of3A_329, %dma_wait3A_341] : memref<320000x128xf32, #tpu.memory_space<hbm>> -> memref<128x128xf32, #tpu.memory_space<hbm>>
        tpu.wait_dma2 semaphore(%arg10 : memref<!tpu.dma_semaphore, #tpu.memory_space<semaphore_mem>>) src(%dma_wait3A_342 : memref<128x128xf32, #tpu.memory_space<hbm>>) dst(%dma_wait3A_340 : memref<128x128xf32, #tpu.memory_space<vmem>>)
        %dma_wait3A_343 = arith.constant 1 : i32
        %dma_wait3A_344 = arith.constant 0 : i32
        %dma_wait3A_345 = tpu.memref_slice %arg6[%dma_wait3A_343, %dma_wait3A_344] : memref<4x128xi32, #tpu.memory_space<vmem>> -> memref<1x128xi32, #tpu.memory_space<vmem>>
        %dma_wait3A_346 = tpu.memref_squeeze %dma_wait3A_345 : memref<1x128xi32, #tpu.memory_space<vmem>> -> memref<128xi32, #tpu.memory_space<vmem>>
        %dma_wait3A_347 = tpu.memref_slice %arg3[%multiple_of3A_329] : memref<320000xi32, #tpu.memory_space<hbm>> -> memref<128xi32, #tpu.memory_space<hbm>>
        %dma_wait3A_348 = arith.constant 0 : i32
        %dma_wait3A_349 = tpu.memref_slice %arg6[%dma_wait3A_343, %dma_wait3A_348] : memref<4x128xi32, #tpu.memory_space<vmem>> -> memref<1x128xi32, #tpu.memory_space<vmem>>
        %dma_wait3A_350 = tpu.memref_squeeze %dma_wait3A_349 : memref<1x128xi32, #tpu.memory_space<vmem>> -> memref<128xi32, #tpu.memory_space<vmem>>
        %dma_wait3A_351 = tpu.memref_slice %arg3[%multiple_of3A_329] : memref<320000xi32, #tpu.memory_space<hbm>> -> memref<128xi32, #tpu.memory_space<hbm>>
        tpu.wait_dma2 semaphore(%arg10 : memref<!tpu.dma_semaphore, #tpu.memory_space<semaphore_mem>>) src(%dma_wait3A_351 : memref<128xi32, #tpu.memory_space<hbm>>) dst(%dma_wait3A_350 : memref<128xi32, #tpu.memory_space<vmem>>)
        %get3A = arith.constant 1 : i32
        %get3A_352 = arith.index_cast %get3A : i32 to index
        %get3A_353 = arith.constant 0 : index
        %get3A_354 = tpu.vector_load %arg6[%get3A_352, %get3A_353] {strides = array<i32>} : memref<4x128xi32, #tpu.memory_space<vmem>>, vector<1x16xi32>,
        %get3A_355 = vector.shape_cast %get3A_354 : vector<1x16xi32> to vector<16xi32>
        %sub3A_356 = vector.broadcast %mul3A_206 : i32 to vector<16xi32>
        %sub3A_357 = arith.subi %get3A_355, %sub3A_356 : vector<16xi32>
        %lt3A_358 = arith.constant 0 : i32
        %lt3A_359 = vector.broadcast %lt3A_358 : i32 to vector<16xi32>
        %lt3A_360 = arith.cmpi slt, %sub3A_357, %lt3A_359 : vector<16xi32>
        %ge3A = arith.constant 5000 : i32
        %ge3A_361 = vector.broadcast %ge3A : i32 to vector<16xi32>
        %ge3A_362 = arith.cmpi sge, %sub3A_357, %ge3A_361 : vector<16xi32>
        %or3A = arith.ori %lt3A_360, %ge3A_362 : vector<16xi1>
        %jit3A_363 = arith.constant 5000 : i32
        %broadcast_in_dim3A_364 = vector.broadcast %jit3A_363 : i32 to vector<16xi32>
        %select_n3A_365 = arith.select %or3A, %broadcast_in_dim3A_364, %sub3A_357 : vector<16xi1>, vector<16xi32>
        %swap3A = arith.constant 1 : i32
        %swap3A_366 = arith.index_cast %swap3A : i32 to index
        %swap3A_367 = arith.constant 0 : index
        %swap3A_368 = tpu.vector_load %arg6[%swap3A_366, %swap3A_367] {strides = array<i32>} : memref<4x128xi32, #tpu.memory_space<vmem>>, vector<1x16xi32>,
        %swap3A_369 = vector.shape_cast %swap3A_368 : vector<1x16xi32> to vector<16xi32>
        %swap3A_370 = vector.shape_cast %select_n3A_365 : vector<16xi32> to vector<1x16xi32>
        tpu.vector_store %arg6[%swap3A_366, %swap3A_367], %swap3A_370 {strides = array<i32>} : memref<4x128xi32, #tpu.memory_space<vmem>>, vector<1x16xi32>,
        %get3A_371 = arith.constant 1 : i32
        %get3A_372 = arith.index_cast %get3A_371 : i32 to index
        %get3A_373 = arith.constant 16 : index
        %get3A_374 = tpu.vector_load %arg6[%get3A_372, %get3A_373] {strides = array<i32>} : memref<4x128xi32, #tpu.memory_space<vmem>>, vector<1x16xi32>,
        %get3A_375 = vector.shape_cast %get3A_374 : vector<1x16xi32> to vector<16xi32>
        %sub3A_376 = vector.broadcast %mul3A_206 : i32 to vector<16xi32>
        %sub3A_377 = arith.subi %get3A_375, %sub3A_376 : vector<16xi32>
        %lt3A_378 = arith.constant 0 : i32
        %lt3A_379 = vector.broadcast %lt3A_378 : i32 to vector<16xi32>
        %lt3A_380 = arith.cmpi slt, %sub3A_377, %lt3A_379 : vector<16xi32>
        %ge3A_381 = arith.constant 5000 : i32
        %ge3A_382 = vector.broadcast %ge3A_381 : i32 to vector<16xi32>
        %ge3A_383 = arith.cmpi sge, %sub3A_377, %ge3A_382 : vector<16xi32>
        %or3A_384 = arith.ori %lt3A_380, %ge3A_383 : vector<16xi1>
        %jit3A_385 = arith.constant 5000 : i32
        %broadcast_in_dim3A_386 = vector.broadcast %jit3A_385 : i32 to vector<16xi32>
        %select_n3A_387 = arith.select %or3A_384, %broadcast_in_dim3A_386, %sub3A_377 : vector<16xi1>, vector<16xi32>
        %swap3A_388 = arith.constant 1 : i32
        %swap3A_389 = arith.index_cast %swap3A_388 : i32 to index
        %swap3A_390 = arith.constant 16 : index
        %swap3A_391 = tpu.vector_load %arg6[%swap3A_389, %swap3A_390] {strides = array<i32>} : memref<4x128xi32, #tpu.memory_space<vmem>>, vector<1x16xi32>,
        %swap3A_392 = vector.shape_cast %swap3A_391 : vector<1x16xi32> to vector<16xi32>
        %swap3A_393 = vector.shape_cast %select_n3A_387 : vector<16xi32> to vector<1x16xi32>
        tpu.vector_store %arg6[%swap3A_389, %swap3A_390], %swap3A_393 {strides = array<i32>} : memref<4x128xi32, #tpu.memory_space<vmem>>, vector<1x16xi32>,
        %get3A_394 = arith.constant 1 : i32
        %get3A_395 = arith.index_cast %get3A_394 : i32 to index
        %get3A_396 = arith.constant 32 : index
        %get3A_397 = tpu.vector_load %arg6[%get3A_395, %get3A_396] {strides = array<i32>} : memref<4x128xi32, #tpu.memory_space<vmem>>, vector<1x16xi32>,
        %get3A_398 = vector.shape_cast %get3A_397 : vector<1x16xi32> to vector<16xi32>
        %sub3A_399 = vector.broadcast %mul3A_206 : i32 to vector<16xi32>
        %sub3A_400 = arith.subi %get3A_398, %sub3A_399 : vector<16xi32>
        %lt3A_401 = arith.constant 0 : i32
        %lt3A_402 = vector.broadcast %lt3A_401 : i32 to vector<16xi32>
        %lt3A_403 = arith.cmpi slt, %sub3A_400, %lt3A_402 : vector<16xi32>
        %ge3A_404 = arith.constant 5000 : i32
        %ge3A_405 = vector.broadcast %ge3A_404 : i32 to vector<16xi32>
        %ge3A_406 = arith.cmpi sge, %sub3A_400, %ge3A_405 : vector<16xi32>
        %or3A_407 = arith.ori %lt3A_403, %ge3A_406 : vector<16xi1>
        %jit3A_408 = arith.constant 5000 : i32
        %broadcast_in_dim3A_409 = vector.broadcast %jit3A_408 : i32 to vector<16xi32>
        %select_n3A_410 = arith.select %or3A_407, %broadcast_in_dim3A_409, %sub3A_400 : vector<16xi1>, vector<16xi32>
        %swap3A_411 = arith.constant 1 : i32
        %swap3A_412 = arith.index_cast %swap3A_411 : i32 to index
        %swap3A_413 = arith.constant 32 : index
        %swap3A_414 = tpu.vector_load %arg6[%swap3A_412, %swap3A_413] {strides = array<i32>} : memref<4x128xi32, #tpu.memory_space<vmem>>, vector<1x16xi32>,
        %swap3A_415 = vector.shape_cast %swap3A_414 : vector<1x16xi32> to vector<16xi32>
        %swap3A_416 = vector.shape_cast %select_n3A_410 : vector<16xi32> to vector<1x16xi32>
        tpu.vector_store %arg6[%swap3A_412, %swap3A_413], %swap3A_416 {strides = array<i32>} : memref<4x128xi32, #tpu.memory_space<vmem>>, vector<1x16xi32>,
        %get3A_417 = arith.constant 1 : i32
        %get3A_418 = arith.index_cast %get3A_417 : i32 to index
        %get3A_419 = arith.constant 48 : index
        %get3A_420 = tpu.vector_load %arg6[%get3A_418, %get3A_419] {strides = array<i32>} : memref<4x128xi32, #tpu.memory_space<vmem>>, vector<1x16xi32>,
        %get3A_421 = vector.shape_cast %get3A_420 : vector<1x16xi32> to vector<16xi32>
        %sub3A_422 = vector.broadcast %mul3A_206 : i32 to vector<16xi32>
        %sub3A_423 = arith.subi %get3A_421, %sub3A_422 : vector<16xi32>
        %lt3A_424 = arith.constant 0 : i32
        %lt3A_425 = vector.broadcast %lt3A_424 : i32 to vector<16xi32>
        %lt3A_426 = arith.cmpi slt, %sub3A_423, %lt3A_425 : vector<16xi32>
        %ge3A_427 = arith.constant 5000 : i32
        %ge3A_428 = vector.broadcast %ge3A_427 : i32 to vector<16xi32>
        %ge3A_429 = arith.cmpi sge, %sub3A_423, %ge3A_428 : vector<16xi32>
        %or3A_430 = arith.ori %lt3A_426, %ge3A_429 : vector<16xi1>
        %jit3A_431 = arith.constant 5000 : i32
        %broadcast_in_dim3A_432 = vector.broadcast %jit3A_431 : i32 to vector<16xi32>
        %select_n3A_433 = arith.select %or3A_430, %broadcast_in_dim3A_432, %sub3A_423 : vector<16xi1>, vector<16xi32>
        %swap3A_434 = arith.constant 1 : i32
        %swap3A_435 = arith.index_cast %swap3A_434 : i32 to index
        %swap3A_436 = arith.constant 48 : index
        %swap3A_437 = tpu.vector_load %arg6[%swap3A_435, %swap3A_436] {strides = array<i32>} : memref<4x128xi32, #tpu.memory_space<vmem>>, vector<1x16xi32>,
        %swap3A_438 = vector.shape_cast %swap3A_437 : vector<1x16xi32> to vector<16xi32>
        %swap3A_439 = vector.shape_cast %select_n3A_433 : vector<16xi32> to vector<1x16xi32>
        tpu.vector_store %arg6[%swap3A_435, %swap3A_436], %swap3A_439 {strides = array<i32>} : memref<4x128xi32, #tpu.memory_space<vmem>>, vector<1x16xi32>,
        %get3A_440 = arith.constant 1 : i32
        %get3A_441 = arith.index_cast %get3A_440 : i32 to index
        %get3A_442 = arith.constant 64 : index
        %get3A_443 = tpu.vector_load %arg6[%get3A_441, %get3A_442] {strides = array<i32>} : memref<4x128xi32, #tpu.memory_space<vmem>>, vector<1x16xi32>,
        %get3A_444 = vector.shape_cast %get3A_443 : vector<1x16xi32> to vector<16xi32>
        %sub3A_445 = vector.broadcast %mul3A_206 : i32 to vector<16xi32>
        %sub3A_446 = arith.subi %get3A_444, %sub3A_445 : vector<16xi32>
        %lt3A_447 = arith.constant 0 : i32
        %lt3A_448 = vector.broadcast %lt3A_447 : i32 to vector<16xi32>
        %lt3A_449 = arith.cmpi slt, %sub3A_446, %lt3A_448 : vector<16xi32>
        %ge3A_450 = arith.constant 5000 : i32
        %ge3A_451 = vector.broadcast %ge3A_450 : i32 to vector<16xi32>
        %ge3A_452 = arith.cmpi sge, %sub3A_446, %ge3A_451 : vector<16xi32>
        %or3A_453 = arith.ori %lt3A_449, %ge3A_452 : vector<16xi1>
        %jit3A_454 = arith.constant 5000 : i32
        %broadcast_in_dim3A_455 = vector.broadcast %jit3A_454 : i32 to vector<16xi32>
        %select_n3A_456 = arith.select %or3A_453, %broadcast_in_dim3A_455, %sub3A_446 : vector<16xi1>, vector<16xi32>
        %swap3A_457 = arith.constant 1 : i32
        %swap3A_458 = arith.index_cast %swap3A_457 : i32 to index
        %swap3A_459 = arith.constant 64 : index
        %swap3A_460 = tpu.vector_load %arg6[%swap3A_458, %swap3A_459] {strides = array<i32>} : memref<4x128xi32, #tpu.memory_space<vmem>>, vector<1x16xi32>,
        %swap3A_461 = vector.shape_cast %swap3A_460 : vector<1x16xi32> to vector<16xi32>
        %swap3A_462 = vector.shape_cast %select_n3A_456 : vector<16xi32> to vector<1x16xi32>
        tpu.vector_store %arg6[%swap3A_458, %swap3A_459], %swap3A_462 {strides = array<i32>} : memref<4x128xi32, #tpu.memory_space<vmem>>, vector<1x16xi32>,
        %get3A_463 = arith.constant 1 : i32
        %get3A_464 = arith.index_cast %get3A_463 : i32 to index
        %get3A_465 = arith.constant 80 : index
        %get3A_466 = tpu.vector_load %arg6[%get3A_464, %get3A_465] {strides = array<i32>} : memref<4x128xi32, #tpu.memory_space<vmem>>, vector<1x16xi32>,
        %get3A_467 = vector.shape_cast %get3A_466 : vector<1x16xi32> to vector<16xi32>
        %sub3A_468 = vector.broadcast %mul3A_206 : i32 to vector<16xi32>
        %sub3A_469 = arith.subi %get3A_467, %sub3A_468 : vector<16xi32>
        %lt3A_470 = arith.constant 0 : i32
        %lt3A_471 = vector.broadcast %lt3A_470 : i32 to vector<16xi32>
        %lt3A_472 = arith.cmpi slt, %sub3A_469, %lt3A_471 : vector<16xi32>
        %ge3A_473 = arith.constant 5000 : i32
        %ge3A_474 = vector.broadcast %ge3A_473 : i32 to vector<16xi32>
        %ge3A_475 = arith.cmpi sge, %sub3A_469, %ge3A_474 : vector<16xi32>
        %or3A_476 = arith.ori %lt3A_472, %ge3A_475 : vector<16xi1>
        %jit3A_477 = arith.constant 5000 : i32
        %broadcast_in_dim3A_478 = vector.broadcast %jit3A_477 : i32 to vector<16xi32>
        %select_n3A_479 = arith.select %or3A_476, %broadcast_in_dim3A_478, %sub3A_469 : vector<16xi1>, vector<16xi32>
        %swap3A_480 = arith.constant 1 : i32
        %swap3A_481 = arith.index_cast %swap3A_480 : i32 to index
        %swap3A_482 = arith.constant 80 : index
        %swap3A_483 = tpu.vector_load %arg6[%swap3A_481, %swap3A_482] {strides = array<i32>} : memref<4x128xi32, #tpu.memory_space<vmem>>, vector<1x16xi32>,
        %swap3A_484 = vector.shape_cast %swap3A_483 : vector<1x16xi32> to vector<16xi32>
        %swap3A_485 = vector.shape_cast %select_n3A_479 : vector<16xi32> to vector<1x16xi32>
        tpu.vector_store %arg6[%swap3A_481, %swap3A_482], %swap3A_485 {strides = array<i32>} : memref<4x128xi32, #tpu.memory_space<vmem>>, vector<1x16xi32>,
        %get3A_486 = arith.constant 1 : i32
        %get3A_487 = arith.index_cast %get3A_486 : i32 to index
        %get3A_488 = arith.constant 96 : index
        %get3A_489 = tpu.vector_load %arg6[%get3A_487, %get3A_488] {strides = array<i32>} : memref<4x128xi32, #tpu.memory_space<vmem>>, vector<1x16xi32>,
        %get3A_490 = vector.shape_cast %get3A_489 : vector<1x16xi32> to vector<16xi32>
        %sub3A_491 = vector.broadcast %mul3A_206 : i32 to vector<16xi32>
        %sub3A_492 = arith.subi %get3A_490, %sub3A_491 : vector<16xi32>
        %lt3A_493 = arith.constant 0 : i32
        %lt3A_494 = vector.broadcast %lt3A_493 : i32 to vector<16xi32>
        %lt3A_495 = arith.cmpi slt, %sub3A_492, %lt3A_494 : vector<16xi32>
        %ge3A_496 = arith.constant 5000 : i32
        %ge3A_497 = vector.broadcast %ge3A_496 : i32 to vector<16xi32>
        %ge3A_498 = arith.cmpi sge, %sub3A_492, %ge3A_497 : vector<16xi32>
        %or3A_499 = arith.ori %lt3A_495, %ge3A_498 : vector<16xi1>
        %jit3A_500 = arith.constant 5000 : i32
        %broadcast_in_dim3A_501 = vector.broadcast %jit3A_500 : i32 to vector<16xi32>
        %select_n3A_502 = arith.select %or3A_499, %broadcast_in_dim3A_501, %sub3A_492 : vector<16xi1>, vector<16xi32>
        %swap3A_503 = arith.constant 1 : i32
        %swap3A_504 = arith.index_cast %swap3A_503 : i32 to index
        %swap3A_505 = arith.constant 96 : index
        %swap3A_506 = tpu.vector_load %arg6[%swap3A_504, %swap3A_505] {strides = array<i32>} : memref<4x128xi32, #tpu.memory_space<vmem>>, vector<1x16xi32>,
        %swap3A_507 = vector.shape_cast %swap3A_506 : vector<1x16xi32> to vector<16xi32>
        %swap3A_508 = vector.shape_cast %select_n3A_502 : vector<16xi32> to vector<1x16xi32>
        tpu.vector_store %arg6[%swap3A_504, %swap3A_505], %swap3A_508 {strides = array<i32>} : memref<4x128xi32, #tpu.memory_space<vmem>>, vector<1x16xi32>,
        %get3A_509 = arith.constant 1 : i32
        %get3A_510 = arith.index_cast %get3A_509 : i32 to index
        %get3A_511 = arith.constant 112 : index
        %get3A_512 = tpu.vector_load %arg6[%get3A_510, %get3A_511] {strides = array<i32>} : memref<4x128xi32, #tpu.memory_space<vmem>>, vector<1x16xi32>,
        %get3A_513 = vector.shape_cast %get3A_512 : vector<1x16xi32> to vector<16xi32>
        %sub3A_514 = vector.broadcast %mul3A_206 : i32 to vector<16xi32>
        %sub3A_515 = arith.subi %get3A_513, %sub3A_514 : vector<16xi32>
        %lt3A_516 = arith.constant 0 : i32
        %lt3A_517 = vector.broadcast %lt3A_516 : i32 to vector<16xi32>
        %lt3A_518 = arith.cmpi slt, %sub3A_515, %lt3A_517 : vector<16xi32>
        %ge3A_519 = arith.constant 5000 : i32
        %ge3A_520 = vector.broadcast %ge3A_519 : i32 to vector<16xi32>
        %ge3A_521 = arith.cmpi sge, %sub3A_515, %ge3A_520 : vector<16xi32>
        %or3A_522 = arith.ori %lt3A_518, %ge3A_521 : vector<16xi1>
        %jit3A_523 = arith.constant 5000 : i32
        %broadcast_in_dim3A_524 = vector.broadcast %jit3A_523 : i32 to vector<16xi32>
        %select_n3A_525 = arith.select %or3A_522, %broadcast_in_dim3A_524, %sub3A_515 : vector<16xi1>, vector<16xi32>
        %swap3A_526 = arith.constant 1 : i32
        %swap3A_527 = arith.index_cast %swap3A_526 : i32 to index
        %swap3A_528 = arith.constant 112 : index
        %swap3A_529 = tpu.vector_load %arg6[%swap3A_527, %swap3A_528] {strides = array<i32>} : memref<4x128xi32, #tpu.memory_space<vmem>>, vector<1x16xi32>,
        %swap3A_530 = vector.shape_cast %swap3A_529 : vector<1x16xi32> to vector<16xi32>
        %swap3A_531 = vector.shape_cast %select_n3A_525 : vector<16xi32> to vector<1x16xi32>
        tpu.vector_store %arg6[%swap3A_527, %swap3A_528], %swap3A_531 {strides = array<i32>} : memref<4x128xi32, #tpu.memory_space<vmem>>, vector<1x16xi32>,
        %run_scoped3A = arith.constant 1 : i32
        %run_scoped3A_532 = arith.constant 1 : i32
        "tpu.region"() ({
          %run_scoped3A_539 = tpu.sem_alloc : memref<!tpu.dma_semaphore, #tpu.memory_space<semaphore_mem>>
          %dma_start3A_540 = arith.constant 0 : i32
          %dma_start3A_541 = arith.constant 0 : i32
          %dma_start3A_542 = tpu.memref_slice %arg5[%run_scoped3A, %dma_start3A_540, %dma_start3A_541] : memref<4x128x128xf32, #tpu.memory_space<vmem>> -> memref<1x128x128xf32, #tpu.memory_space<vmem>>
          %dma_start3A_543 = tpu.memref_squeeze %dma_start3A_542 : memref<1x128x128xf32, #tpu.memory_space<vmem>> -> memref<128x128xf32, #tpu.memory_space<vmem>>
          %dma_start3A_544 = arith.constant 0 : i32
          %dma_start3A_545 = tpu.memref_slice %arg6[%run_scoped3A_532, %dma_start3A_544] : memref<4x128xi32, #tpu.memory_space<vmem>> -> memref<1x128xi32, #tpu.memory_space<vmem>>
          %dma_start3A_546 = tpu.memref_squeeze %dma_start3A_545 : memref<1x128xi32, #tpu.memory_space<vmem>> -> memref<128xi32, #tpu.memory_space<vmem>>
          %dma_start3A_547 = arith.constant 0 : i32
          %dma_start3A_548 = arith.constant 0 : i32
          %dma_start3A_549 = tpu.memref_slice %arg8[%dma_start3A_547, %dma_start3A_548] : memref<5008x128xf32, #tpu.memory_space<vmem_shared>> -> memref<5008x128xf32, #tpu.memory_space<vmem_shared>>
          tpu.enqueue_indirect_dma source(%dma_start3A_543 : memref<128x128xf32, #tpu.memory_space<vmem>>) target(%dma_start3A_549 : memref<5008x128xf32, #tpu.memory_space<vmem_shared>>) offsets(%dma_start3A_546 : memref<128xi32, #tpu.memory_space<vmem>>) semaphore(%run_scoped3A_539 : memref<!tpu.dma_semaphore, #tpu.memory_space<semaphore_mem>>) {add = true}
          %dma_wait3A_550 = arith.constant 0 : i32
          %dma_wait3A_551 = arith.constant 0 : i32
          %dma_wait3A_552 = tpu.memref_slice %arg5[%run_scoped3A, %dma_wait3A_550, %dma_wait3A_551] : memref<4x128x128xf32, #tpu.memory_space<vmem>> -> memref<1x128x128xf32, #tpu.memory_space<vmem>>
          %dma_wait3A_553 = tpu.memref_squeeze %dma_wait3A_552 : memref<1x128x128xf32, #tpu.memory_space<vmem>> -> memref<128x128xf32, #tpu.memory_space<vmem>>
          %dma_wait3A_554 = arith.constant 0 : i32
          %dma_wait3A_555 = tpu.memref_slice %arg6[%run_scoped3A_532, %dma_wait3A_554] : memref<4x128xi32, #tpu.memory_space<vmem>> -> memref<1x128xi32, #tpu.memory_space<vmem>>
          %dma_wait3A_556 = tpu.memref_squeeze %dma_wait3A_555 : memref<1x128xi32, #tpu.memory_space<vmem>> -> memref<128xi32, #tpu.memory_space<vmem>>
          %dma_wait3A_557 = arith.constant 0 : i32
          %dma_wait3A_558 = arith.constant 0 : i32
          %dma_wait3A_559 = tpu.memref_slice %arg8[%dma_wait3A_557, %dma_wait3A_558] : memref<5008x128xf32, #tpu.memory_space<vmem_shared>> -> memref<5008x128xf32, #tpu.memory_space<vmem_shared>>
          tpu.wait_indirect_dma semaphore(%run_scoped3A_539 : memref<!tpu.dma_semaphore, #tpu.memory_space<semaphore_mem>>) src(%dma_wait3A_553 : memref<128x128xf32, #tpu.memory_space<vmem>>) dst(%dma_wait3A_559 : memref<5008x128xf32, #tpu.memory_space<vmem_shared>>)
          tpu.yield
        }) : () -> ()
        %add3A_533 = arith.constant 4 : i32
        %add3A_534 = arith.addi %add3A_304, %add3A_533 : i32
        %lt3A_535 = arith.cmpi slt, %add3A_534, %min3A : i32
        %convert_element_type3A_536 = arith.extui %lt3A_535 : i1 to i32
        %cond3A_537 = arith.constant 0 : i32
        %cond3A_538 = arith.cmpi ne, %convert_element_type3A_536, %cond3A_537 : i32
        scf.if %cond3A_538 {
          %add3A_539 = arith.constant 4 : i32
          %add3A_540 = arith.addi %add3A_304, %add3A_539 : i32
          %add3A_541 = arith.addi %mul3A_167, %mul3A_201 : i32
          %add3A_542 = arith.addi %add3A_541, %add3A_540 : i32
          %mul3A_543 = arith.constant 128 : i32
          %mul3A_544 = arith.muli %add3A_542, %mul3A_543 : i32
          %multiple_of3A_545 = tpu.assume_multiple %mul3A_544, 8 : i32
          %dma_start3A_546 = arith.constant 1 : i32
          %dma_start3A_547 = arith.constant 0 : i32
          %dma_start3A_548 = arith.constant 0 : i32
          %dma_start3A_549 = tpu.memref_slice %arg5[%dma_start3A_546, %dma_start3A_547, %dma_start3A_548] : memref<4x128x128xf32, #tpu.memory_space<vmem>> -> memref<1x128x128xf32, #tpu.memory_space<vmem>>
          %dma_start3A_550 = tpu.memref_squeeze %dma_start3A_549 : memref<1x128x128xf32, #tpu.memory_space<vmem>> -> memref<128x128xf32, #tpu.memory_space<vmem>>
          %dma_start3A_551 = arith.constant 0 : i32
          %dma_start3A_552 = tpu.memref_slice %arg2[%multiple_of3A_545, %dma_start3A_551] : memref<320000x128xf32, #tpu.memory_space<hbm>> -> memref<128x128xf32, #tpu.memory_space<hbm>>
          %dma_start3A_553 = arith.constant 0 : i32
          %dma_start3A_554 = arith.constant 0 : i32
          %dma_start3A_555 = tpu.memref_slice %arg5[%dma_start3A_546, %dma_start3A_553, %dma_start3A_554] : memref<4x128x128xf32, #tpu.memory_space<vmem>> -> memref<1x128x128xf32, #tpu.memory_space<vmem>>
          %dma_start3A_556 = tpu.memref_squeeze %dma_start3A_555 : memref<1x128x128xf32, #tpu.memory_space<vmem>> -> memref<128x128xf32, #tpu.memory_space<vmem>>
          %dma_start3A_557 = arith.constant 0 : i32
          %dma_start3A_558 = tpu.memref_slice %arg2[%multiple_of3A_545, %dma_start3A_557] : memref<320000x128xf32, #tpu.memory_space<hbm>> -> memref<128x128xf32, #tpu.memory_space<hbm>>
          tpu.enqueue_dma source(%dma_start3A_558 : memref<128x128xf32, #tpu.memory_space<hbm>>) target(%dma_start3A_556 : memref<128x128xf32, #tpu.memory_space<vmem>>) target_semaphore(%arg10 : memref<!tpu.dma_semaphore, #tpu.memory_space<semaphore_mem>>)
          %dma_start3A_559 = arith.constant 1 : i32
          %dma_start3A_560 = arith.constant 0 : i32
          %dma_start3A_561 = tpu.memref_slice %arg6[%dma_start3A_559, %dma_start3A_560] : memref<4x128xi32, #tpu.memory_space<vmem>> -> memref<1x128xi32, #tpu.memory_space<vmem>>
          %dma_start3A_562 = tpu.memref_squeeze %dma_start3A_561 : memref<1x128xi32, #tpu.memory_space<vmem>> -> memref<128xi32, #tpu.memory_space<vmem>>
          %dma_start3A_563 = tpu.memref_slice %arg3[%multiple_of3A_545] : memref<320000xi32, #tpu.memory_space<hbm>> -> memref<128xi32, #tpu.memory_space<hbm>>
          %dma_start3A_564 = arith.constant 0 : i32
          %dma_start3A_565 = tpu.memref_slice %arg6[%dma_start3A_559, %dma_start3A_564] : memref<4x128xi32, #tpu.memory_space<vmem>> -> memref<1x128xi32, #tpu.memory_space<vmem>>
          %dma_start3A_566 = tpu.memref_squeeze %dma_start3A_565 : memref<1x128xi32, #tpu.memory_space<vmem>> -> memref<128xi32, #tpu.memory_space<vmem>>
          %dma_start3A_567 = tpu.memref_slice %arg3[%multiple_of3A_545] : memref<320000xi32, #tpu.memory_space<hbm>> -> memref<128xi32, #tpu.memory_space<hbm>>
          tpu.enqueue_dma source(%dma_start3A_567 : memref<128xi32, #tpu.memory_space<hbm>>) target(%dma_start3A_566 : memref<128xi32, #tpu.memory_space<vmem>>) target_semaphore(%arg10 : memref<!tpu.dma_semaphore, #tpu.memory_space<semaphore_mem>>)
        } else {
        }
      } else {
      }
      %mul3A_309 = arith.constant 4 : i32
      %mul3A_310 = arith.muli %while3A_292, %mul3A_309 : i32
      %add3A_311 = arith.constant 2 : i32
      %add3A_312 = arith.addi %mul3A_310, %add3A_311 : i32
      %lt3A_313 = arith.cmpi slt, %add3A_312, %min3A : i32
      %convert_element_type3A_314 = arith.extui %lt3A_313 : i1 to i32
      %cond3A_315 = arith.constant 0 : i32
      %cond3A_316 = arith.cmpi ne, %convert_element_type3A_314, %cond3A_315 : i32
      scf.if %cond3A_316 {
        %add3A_325 = arith.addi %mul3A_167, %mul3A_201 : i32
        %add3A_326 = arith.addi %add3A_325, %add3A_312 : i32
        %mul3A_327 = arith.constant 128 : i32
        %mul3A_328 = arith.muli %add3A_326, %mul3A_327 : i32
        %multiple_of3A_329 = tpu.assume_multiple %mul3A_328, 8 : i32
        %dma_wait3A_330 = arith.constant 2 : i32
        %dma_wait3A_331 = arith.constant 0 : i32
        %dma_wait3A_332 = arith.constant 0 : i32
        %dma_wait3A_333 = tpu.memref_slice %arg5[%dma_wait3A_330, %dma_wait3A_331, %dma_wait3A_332] : memref<4x128x128xf32, #tpu.memory_space<vmem>> -> memref<1x128x128xf32, #tpu.memory_space<vmem>>
        %dma_wait3A_334 = tpu.memref_squeeze %dma_wait3A_333 : memref<1x128x128xf32, #tpu.memory_space<vmem>> -> memref<128x128xf32, #tpu.memory_space<vmem>>
        %dma_wait3A_335 = arith.constant 0 : i32
        %dma_wait3A_336 = tpu.memref_slice %arg2[%multiple_of3A_329, %dma_wait3A_335] : memref<320000x128xf32, #tpu.memory_space<hbm>> -> memref<128x128xf32, #tpu.memory_space<hbm>>
        %dma_wait3A_337 = arith.constant 0 : i32
        %dma_wait3A_338 = arith.constant 0 : i32
        %dma_wait3A_339 = tpu.memref_slice %arg5[%dma_wait3A_330, %dma_wait3A_337, %dma_wait3A_338] : memref<4x128x128xf32, #tpu.memory_space<vmem>> -> memref<1x128x128xf32, #tpu.memory_space<vmem>>
        %dma_wait3A_340 = tpu.memref_squeeze %dma_wait3A_339 : memref<1x128x128xf32, #tpu.memory_space<vmem>> -> memref<128x128xf32, #tpu.memory_space<vmem>>
        %dma_wait3A_341 = arith.constant 0 : i32
        %dma_wait3A_342 = tpu.memref_slice %arg2[%multiple_of3A_329, %dma_wait3A_341] : memref<320000x128xf32, #tpu.memory_space<hbm>> -> memref<128x128xf32, #tpu.memory_space<hbm>>
        tpu.wait_dma2 semaphore(%arg11 : memref<!tpu.dma_semaphore, #tpu.memory_space<semaphore_mem>>) src(%dma_wait3A_342 : memref<128x128xf32, #tpu.memory_space<hbm>>) dst(%dma_wait3A_340 : memref<128x128xf32, #tpu.memory_space<vmem>>)
        %dma_wait3A_343 = arith.constant 2 : i32
        %dma_wait3A_344 = arith.constant 0 : i32
        %dma_wait3A_345 = tpu.memref_slice %arg6[%dma_wait3A_343, %dma_wait3A_344] : memref<4x128xi32, #tpu.memory_space<vmem>> -> memref<1x128xi32, #tpu.memory_space<vmem>>
        %dma_wait3A_346 = tpu.memref_squeeze %dma_wait3A_345 : memref<1x128xi32, #tpu.memory_space<vmem>> -> memref<128xi32, #tpu.memory_space<vmem>>
        %dma_wait3A_347 = tpu.memref_slice %arg3[%multiple_of3A_329] : memref<320000xi32, #tpu.memory_space<hbm>> -> memref<128xi32, #tpu.memory_space<hbm>>
        %dma_wait3A_348 = arith.constant 0 : i32
        %dma_wait3A_349 = tpu.memref_slice %arg6[%dma_wait3A_343, %dma_wait3A_348] : memref<4x128xi32, #tpu.memory_space<vmem>> -> memref<1x128xi32, #tpu.memory_space<vmem>>
        %dma_wait3A_350 = tpu.memref_squeeze %dma_wait3A_349 : memref<1x128xi32, #tpu.memory_space<vmem>> -> memref<128xi32, #tpu.memory_space<vmem>>
        %dma_wait3A_351 = tpu.memref_slice %arg3[%multiple_of3A_329] : memref<320000xi32, #tpu.memory_space<hbm>> -> memref<128xi32, #tpu.memory_space<hbm>>
        tpu.wait_dma2 semaphore(%arg11 : memref<!tpu.dma_semaphore, #tpu.memory_space<semaphore_mem>>) src(%dma_wait3A_351 : memref<128xi32, #tpu.memory_space<hbm>>) dst(%dma_wait3A_350 : memref<128xi32, #tpu.memory_space<vmem>>)
        %get3A = arith.constant 2 : i32
        %get3A_352 = arith.index_cast %get3A : i32 to index
        %get3A_353 = arith.constant 0 : index
        %get3A_354 = tpu.vector_load %arg6[%get3A_352, %get3A_353] {strides = array<i32>} : memref<4x128xi32, #tpu.memory_space<vmem>>, vector<1x16xi32>,
        %get3A_355 = vector.shape_cast %get3A_354 : vector<1x16xi32> to vector<16xi32>
        %sub3A_356 = vector.broadcast %mul3A_206 : i32 to vector<16xi32>
        %sub3A_357 = arith.subi %get3A_355, %sub3A_356 : vector<16xi32>
        %lt3A_358 = arith.constant 0 : i32
        %lt3A_359 = vector.broadcast %lt3A_358 : i32 to vector<16xi32>
        %lt3A_360 = arith.cmpi slt, %sub3A_357, %lt3A_359 : vector<16xi32>
        %ge3A = arith.constant 5000 : i32
        %ge3A_361 = vector.broadcast %ge3A : i32 to vector<16xi32>
        %ge3A_362 = arith.cmpi sge, %sub3A_357, %ge3A_361 : vector<16xi32>
        %or3A = arith.ori %lt3A_360, %ge3A_362 : vector<16xi1>
        %jit3A_363 = arith.constant 5000 : i32
        %broadcast_in_dim3A_364 = vector.broadcast %jit3A_363 : i32 to vector<16xi32>
        %select_n3A_365 = arith.select %or3A, %broadcast_in_dim3A_364, %sub3A_357 : vector<16xi1>, vector<16xi32>
        %swap3A = arith.constant 2 : i32
        %swap3A_366 = arith.index_cast %swap3A : i32 to index
        %swap3A_367 = arith.constant 0 : index
        %swap3A_368 = tpu.vector_load %arg6[%swap3A_366, %swap3A_367] {strides = array<i32>} : memref<4x128xi32, #tpu.memory_space<vmem>>, vector<1x16xi32>,
        %swap3A_369 = vector.shape_cast %swap3A_368 : vector<1x16xi32> to vector<16xi32>
        %swap3A_370 = vector.shape_cast %select_n3A_365 : vector<16xi32> to vector<1x16xi32>
        tpu.vector_store %arg6[%swap3A_366, %swap3A_367], %swap3A_370 {strides = array<i32>} : memref<4x128xi32, #tpu.memory_space<vmem>>, vector<1x16xi32>,
        %get3A_371 = arith.constant 2 : i32
        %get3A_372 = arith.index_cast %get3A_371 : i32 to index
        %get3A_373 = arith.constant 16 : index
        %get3A_374 = tpu.vector_load %arg6[%get3A_372, %get3A_373] {strides = array<i32>} : memref<4x128xi32, #tpu.memory_space<vmem>>, vector<1x16xi32>,
        %get3A_375 = vector.shape_cast %get3A_374 : vector<1x16xi32> to vector<16xi32>
        %sub3A_376 = vector.broadcast %mul3A_206 : i32 to vector<16xi32>
        %sub3A_377 = arith.subi %get3A_375, %sub3A_376 : vector<16xi32>
        %lt3A_378 = arith.constant 0 : i32
        %lt3A_379 = vector.broadcast %lt3A_378 : i32 to vector<16xi32>
        %lt3A_380 = arith.cmpi slt, %sub3A_377, %lt3A_379 : vector<16xi32>
        %ge3A_381 = arith.constant 5000 : i32
        %ge3A_382 = vector.broadcast %ge3A_381 : i32 to vector<16xi32>
        %ge3A_383 = arith.cmpi sge, %sub3A_377, %ge3A_382 : vector<16xi32>
        %or3A_384 = arith.ori %lt3A_380, %ge3A_383 : vector<16xi1>
        %jit3A_385 = arith.constant 5000 : i32
        %broadcast_in_dim3A_386 = vector.broadcast %jit3A_385 : i32 to vector<16xi32>
        %select_n3A_387 = arith.select %or3A_384, %broadcast_in_dim3A_386, %sub3A_377 : vector<16xi1>, vector<16xi32>
        %swap3A_388 = arith.constant 2 : i32
        %swap3A_389 = arith.index_cast %swap3A_388 : i32 to index
        %swap3A_390 = arith.constant 16 : index
        %swap3A_391 = tpu.vector_load %arg6[%swap3A_389, %swap3A_390] {strides = array<i32>} : memref<4x128xi32, #tpu.memory_space<vmem>>, vector<1x16xi32>,
        %swap3A_392 = vector.shape_cast %swap3A_391 : vector<1x16xi32> to vector<16xi32>
        %swap3A_393 = vector.shape_cast %select_n3A_387 : vector<16xi32> to vector<1x16xi32>
        tpu.vector_store %arg6[%swap3A_389, %swap3A_390], %swap3A_393 {strides = array<i32>} : memref<4x128xi32, #tpu.memory_space<vmem>>, vector<1x16xi32>,
        %get3A_394 = arith.constant 2 : i32
        %get3A_395 = arith.index_cast %get3A_394 : i32 to index
        %get3A_396 = arith.constant 32 : index
        %get3A_397 = tpu.vector_load %arg6[%get3A_395, %get3A_396] {strides = array<i32>} : memref<4x128xi32, #tpu.memory_space<vmem>>, vector<1x16xi32>,
        %get3A_398 = vector.shape_cast %get3A_397 : vector<1x16xi32> to vector<16xi32>
        %sub3A_399 = vector.broadcast %mul3A_206 : i32 to vector<16xi32>
        %sub3A_400 = arith.subi %get3A_398, %sub3A_399 : vector<16xi32>
        %lt3A_401 = arith.constant 0 : i32
        %lt3A_402 = vector.broadcast %lt3A_401 : i32 to vector<16xi32>
        %lt3A_403 = arith.cmpi slt, %sub3A_400, %lt3A_402 : vector<16xi32>
        %ge3A_404 = arith.constant 5000 : i32
        %ge3A_405 = vector.broadcast %ge3A_404 : i32 to vector<16xi32>
        %ge3A_406 = arith.cmpi sge, %sub3A_400, %ge3A_405 : vector<16xi32>
        %or3A_407 = arith.ori %lt3A_403, %ge3A_406 : vector<16xi1>
        %jit3A_408 = arith.constant 5000 : i32
        %broadcast_in_dim3A_409 = vector.broadcast %jit3A_408 : i32 to vector<16xi32>
        %select_n3A_410 = arith.select %or3A_407, %broadcast_in_dim3A_409, %sub3A_400 : vector<16xi1>, vector<16xi32>
        %swap3A_411 = arith.constant 2 : i32
        %swap3A_412 = arith.index_cast %swap3A_411 : i32 to index
        %swap3A_413 = arith.constant 32 : index
        %swap3A_414 = tpu.vector_load %arg6[%swap3A_412, %swap3A_413] {strides = array<i32>} : memref<4x128xi32, #tpu.memory_space<vmem>>, vector<1x16xi32>,
        %swap3A_415 = vector.shape_cast %swap3A_414 : vector<1x16xi32> to vector<16xi32>
        %swap3A_416 = vector.shape_cast %select_n3A_410 : vector<16xi32> to vector<1x16xi32>
        tpu.vector_store %arg6[%swap3A_412, %swap3A_413], %swap3A_416 {strides = array<i32>} : memref<4x128xi32, #tpu.memory_space<vmem>>, vector<1x16xi32>,
        %get3A_417 = arith.constant 2 : i32
        %get3A_418 = arith.index_cast %get3A_417 : i32 to index
        %get3A_419 = arith.constant 48 : index
        %get3A_420 = tpu.vector_load %arg6[%get3A_418, %get3A_419] {strides = array<i32>} : memref<4x128xi32, #tpu.memory_space<vmem>>, vector<1x16xi32>,
        %get3A_421 = vector.shape_cast %get3A_420 : vector<1x16xi32> to vector<16xi32>
        %sub3A_422 = vector.broadcast %mul3A_206 : i32 to vector<16xi32>
        %sub3A_423 = arith.subi %get3A_421, %sub3A_422 : vector<16xi32>
        %lt3A_424 = arith.constant 0 : i32
        %lt3A_425 = vector.broadcast %lt3A_424 : i32 to vector<16xi32>
        %lt3A_426 = arith.cmpi slt, %sub3A_423, %lt3A_425 : vector<16xi32>
        %ge3A_427 = arith.constant 5000 : i32
        %ge3A_428 = vector.broadcast %ge3A_427 : i32 to vector<16xi32>
        %ge3A_429 = arith.cmpi sge, %sub3A_423, %ge3A_428 : vector<16xi32>
        %or3A_430 = arith.ori %lt3A_426, %ge3A_429 : vector<16xi1>
        %jit3A_431 = arith.constant 5000 : i32
        %broadcast_in_dim3A_432 = vector.broadcast %jit3A_431 : i32 to vector<16xi32>
        %select_n3A_433 = arith.select %or3A_430, %broadcast_in_dim3A_432, %sub3A_423 : vector<16xi1>, vector<16xi32>
        %swap3A_434 = arith.constant 2 : i32
        %swap3A_435 = arith.index_cast %swap3A_434 : i32 to index
        %swap3A_436 = arith.constant 48 : index
        %swap3A_437 = tpu.vector_load %arg6[%swap3A_435, %swap3A_436] {strides = array<i32>} : memref<4x128xi32, #tpu.memory_space<vmem>>, vector<1x16xi32>,
        %swap3A_438 = vector.shape_cast %swap3A_437 : vector<1x16xi32> to vector<16xi32>
        %swap3A_439 = vector.shape_cast %select_n3A_433 : vector<16xi32> to vector<1x16xi32>
        tpu.vector_store %arg6[%swap3A_435, %swap3A_436], %swap3A_439 {strides = array<i32>} : memref<4x128xi32, #tpu.memory_space<vmem>>, vector<1x16xi32>,
        %get3A_440 = arith.constant 2 : i32
        %get3A_441 = arith.index_cast %get3A_440 : i32 to index
        %get3A_442 = arith.constant 64 : index
        %get3A_443 = tpu.vector_load %arg6[%get3A_441, %get3A_442] {strides = array<i32>} : memref<4x128xi32, #tpu.memory_space<vmem>>, vector<1x16xi32>,
        %get3A_444 = vector.shape_cast %get3A_443 : vector<1x16xi32> to vector<16xi32>
        %sub3A_445 = vector.broadcast %mul3A_206 : i32 to vector<16xi32>
        %sub3A_446 = arith.subi %get3A_444, %sub3A_445 : vector<16xi32>
        %lt3A_447 = arith.constant 0 : i32
        %lt3A_448 = vector.broadcast %lt3A_447 : i32 to vector<16xi32>
        %lt3A_449 = arith.cmpi slt, %sub3A_446, %lt3A_448 : vector<16xi32>
        %ge3A_450 = arith.constant 5000 : i32
        %ge3A_451 = vector.broadcast %ge3A_450 : i32 to vector<16xi32>
        %ge3A_452 = arith.cmpi sge, %sub3A_446, %ge3A_451 : vector<16xi32>
        %or3A_453 = arith.ori %lt3A_449, %ge3A_452 : vector<16xi1>
        %jit3A_454 = arith.constant 5000 : i32
        %broadcast_in_dim3A_455 = vector.broadcast %jit3A_454 : i32 to vector<16xi32>
        %select_n3A_456 = arith.select %or3A_453, %broadcast_in_dim3A_455, %sub3A_446 : vector<16xi1>, vector<16xi32>
        %swap3A_457 = arith.constant 2 : i32
        %swap3A_458 = arith.index_cast %swap3A_457 : i32 to index
        %swap3A_459 = arith.constant 64 : index
        %swap3A_460 = tpu.vector_load %arg6[%swap3A_458, %swap3A_459] {strides = array<i32>} : memref<4x128xi32, #tpu.memory_space<vmem>>, vector<1x16xi32>,
        %swap3A_461 = vector.shape_cast %swap3A_460 : vector<1x16xi32> to vector<16xi32>
        %swap3A_462 = vector.shape_cast %select_n3A_456 : vector<16xi32> to vector<1x16xi32>
        tpu.vector_store %arg6[%swap3A_458, %swap3A_459], %swap3A_462 {strides = array<i32>} : memref<4x128xi32, #tpu.memory_space<vmem>>, vector<1x16xi32>,
        %get3A_463 = arith.constant 2 : i32
        %get3A_464 = arith.index_cast %get3A_463 : i32 to index
        %get3A_465 = arith.constant 80 : index
        %get3A_466 = tpu.vector_load %arg6[%get3A_464, %get3A_465] {strides = array<i32>} : memref<4x128xi32, #tpu.memory_space<vmem>>, vector<1x16xi32>,
        %get3A_467 = vector.shape_cast %get3A_466 : vector<1x16xi32> to vector<16xi32>
        %sub3A_468 = vector.broadcast %mul3A_206 : i32 to vector<16xi32>
        %sub3A_469 = arith.subi %get3A_467, %sub3A_468 : vector<16xi32>
        %lt3A_470 = arith.constant 0 : i32
        %lt3A_471 = vector.broadcast %lt3A_470 : i32 to vector<16xi32>
        %lt3A_472 = arith.cmpi slt, %sub3A_469, %lt3A_471 : vector<16xi32>
        %ge3A_473 = arith.constant 5000 : i32
        %ge3A_474 = vector.broadcast %ge3A_473 : i32 to vector<16xi32>
        %ge3A_475 = arith.cmpi sge, %sub3A_469, %ge3A_474 : vector<16xi32>
        %or3A_476 = arith.ori %lt3A_472, %ge3A_475 : vector<16xi1>
        %jit3A_477 = arith.constant 5000 : i32
        %broadcast_in_dim3A_478 = vector.broadcast %jit3A_477 : i32 to vector<16xi32>
        %select_n3A_479 = arith.select %or3A_476, %broadcast_in_dim3A_478, %sub3A_469 : vector<16xi1>, vector<16xi32>
        %swap3A_480 = arith.constant 2 : i32
        %swap3A_481 = arith.index_cast %swap3A_480 : i32 to index
        %swap3A_482 = arith.constant 80 : index
        %swap3A_483 = tpu.vector_load %arg6[%swap3A_481, %swap3A_482] {strides = array<i32>} : memref<4x128xi32, #tpu.memory_space<vmem>>, vector<1x16xi32>,
        %swap3A_484 = vector.shape_cast %swap3A_483 : vector<1x16xi32> to vector<16xi32>
        %swap3A_485 = vector.shape_cast %select_n3A_479 : vector<16xi32> to vector<1x16xi32>
        tpu.vector_store %arg6[%swap3A_481, %swap3A_482], %swap3A_485 {strides = array<i32>} : memref<4x128xi32, #tpu.memory_space<vmem>>, vector<1x16xi32>,
        %get3A_486 = arith.constant 2 : i32
        %get3A_487 = arith.index_cast %get3A_486 : i32 to index
        %get3A_488 = arith.constant 96 : index
        %get3A_489 = tpu.vector_load %arg6[%get3A_487, %get3A_488] {strides = array<i32>} : memref<4x128xi32, #tpu.memory_space<vmem>>, vector<1x16xi32>,
        %get3A_490 = vector.shape_cast %get3A_489 : vector<1x16xi32> to vector<16xi32>
        %sub3A_491 = vector.broadcast %mul3A_206 : i32 to vector<16xi32>
        %sub3A_492 = arith.subi %get3A_490, %sub3A_491 : vector<16xi32>
        %lt3A_493 = arith.constant 0 : i32
        %lt3A_494 = vector.broadcast %lt3A_493 : i32 to vector<16xi32>
        %lt3A_495 = arith.cmpi slt, %sub3A_492, %lt3A_494 : vector<16xi32>
        %ge3A_496 = arith.constant 5000 : i32
        %ge3A_497 = vector.broadcast %ge3A_496 : i32 to vector<16xi32>
        %ge3A_498 = arith.cmpi sge, %sub3A_492, %ge3A_497 : vector<16xi32>
        %or3A_499 = arith.ori %lt3A_495, %ge3A_498 : vector<16xi1>
        %jit3A_500 = arith.constant 5000 : i32
        %broadcast_in_dim3A_501 = vector.broadcast %jit3A_500 : i32 to vector<16xi32>
        %select_n3A_502 = arith.select %or3A_499, %broadcast_in_dim3A_501, %sub3A_492 : vector<16xi1>, vector<16xi32>
        %swap3A_503 = arith.constant 2 : i32
        %swap3A_504 = arith.index_cast %swap3A_503 : i32 to index
        %swap3A_505 = arith.constant 96 : index
        %swap3A_506 = tpu.vector_load %arg6[%swap3A_504, %swap3A_505] {strides = array<i32>} : memref<4x128xi32, #tpu.memory_space<vmem>>, vector<1x16xi32>,
        %swap3A_507 = vector.shape_cast %swap3A_506 : vector<1x16xi32> to vector<16xi32>
        %swap3A_508 = vector.shape_cast %select_n3A_502 : vector<16xi32> to vector<1x16xi32>
        tpu.vector_store %arg6[%swap3A_504, %swap3A_505], %swap3A_508 {strides = array<i32>} : memref<4x128xi32, #tpu.memory_space<vmem>>, vector<1x16xi32>,
        %get3A_509 = arith.constant 2 : i32
        %get3A_510 = arith.index_cast %get3A_509 : i32 to index
        %get3A_511 = arith.constant 112 : index
        %get3A_512 = tpu.vector_load %arg6[%get3A_510, %get3A_511] {strides = array<i32>} : memref<4x128xi32, #tpu.memory_space<vmem>>, vector<1x16xi32>,
        %get3A_513 = vector.shape_cast %get3A_512 : vector<1x16xi32> to vector<16xi32>
        %sub3A_514 = vector.broadcast %mul3A_206 : i32 to vector<16xi32>
        %sub3A_515 = arith.subi %get3A_513, %sub3A_514 : vector<16xi32>
        %lt3A_516 = arith.constant 0 : i32
        %lt3A_517 = vector.broadcast %lt3A_516 : i32 to vector<16xi32>
        %lt3A_518 = arith.cmpi slt, %sub3A_515, %lt3A_517 : vector<16xi32>
        %ge3A_519 = arith.constant 5000 : i32
        %ge3A_520 = vector.broadcast %ge3A_519 : i32 to vector<16xi32>
        %ge3A_521 = arith.cmpi sge, %sub3A_515, %ge3A_520 : vector<16xi32>
        %or3A_522 = arith.ori %lt3A_518, %ge3A_521 : vector<16xi1>
        %jit3A_523 = arith.constant 5000 : i32
        %broadcast_in_dim3A_524 = vector.broadcast %jit3A_523 : i32 to vector<16xi32>
        %select_n3A_525 = arith.select %or3A_522, %broadcast_in_dim3A_524, %sub3A_515 : vector<16xi1>, vector<16xi32>
        %swap3A_526 = arith.constant 2 : i32
        %swap3A_527 = arith.index_cast %swap3A_526 : i32 to index
        %swap3A_528 = arith.constant 112 : index
        %swap3A_529 = tpu.vector_load %arg6[%swap3A_527, %swap3A_528] {strides = array<i32>} : memref<4x128xi32, #tpu.memory_space<vmem>>, vector<1x16xi32>,
        %swap3A_530 = vector.shape_cast %swap3A_529 : vector<1x16xi32> to vector<16xi32>
        %swap3A_531 = vector.shape_cast %select_n3A_525 : vector<16xi32> to vector<1x16xi32>
        tpu.vector_store %arg6[%swap3A_527, %swap3A_528], %swap3A_531 {strides = array<i32>} : memref<4x128xi32, #tpu.memory_space<vmem>>, vector<1x16xi32>,
        %run_scoped3A = arith.constant 2 : i32
        %run_scoped3A_532 = arith.constant 2 : i32
        "tpu.region"() ({
          %run_scoped3A_539 = tpu.sem_alloc : memref<!tpu.dma_semaphore, #tpu.memory_space<semaphore_mem>>
          %dma_start3A_540 = arith.constant 0 : i32
          %dma_start3A_541 = arith.constant 0 : i32
          %dma_start3A_542 = tpu.memref_slice %arg5[%run_scoped3A, %dma_start3A_540, %dma_start3A_541] : memref<4x128x128xf32, #tpu.memory_space<vmem>> -> memref<1x128x128xf32, #tpu.memory_space<vmem>>
          %dma_start3A_543 = tpu.memref_squeeze %dma_start3A_542 : memref<1x128x128xf32, #tpu.memory_space<vmem>> -> memref<128x128xf32, #tpu.memory_space<vmem>>
          %dma_start3A_544 = arith.constant 0 : i32
          %dma_start3A_545 = tpu.memref_slice %arg6[%run_scoped3A_532, %dma_start3A_544] : memref<4x128xi32, #tpu.memory_space<vmem>> -> memref<1x128xi32, #tpu.memory_space<vmem>>
          %dma_start3A_546 = tpu.memref_squeeze %dma_start3A_545 : memref<1x128xi32, #tpu.memory_space<vmem>> -> memref<128xi32, #tpu.memory_space<vmem>>
          %dma_start3A_547 = arith.constant 0 : i32
          %dma_start3A_548 = arith.constant 0 : i32
          %dma_start3A_549 = tpu.memref_slice %arg8[%dma_start3A_547, %dma_start3A_548] : memref<5008x128xf32, #tpu.memory_space<vmem_shared>> -> memref<5008x128xf32, #tpu.memory_space<vmem_shared>>
          tpu.enqueue_indirect_dma source(%dma_start3A_543 : memref<128x128xf32, #tpu.memory_space<vmem>>) target(%dma_start3A_549 : memref<5008x128xf32, #tpu.memory_space<vmem_shared>>) offsets(%dma_start3A_546 : memref<128xi32, #tpu.memory_space<vmem>>) semaphore(%run_scoped3A_539 : memref<!tpu.dma_semaphore, #tpu.memory_space<semaphore_mem>>) {add = true}
          %dma_wait3A_550 = arith.constant 0 : i32
          %dma_wait3A_551 = arith.constant 0 : i32
          %dma_wait3A_552 = tpu.memref_slice %arg5[%run_scoped3A, %dma_wait3A_550, %dma_wait3A_551] : memref<4x128x128xf32, #tpu.memory_space<vmem>> -> memref<1x128x128xf32, #tpu.memory_space<vmem>>
          %dma_wait3A_553 = tpu.memref_squeeze %dma_wait3A_552 : memref<1x128x128xf32, #tpu.memory_space<vmem>> -> memref<128x128xf32, #tpu.memory_space<vmem>>
          %dma_wait3A_554 = arith.constant 0 : i32
          %dma_wait3A_555 = tpu.memref_slice %arg6[%run_scoped3A_532, %dma_wait3A_554] : memref<4x128xi32, #tpu.memory_space<vmem>> -> memref<1x128xi32, #tpu.memory_space<vmem>>
          %dma_wait3A_556 = tpu.memref_squeeze %dma_wait3A_555 : memref<1x128xi32, #tpu.memory_space<vmem>> -> memref<128xi32, #tpu.memory_space<vmem>>
          %dma_wait3A_557 = arith.constant 0 : i32
          %dma_wait3A_558 = arith.constant 0 : i32
          %dma_wait3A_559 = tpu.memref_slice %arg8[%dma_wait3A_557, %dma_wait3A_558] : memref<5008x128xf32, #tpu.memory_space<vmem_shared>> -> memref<5008x128xf32, #tpu.memory_space<vmem_shared>>
          tpu.wait_indirect_dma semaphore(%run_scoped3A_539 : memref<!tpu.dma_semaphore, #tpu.memory_space<semaphore_mem>>) src(%dma_wait3A_553 : memref<128x128xf32, #tpu.memory_space<vmem>>) dst(%dma_wait3A_559 : memref<5008x128xf32, #tpu.memory_space<vmem_shared>>)
          tpu.yield
        }) : () -> ()
        %add3A_533 = arith.constant 4 : i32
        %add3A_534 = arith.addi %add3A_312, %add3A_533 : i32
        %lt3A_535 = arith.cmpi slt, %add3A_534, %min3A : i32
        %convert_element_type3A_536 = arith.extui %lt3A_535 : i1 to i32
        %cond3A_537 = arith.constant 0 : i32
        %cond3A_538 = arith.cmpi ne, %convert_element_type3A_536, %cond3A_537 : i32
        scf.if %cond3A_538 {
          %add3A_539 = arith.constant 4 : i32
          %add3A_540 = arith.addi %add3A_312, %add3A_539 : i32
          %add3A_541 = arith.addi %mul3A_167, %mul3A_201 : i32
          %add3A_542 = arith.addi %add3A_541, %add3A_540 : i32
          %mul3A_543 = arith.constant 128 : i32
          %mul3A_544 = arith.muli %add3A_542, %mul3A_543 : i32
          %multiple_of3A_545 = tpu.assume_multiple %mul3A_544, 8 : i32
          %dma_start3A_546 = arith.constant 2 : i32
          %dma_start3A_547 = arith.constant 0 : i32
          %dma_start3A_548 = arith.constant 0 : i32
          %dma_start3A_549 = tpu.memref_slice %arg5[%dma_start3A_546, %dma_start3A_547, %dma_start3A_548] : memref<4x128x128xf32, #tpu.memory_space<vmem>> -> memref<1x128x128xf32, #tpu.memory_space<vmem>>
          %dma_start3A_550 = tpu.memref_squeeze %dma_start3A_549 : memref<1x128x128xf32, #tpu.memory_space<vmem>> -> memref<128x128xf32, #tpu.memory_space<vmem>>
          %dma_start3A_551 = arith.constant 0 : i32
          %dma_start3A_552 = tpu.memref_slice %arg2[%multiple_of3A_545, %dma_start3A_551] : memref<320000x128xf32, #tpu.memory_space<hbm>> -> memref<128x128xf32, #tpu.memory_space<hbm>>
          %dma_start3A_553 = arith.constant 0 : i32
          %dma_start3A_554 = arith.constant 0 : i32
          %dma_start3A_555 = tpu.memref_slice %arg5[%dma_start3A_546, %dma_start3A_553, %dma_start3A_554] : memref<4x128x128xf32, #tpu.memory_space<vmem>> -> memref<1x128x128xf32, #tpu.memory_space<vmem>>
          %dma_start3A_556 = tpu.memref_squeeze %dma_start3A_555 : memref<1x128x128xf32, #tpu.memory_space<vmem>> -> memref<128x128xf32, #tpu.memory_space<vmem>>
          %dma_start3A_557 = arith.constant 0 : i32
          %dma_start3A_558 = tpu.memref_slice %arg2[%multiple_of3A_545, %dma_start3A_557] : memref<320000x128xf32, #tpu.memory_space<hbm>> -> memref<128x128xf32, #tpu.memory_space<hbm>>
          tpu.enqueue_dma source(%dma_start3A_558 : memref<128x128xf32, #tpu.memory_space<hbm>>) target(%dma_start3A_556 : memref<128x128xf32, #tpu.memory_space<vmem>>) target_semaphore(%arg11 : memref<!tpu.dma_semaphore, #tpu.memory_space<semaphore_mem>>)
          %dma_start3A_559 = arith.constant 2 : i32
          %dma_start3A_560 = arith.constant 0 : i32
          %dma_start3A_561 = tpu.memref_slice %arg6[%dma_start3A_559, %dma_start3A_560] : memref<4x128xi32, #tpu.memory_space<vmem>> -> memref<1x128xi32, #tpu.memory_space<vmem>>
          %dma_start3A_562 = tpu.memref_squeeze %dma_start3A_561 : memref<1x128xi32, #tpu.memory_space<vmem>> -> memref<128xi32, #tpu.memory_space<vmem>>
          %dma_start3A_563 = tpu.memref_slice %arg3[%multiple_of3A_545] : memref<320000xi32, #tpu.memory_space<hbm>> -> memref<128xi32, #tpu.memory_space<hbm>>
          %dma_start3A_564 = arith.constant 0 : i32
          %dma_start3A_565 = tpu.memref_slice %arg6[%dma_start3A_559, %dma_start3A_564] : memref<4x128xi32, #tpu.memory_space<vmem>> -> memref<1x128xi32, #tpu.memory_space<vmem>>
          %dma_start3A_566 = tpu.memref_squeeze %dma_start3A_565 : memref<1x128xi32, #tpu.memory_space<vmem>> -> memref<128xi32, #tpu.memory_space<vmem>>
          %dma_start3A_567 = tpu.memref_slice %arg3[%multiple_of3A_545] : memref<320000xi32, #tpu.memory_space<hbm>> -> memref<128xi32, #tpu.memory_space<hbm>>
          tpu.enqueue_dma source(%dma_start3A_567 : memref<128xi32, #tpu.memory_space<hbm>>) target(%dma_start3A_566 : memref<128xi32, #tpu.memory_space<vmem>>) target_semaphore(%arg11 : memref<!tpu.dma_semaphore, #tpu.memory_space<semaphore_mem>>)
        } else {
        }
      } else {
      }
      %mul3A_317 = arith.constant 4 : i32
      %mul3A_318 = arith.muli %while3A_292, %mul3A_317 : i32
      %add3A_319 = arith.constant 3 : i32
      %add3A_320 = arith.addi %mul3A_318, %add3A_319 : i32
      %lt3A_321 = arith.cmpi slt, %add3A_320, %min3A : i32
      %convert_element_type3A_322 = arith.extui %lt3A_321 : i1 to i32
      %cond3A_323 = arith.constant 0 : i32
      %cond3A_324 = arith.cmpi ne, %convert_element_type3A_322, %cond3A_323 : i32
      scf.if %cond3A_324 {
        %add3A_325 = arith.addi %mul3A_167, %mul3A_201 : i32
        %add3A_326 = arith.addi %add3A_325, %add3A_320 : i32
        %mul3A_327 = arith.constant 128 : i32
        %mul3A_328 = arith.muli %add3A_326, %mul3A_327 : i32
        %multiple_of3A_329 = tpu.assume_multiple %mul3A_328, 8 : i32
        %dma_wait3A_330 = arith.constant 3 : i32
        %dma_wait3A_331 = arith.constant 0 : i32
        %dma_wait3A_332 = arith.constant 0 : i32
        %dma_wait3A_333 = tpu.memref_slice %arg5[%dma_wait3A_330, %dma_wait3A_331, %dma_wait3A_332] : memref<4x128x128xf32, #tpu.memory_space<vmem>> -> memref<1x128x128xf32, #tpu.memory_space<vmem>>
        %dma_wait3A_334 = tpu.memref_squeeze %dma_wait3A_333 : memref<1x128x128xf32, #tpu.memory_space<vmem>> -> memref<128x128xf32, #tpu.memory_space<vmem>>
        %dma_wait3A_335 = arith.constant 0 : i32
        %dma_wait3A_336 = tpu.memref_slice %arg2[%multiple_of3A_329, %dma_wait3A_335] : memref<320000x128xf32, #tpu.memory_space<hbm>> -> memref<128x128xf32, #tpu.memory_space<hbm>>
        %dma_wait3A_337 = arith.constant 0 : i32
        %dma_wait3A_338 = arith.constant 0 : i32
        %dma_wait3A_339 = tpu.memref_slice %arg5[%dma_wait3A_330, %dma_wait3A_337, %dma_wait3A_338] : memref<4x128x128xf32, #tpu.memory_space<vmem>> -> memref<1x128x128xf32, #tpu.memory_space<vmem>>
        %dma_wait3A_340 = tpu.memref_squeeze %dma_wait3A_339 : memref<1x128x128xf32, #tpu.memory_space<vmem>> -> memref<128x128xf32, #tpu.memory_space<vmem>>
        %dma_wait3A_341 = arith.constant 0 : i32
        %dma_wait3A_342 = tpu.memref_slice %arg2[%multiple_of3A_329, %dma_wait3A_341] : memref<320000x128xf32, #tpu.memory_space<hbm>> -> memref<128x128xf32, #tpu.memory_space<hbm>>
        tpu.wait_dma2 semaphore(%arg12 : memref<!tpu.dma_semaphore, #tpu.memory_space<semaphore_mem>>) src(%dma_wait3A_342 : memref<128x128xf32, #tpu.memory_space<hbm>>) dst(%dma_wait3A_340 : memref<128x128xf32, #tpu.memory_space<vmem>>)
        %dma_wait3A_343 = arith.constant 3 : i32
        %dma_wait3A_344 = arith.constant 0 : i32
        %dma_wait3A_345 = tpu.memref_slice %arg6[%dma_wait3A_343, %dma_wait3A_344] : memref<4x128xi32, #tpu.memory_space<vmem>> -> memref<1x128xi32, #tpu.memory_space<vmem>>
        %dma_wait3A_346 = tpu.memref_squeeze %dma_wait3A_345 : memref<1x128xi32, #tpu.memory_space<vmem>> -> memref<128xi32, #tpu.memory_space<vmem>>
        %dma_wait3A_347 = tpu.memref_slice %arg3[%multiple_of3A_329] : memref<320000xi32, #tpu.memory_space<hbm>> -> memref<128xi32, #tpu.memory_space<hbm>>
        %dma_wait3A_348 = arith.constant 0 : i32
        %dma_wait3A_349 = tpu.memref_slice %arg6[%dma_wait3A_343, %dma_wait3A_348] : memref<4x128xi32, #tpu.memory_space<vmem>> -> memref<1x128xi32, #tpu.memory_space<vmem>>
        %dma_wait3A_350 = tpu.memref_squeeze %dma_wait3A_349 : memref<1x128xi32, #tpu.memory_space<vmem>> -> memref<128xi32, #tpu.memory_space<vmem>>
        %dma_wait3A_351 = tpu.memref_slice %arg3[%multiple_of3A_329] : memref<320000xi32, #tpu.memory_space<hbm>> -> memref<128xi32, #tpu.memory_space<hbm>>
        tpu.wait_dma2 semaphore(%arg12 : memref<!tpu.dma_semaphore, #tpu.memory_space<semaphore_mem>>) src(%dma_wait3A_351 : memref<128xi32, #tpu.memory_space<hbm>>) dst(%dma_wait3A_350 : memref<128xi32, #tpu.memory_space<vmem>>)
        %get3A = arith.constant 3 : i32
        %get3A_352 = arith.index_cast %get3A : i32 to index
        %get3A_353 = arith.constant 0 : index
        %get3A_354 = tpu.vector_load %arg6[%get3A_352, %get3A_353] {strides = array<i32>} : memref<4x128xi32, #tpu.memory_space<vmem>>, vector<1x16xi32>,
        %get3A_355 = vector.shape_cast %get3A_354 : vector<1x16xi32> to vector<16xi32>
        %sub3A_356 = vector.broadcast %mul3A_206 : i32 to vector<16xi32>
        %sub3A_357 = arith.subi %get3A_355, %sub3A_356 : vector<16xi32>
        %lt3A_358 = arith.constant 0 : i32
        %lt3A_359 = vector.broadcast %lt3A_358 : i32 to vector<16xi32>
        %lt3A_360 = arith.cmpi slt, %sub3A_357, %lt3A_359 : vector<16xi32>
        %ge3A = arith.constant 5000 : i32
        %ge3A_361 = vector.broadcast %ge3A : i32 to vector<16xi32>
        %ge3A_362 = arith.cmpi sge, %sub3A_357, %ge3A_361 : vector<16xi32>
        %or3A = arith.ori %lt3A_360, %ge3A_362 : vector<16xi1>
        %jit3A_363 = arith.constant 5000 : i32
        %broadcast_in_dim3A_364 = vector.broadcast %jit3A_363 : i32 to vector<16xi32>
        %select_n3A_365 = arith.select %or3A, %broadcast_in_dim3A_364, %sub3A_357 : vector<16xi1>, vector<16xi32>
        %swap3A = arith.constant 3 : i32
        %swap3A_366 = arith.index_cast %swap3A : i32 to index
        %swap3A_367 = arith.constant 0 : index
        %swap3A_368 = tpu.vector_load %arg6[%swap3A_366, %swap3A_367] {strides = array<i32>} : memref<4x128xi32, #tpu.memory_space<vmem>>, vector<1x16xi32>,
        %swap3A_369 = vector.shape_cast %swap3A_368 : vector<1x16xi32> to vector<16xi32>
        %swap3A_370 = vector.shape_cast %select_n3A_365 : vector<16xi32> to vector<1x16xi32>
        tpu.vector_store %arg6[%swap3A_366, %swap3A_367], %swap3A_370 {strides = array<i32>} : memref<4x128xi32, #tpu.memory_space<vmem>>, vector<1x16xi32>,
        %get3A_371 = arith.constant 3 : i32
        %get3A_372 = arith.index_cast %get3A_371 : i32 to index
        %get3A_373 = arith.constant 16 : index
        %get3A_374 = tpu.vector_load %arg6[%get3A_372, %get3A_373] {strides = array<i32>} : memref<4x128xi32, #tpu.memory_space<vmem>>, vector<1x16xi32>,
        %get3A_375 = vector.shape_cast %get3A_374 : vector<1x16xi32> to vector<16xi32>
        %sub3A_376 = vector.broadcast %mul3A_206 : i32 to vector<16xi32>
        %sub3A_377 = arith.subi %get3A_375, %sub3A_376 : vector<16xi32>
        %lt3A_378 = arith.constant 0 : i32
        %lt3A_379 = vector.broadcast %lt3A_378 : i32 to vector<16xi32>
        %lt3A_380 = arith.cmpi slt, %sub3A_377, %lt3A_379 : vector<16xi32>
        %ge3A_381 = arith.constant 5000 : i32
        %ge3A_382 = vector.broadcast %ge3A_381 : i32 to vector<16xi32>
        %ge3A_383 = arith.cmpi sge, %sub3A_377, %ge3A_382 : vector<16xi32>
        %or3A_384 = arith.ori %lt3A_380, %ge3A_383 : vector<16xi1>
        %jit3A_385 = arith.constant 5000 : i32
        %broadcast_in_dim3A_386 = vector.broadcast %jit3A_385 : i32 to vector<16xi32>
        %select_n3A_387 = arith.select %or3A_384, %broadcast_in_dim3A_386, %sub3A_377 : vector<16xi1>, vector<16xi32>
        %swap3A_388 = arith.constant 3 : i32
        %swap3A_389 = arith.index_cast %swap3A_388 : i32 to index
        %swap3A_390 = arith.constant 16 : index
        %swap3A_391 = tpu.vector_load %arg6[%swap3A_389, %swap3A_390] {strides = array<i32>} : memref<4x128xi32, #tpu.memory_space<vmem>>, vector<1x16xi32>,
        %swap3A_392 = vector.shape_cast %swap3A_391 : vector<1x16xi32> to vector<16xi32>
        %swap3A_393 = vector.shape_cast %select_n3A_387 : vector<16xi32> to vector<1x16xi32>
        tpu.vector_store %arg6[%swap3A_389, %swap3A_390], %swap3A_393 {strides = array<i32>} : memref<4x128xi32, #tpu.memory_space<vmem>>, vector<1x16xi32>,
        %get3A_394 = arith.constant 3 : i32
        %get3A_395 = arith.index_cast %get3A_394 : i32 to index
        %get3A_396 = arith.constant 32 : index
        %get3A_397 = tpu.vector_load %arg6[%get3A_395, %get3A_396] {strides = array<i32>} : memref<4x128xi32, #tpu.memory_space<vmem>>, vector<1x16xi32>,
        %get3A_398 = vector.shape_cast %get3A_397 : vector<1x16xi32> to vector<16xi32>
        %sub3A_399 = vector.broadcast %mul3A_206 : i32 to vector<16xi32>
        %sub3A_400 = arith.subi %get3A_398, %sub3A_399 : vector<16xi32>
        %lt3A_401 = arith.constant 0 : i32
        %lt3A_402 = vector.broadcast %lt3A_401 : i32 to vector<16xi32>
        %lt3A_403 = arith.cmpi slt, %sub3A_400, %lt3A_402 : vector<16xi32>
        %ge3A_404 = arith.constant 5000 : i32
        %ge3A_405 = vector.broadcast %ge3A_404 : i32 to vector<16xi32>
        %ge3A_406 = arith.cmpi sge, %sub3A_400, %ge3A_405 : vector<16xi32>
        %or3A_407 = arith.ori %lt3A_403, %ge3A_406 : vector<16xi1>
        %jit3A_408 = arith.constant 5000 : i32
        %broadcast_in_dim3A_409 = vector.broadcast %jit3A_408 : i32 to vector<16xi32>
        %select_n3A_410 = arith.select %or3A_407, %broadcast_in_dim3A_409, %sub3A_400 : vector<16xi1>, vector<16xi32>
        %swap3A_411 = arith.constant 3 : i32
        %swap3A_412 = arith.index_cast %swap3A_411 : i32 to index
        %swap3A_413 = arith.constant 32 : index
        %swap3A_414 = tpu.vector_load %arg6[%swap3A_412, %swap3A_413] {strides = array<i32>} : memref<4x128xi32, #tpu.memory_space<vmem>>, vector<1x16xi32>,
        %swap3A_415 = vector.shape_cast %swap3A_414 : vector<1x16xi32> to vector<16xi32>
        %swap3A_416 = vector.shape_cast %select_n3A_410 : vector<16xi32> to vector<1x16xi32>
        tpu.vector_store %arg6[%swap3A_412, %swap3A_413], %swap3A_416 {strides = array<i32>} : memref<4x128xi32, #tpu.memory_space<vmem>>, vector<1x16xi32>,
        %get3A_417 = arith.constant 3 : i32
        %get3A_418 = arith.index_cast %get3A_417 : i32 to index
        %get3A_419 = arith.constant 48 : index
        %get3A_420 = tpu.vector_load %arg6[%get3A_418, %get3A_419] {strides = array<i32>} : memref<4x128xi32, #tpu.memory_space<vmem>>, vector<1x16xi32>,
        %get3A_421 = vector.shape_cast %get3A_420 : vector<1x16xi32> to vector<16xi32>
        %sub3A_422 = vector.broadcast %mul3A_206 : i32 to vector<16xi32>
        %sub3A_423 = arith.subi %get3A_421, %sub3A_422 : vector<16xi32>
        %lt3A_424 = arith.constant 0 : i32
        %lt3A_425 = vector.broadcast %lt3A_424 : i32 to vector<16xi32>
        %lt3A_426 = arith.cmpi slt, %sub3A_423, %lt3A_425 : vector<16xi32>
        %ge3A_427 = arith.constant 5000 : i32
        %ge3A_428 = vector.broadcast %ge3A_427 : i32 to vector<16xi32>
        %ge3A_429 = arith.cmpi sge, %sub3A_423, %ge3A_428 : vector<16xi32>
        %or3A_430 = arith.ori %lt3A_426, %ge3A_429 : vector<16xi1>
        %jit3A_431 = arith.constant 5000 : i32
        %broadcast_in_dim3A_432 = vector.broadcast %jit3A_431 : i32 to vector<16xi32>
        %select_n3A_433 = arith.select %or3A_430, %broadcast_in_dim3A_432, %sub3A_423 : vector<16xi1>, vector<16xi32>
        %swap3A_434 = arith.constant 3 : i32
        %swap3A_435 = arith.index_cast %swap3A_434 : i32 to index
        %swap3A_436 = arith.constant 48 : index
        %swap3A_437 = tpu.vector_load %arg6[%swap3A_435, %swap3A_436] {strides = array<i32>} : memref<4x128xi32, #tpu.memory_space<vmem>>, vector<1x16xi32>,
        %swap3A_438 = vector.shape_cast %swap3A_437 : vector<1x16xi32> to vector<16xi32>
        %swap3A_439 = vector.shape_cast %select_n3A_433 : vector<16xi32> to vector<1x16xi32>
        tpu.vector_store %arg6[%swap3A_435, %swap3A_436], %swap3A_439 {strides = array<i32>} : memref<4x128xi32, #tpu.memory_space<vmem>>, vector<1x16xi32>,
        %get3A_440 = arith.constant 3 : i32
        %get3A_441 = arith.index_cast %get3A_440 : i32 to index
        %get3A_442 = arith.constant 64 : index
        %get3A_443 = tpu.vector_load %arg6[%get3A_441, %get3A_442] {strides = array<i32>} : memref<4x128xi32, #tpu.memory_space<vmem>>, vector<1x16xi32>,
        %get3A_444 = vector.shape_cast %get3A_443 : vector<1x16xi32> to vector<16xi32>
        %sub3A_445 = vector.broadcast %mul3A_206 : i32 to vector<16xi32>
        %sub3A_446 = arith.subi %get3A_444, %sub3A_445 : vector<16xi32>
        %lt3A_447 = arith.constant 0 : i32
        %lt3A_448 = vector.broadcast %lt3A_447 : i32 to vector<16xi32>
        %lt3A_449 = arith.cmpi slt, %sub3A_446, %lt3A_448 : vector<16xi32>
        %ge3A_450 = arith.constant 5000 : i32
        %ge3A_451 = vector.broadcast %ge3A_450 : i32 to vector<16xi32>
        %ge3A_452 = arith.cmpi sge, %sub3A_446, %ge3A_451 : vector<16xi32>
        %or3A_453 = arith.ori %lt3A_449, %ge3A_452 : vector<16xi1>
        %jit3A_454 = arith.constant 5000 : i32
        %broadcast_in_dim3A_455 = vector.broadcast %jit3A_454 : i32 to vector<16xi32>
        %select_n3A_456 = arith.select %or3A_453, %broadcast_in_dim3A_455, %sub3A_446 : vector<16xi1>, vector<16xi32>
        %swap3A_457 = arith.constant 3 : i32
        %swap3A_458 = arith.index_cast %swap3A_457 : i32 to index
        %swap3A_459 = arith.constant 64 : index
        %swap3A_460 = tpu.vector_load %arg6[%swap3A_458, %swap3A_459] {strides = array<i32>} : memref<4x128xi32, #tpu.memory_space<vmem>>, vector<1x16xi32>,
        %swap3A_461 = vector.shape_cast %swap3A_460 : vector<1x16xi32> to vector<16xi32>
        %swap3A_462 = vector.shape_cast %select_n3A_456 : vector<16xi32> to vector<1x16xi32>
        tpu.vector_store %arg6[%swap3A_458, %swap3A_459], %swap3A_462 {strides = array<i32>} : memref<4x128xi32, #tpu.memory_space<vmem>>, vector<1x16xi32>,
        %get3A_463 = arith.constant 3 : i32
        %get3A_464 = arith.index_cast %get3A_463 : i32 to index
        %get3A_465 = arith.constant 80 : index
        %get3A_466 = tpu.vector_load %arg6[%get3A_464, %get3A_465] {strides = array<i32>} : memref<4x128xi32, #tpu.memory_space<vmem>>, vector<1x16xi32>,
        %get3A_467 = vector.shape_cast %get3A_466 : vector<1x16xi32> to vector<16xi32>
        %sub3A_468 = vector.broadcast %mul3A_206 : i32 to vector<16xi32>
        %sub3A_469 = arith.subi %get3A_467, %sub3A_468 : vector<16xi32>
        %lt3A_470 = arith.constant 0 : i32
        %lt3A_471 = vector.broadcast %lt3A_470 : i32 to vector<16xi32>
        %lt3A_472 = arith.cmpi slt, %sub3A_469, %lt3A_471 : vector<16xi32>
        %ge3A_473 = arith.constant 5000 : i32
        %ge3A_474 = vector.broadcast %ge3A_473 : i32 to vector<16xi32>
        %ge3A_475 = arith.cmpi sge, %sub3A_469, %ge3A_474 : vector<16xi32>
        %or3A_476 = arith.ori %lt3A_472, %ge3A_475 : vector<16xi1>
        %jit3A_477 = arith.constant 5000 : i32
        %broadcast_in_dim3A_478 = vector.broadcast %jit3A_477 : i32 to vector<16xi32>
        %select_n3A_479 = arith.select %or3A_476, %broadcast_in_dim3A_478, %sub3A_469 : vector<16xi1>, vector<16xi32>
        %swap3A_480 = arith.constant 3 : i32
        %swap3A_481 = arith.index_cast %swap3A_480 : i32 to index
        %swap3A_482 = arith.constant 80 : index
        %swap3A_483 = tpu.vector_load %arg6[%swap3A_481, %swap3A_482] {strides = array<i32>} : memref<4x128xi32, #tpu.memory_space<vmem>>, vector<1x16xi32>,
        %swap3A_484 = vector.shape_cast %swap3A_483 : vector<1x16xi32> to vector<16xi32>
        %swap3A_485 = vector.shape_cast %select_n3A_479 : vector<16xi32> to vector<1x16xi32>
        tpu.vector_store %arg6[%swap3A_481, %swap3A_482], %swap3A_485 {strides = array<i32>} : memref<4x128xi32, #tpu.memory_space<vmem>>, vector<1x16xi32>,
        %get3A_486 = arith.constant 3 : i32
        %get3A_487 = arith.index_cast %get3A_486 : i32 to index
        %get3A_488 = arith.constant 96 : index
        %get3A_489 = tpu.vector_load %arg6[%get3A_487, %get3A_488] {strides = array<i32>} : memref<4x128xi32, #tpu.memory_space<vmem>>, vector<1x16xi32>,
        %get3A_490 = vector.shape_cast %get3A_489 : vector<1x16xi32> to vector<16xi32>
        %sub3A_491 = vector.broadcast %mul3A_206 : i32 to vector<16xi32>
        %sub3A_492 = arith.subi %get3A_490, %sub3A_491 : vector<16xi32>
        %lt3A_493 = arith.constant 0 : i32
        %lt3A_494 = vector.broadcast %lt3A_493 : i32 to vector<16xi32>
        %lt3A_495 = arith.cmpi slt, %sub3A_492, %lt3A_494 : vector<16xi32>
        %ge3A_496 = arith.constant 5000 : i32
        %ge3A_497 = vector.broadcast %ge3A_496 : i32 to vector<16xi32>
        %ge3A_498 = arith.cmpi sge, %sub3A_492, %ge3A_497 : vector<16xi32>
        %or3A_499 = arith.ori %lt3A_495, %ge3A_498 : vector<16xi1>
        %jit3A_500 = arith.constant 5000 : i32
        %broadcast_in_dim3A_501 = vector.broadcast %jit3A_500 : i32 to vector<16xi32>
        %select_n3A_502 = arith.select %or3A_499, %broadcast_in_dim3A_501, %sub3A_492 : vector<16xi1>, vector<16xi32>
        %swap3A_503 = arith.constant 3 : i32
        %swap3A_504 = arith.index_cast %swap3A_503 : i32 to index
        %swap3A_505 = arith.constant 96 : index
        %swap3A_506 = tpu.vector_load %arg6[%swap3A_504, %swap3A_505] {strides = array<i32>} : memref<4x128xi32, #tpu.memory_space<vmem>>, vector<1x16xi32>,
        %swap3A_507 = vector.shape_cast %swap3A_506 : vector<1x16xi32> to vector<16xi32>
        %swap3A_508 = vector.shape_cast %select_n3A_502 : vector<16xi32> to vector<1x16xi32>
        tpu.vector_store %arg6[%swap3A_504, %swap3A_505], %swap3A_508 {strides = array<i32>} : memref<4x128xi32, #tpu.memory_space<vmem>>, vector<1x16xi32>,
        %get3A_509 = arith.constant 3 : i32
        %get3A_510 = arith.index_cast %get3A_509 : i32 to index
        %get3A_511 = arith.constant 112 : index
        %get3A_512 = tpu.vector_load %arg6[%get3A_510, %get3A_511] {strides = array<i32>} : memref<4x128xi32, #tpu.memory_space<vmem>>, vector<1x16xi32>,
        %get3A_513 = vector.shape_cast %get3A_512 : vector<1x16xi32> to vector<16xi32>
        %sub3A_514 = vector.broadcast %mul3A_206 : i32 to vector<16xi32>
        %sub3A_515 = arith.subi %get3A_513, %sub3A_514 : vector<16xi32>
        %lt3A_516 = arith.constant 0 : i32
        %lt3A_517 = vector.broadcast %lt3A_516 : i32 to vector<16xi32>
        %lt3A_518 = arith.cmpi slt, %sub3A_515, %lt3A_517 : vector<16xi32>
        %ge3A_519 = arith.constant 5000 : i32
        %ge3A_520 = vector.broadcast %ge3A_519 : i32 to vector<16xi32>
        %ge3A_521 = arith.cmpi sge, %sub3A_515, %ge3A_520 : vector<16xi32>
        %or3A_522 = arith.ori %lt3A_518, %ge3A_521 : vector<16xi1>
        %jit3A_523 = arith.constant 5000 : i32
        %broadcast_in_dim3A_524 = vector.broadcast %jit3A_523 : i32 to vector<16xi32>
        %select_n3A_525 = arith.select %or3A_522, %broadcast_in_dim3A_524, %sub3A_515 : vector<16xi1>, vector<16xi32>
        %swap3A_526 = arith.constant 3 : i32
        %swap3A_527 = arith.index_cast %swap3A_526 : i32 to index
        %swap3A_528 = arith.constant 112 : index
        %swap3A_529 = tpu.vector_load %arg6[%swap3A_527, %swap3A_528] {strides = array<i32>} : memref<4x128xi32, #tpu.memory_space<vmem>>, vector<1x16xi32>,
        %swap3A_530 = vector.shape_cast %swap3A_529 : vector<1x16xi32> to vector<16xi32>
        %swap3A_531 = vector.shape_cast %select_n3A_525 : vector<16xi32> to vector<1x16xi32>
        tpu.vector_store %arg6[%swap3A_527, %swap3A_528], %swap3A_531 {strides = array<i32>} : memref<4x128xi32, #tpu.memory_space<vmem>>, vector<1x16xi32>,
        %run_scoped3A = arith.constant 3 : i32
        %run_scoped3A_532 = arith.constant 3 : i32
        "tpu.region"() ({
          %run_scoped3A_539 = tpu.sem_alloc : memref<!tpu.dma_semaphore, #tpu.memory_space<semaphore_mem>>
          %dma_start3A_540 = arith.constant 0 : i32
          %dma_start3A_541 = arith.constant 0 : i32
          %dma_start3A_542 = tpu.memref_slice %arg5[%run_scoped3A, %dma_start3A_540, %dma_start3A_541] : memref<4x128x128xf32, #tpu.memory_space<vmem>> -> memref<1x128x128xf32, #tpu.memory_space<vmem>>
          %dma_start3A_543 = tpu.memref_squeeze %dma_start3A_542 : memref<1x128x128xf32, #tpu.memory_space<vmem>> -> memref<128x128xf32, #tpu.memory_space<vmem>>
          %dma_start3A_544 = arith.constant 0 : i32
          %dma_start3A_545 = tpu.memref_slice %arg6[%run_scoped3A_532, %dma_start3A_544] : memref<4x128xi32, #tpu.memory_space<vmem>> -> memref<1x128xi32, #tpu.memory_space<vmem>>
          %dma_start3A_546 = tpu.memref_squeeze %dma_start3A_545 : memref<1x128xi32, #tpu.memory_space<vmem>> -> memref<128xi32, #tpu.memory_space<vmem>>
          %dma_start3A_547 = arith.constant 0 : i32
          %dma_start3A_548 = arith.constant 0 : i32
          %dma_start3A_549 = tpu.memref_slice %arg8[%dma_start3A_547, %dma_start3A_548] : memref<5008x128xf32, #tpu.memory_space<vmem_shared>> -> memref<5008x128xf32, #tpu.memory_space<vmem_shared>>
          tpu.enqueue_indirect_dma source(%dma_start3A_543 : memref<128x128xf32, #tpu.memory_space<vmem>>) target(%dma_start3A_549 : memref<5008x128xf32, #tpu.memory_space<vmem_shared>>) offsets(%dma_start3A_546 : memref<128xi32, #tpu.memory_space<vmem>>) semaphore(%run_scoped3A_539 : memref<!tpu.dma_semaphore, #tpu.memory_space<semaphore_mem>>) {add = true}
          %dma_wait3A_550 = arith.constant 0 : i32
          %dma_wait3A_551 = arith.constant 0 : i32
          %dma_wait3A_552 = tpu.memref_slice %arg5[%run_scoped3A, %dma_wait3A_550, %dma_wait3A_551] : memref<4x128x128xf32, #tpu.memory_space<vmem>> -> memref<1x128x128xf32, #tpu.memory_space<vmem>>
          %dma_wait3A_553 = tpu.memref_squeeze %dma_wait3A_552 : memref<1x128x128xf32, #tpu.memory_space<vmem>> -> memref<128x128xf32, #tpu.memory_space<vmem>>
          %dma_wait3A_554 = arith.constant 0 : i32
          %dma_wait3A_555 = tpu.memref_slice %arg6[%run_scoped3A_532, %dma_wait3A_554] : memref<4x128xi32, #tpu.memory_space<vmem>> -> memref<1x128xi32, #tpu.memory_space<vmem>>
          %dma_wait3A_556 = tpu.memref_squeeze %dma_wait3A_555 : memref<1x128xi32, #tpu.memory_space<vmem>> -> memref<128xi32, #tpu.memory_space<vmem>>
          %dma_wait3A_557 = arith.constant 0 : i32
          %dma_wait3A_558 = arith.constant 0 : i32
          %dma_wait3A_559 = tpu.memref_slice %arg8[%dma_wait3A_557, %dma_wait3A_558] : memref<5008x128xf32, #tpu.memory_space<vmem_shared>> -> memref<5008x128xf32, #tpu.memory_space<vmem_shared>>
          tpu.wait_indirect_dma semaphore(%run_scoped3A_539 : memref<!tpu.dma_semaphore, #tpu.memory_space<semaphore_mem>>) src(%dma_wait3A_553 : memref<128x128xf32, #tpu.memory_space<vmem>>) dst(%dma_wait3A_559 : memref<5008x128xf32, #tpu.memory_space<vmem_shared>>)
          tpu.yield
        }) : () -> ()
        %add3A_533 = arith.constant 4 : i32
        %add3A_534 = arith.addi %add3A_320, %add3A_533 : i32
        %lt3A_535 = arith.cmpi slt, %add3A_534, %min3A : i32
        %convert_element_type3A_536 = arith.extui %lt3A_535 : i1 to i32
        %cond3A_537 = arith.constant 0 : i32
        %cond3A_538 = arith.cmpi ne, %convert_element_type3A_536, %cond3A_537 : i32
        scf.if %cond3A_538 {
          %add3A_539 = arith.constant 4 : i32
          %add3A_540 = arith.addi %add3A_320, %add3A_539 : i32
          %add3A_541 = arith.addi %mul3A_167, %mul3A_201 : i32
          %add3A_542 = arith.addi %add3A_541, %add3A_540 : i32
          %mul3A_543 = arith.constant 128 : i32
          %mul3A_544 = arith.muli %add3A_542, %mul3A_543 : i32
          %multiple_of3A_545 = tpu.assume_multiple %mul3A_544, 8 : i32
          %dma_start3A_546 = arith.constant 3 : i32
          %dma_start3A_547 = arith.constant 0 : i32
          %dma_start3A_548 = arith.constant 0 : i32
          %dma_start3A_549 = tpu.memref_slice %arg5[%dma_start3A_546, %dma_start3A_547, %dma_start3A_548] : memref<4x128x128xf32, #tpu.memory_space<vmem>> -> memref<1x128x128xf32, #tpu.memory_space<vmem>>
          %dma_start3A_550 = tpu.memref_squeeze %dma_start3A_549 : memref<1x128x128xf32, #tpu.memory_space<vmem>> -> memref<128x128xf32, #tpu.memory_space<vmem>>
          %dma_start3A_551 = arith.constant 0 : i32
          %dma_start3A_552 = tpu.memref_slice %arg2[%multiple_of3A_545, %dma_start3A_551] : memref<320000x128xf32, #tpu.memory_space<hbm>> -> memref<128x128xf32, #tpu.memory_space<hbm>>
          %dma_start3A_553 = arith.constant 0 : i32
          %dma_start3A_554 = arith.constant 0 : i32
          %dma_start3A_555 = tpu.memref_slice %arg5[%dma_start3A_546, %dma_start3A_553, %dma_start3A_554] : memref<4x128x128xf32, #tpu.memory_space<vmem>> -> memref<1x128x128xf32, #tpu.memory_space<vmem>>
          %dma_start3A_556 = tpu.memref_squeeze %dma_start3A_555 : memref<1x128x128xf32, #tpu.memory_space<vmem>> -> memref<128x128xf32, #tpu.memory_space<vmem>>
          %dma_start3A_557 = arith.constant 0 : i32
          %dma_start3A_558 = tpu.memref_slice %arg2[%multiple_of3A_545, %dma_start3A_557] : memref<320000x128xf32, #tpu.memory_space<hbm>> -> memref<128x128xf32, #tpu.memory_space<hbm>>
          tpu.enqueue_dma source(%dma_start3A_558 : memref<128x128xf32, #tpu.memory_space<hbm>>) target(%dma_start3A_556 : memref<128x128xf32, #tpu.memory_space<vmem>>) target_semaphore(%arg12 : memref<!tpu.dma_semaphore, #tpu.memory_space<semaphore_mem>>)
          %dma_start3A_559 = arith.constant 3 : i32
          %dma_start3A_560 = arith.constant 0 : i32
          %dma_start3A_561 = tpu.memref_slice %arg6[%dma_start3A_559, %dma_start3A_560] : memref<4x128xi32, #tpu.memory_space<vmem>> -> memref<1x128xi32, #tpu.memory_space<vmem>>
          %dma_start3A_562 = tpu.memref_squeeze %dma_start3A_561 : memref<1x128xi32, #tpu.memory_space<vmem>> -> memref<128xi32, #tpu.memory_space<vmem>>
          %dma_start3A_563 = tpu.memref_slice %arg3[%multiple_of3A_545] : memref<320000xi32, #tpu.memory_space<hbm>> -> memref<128xi32, #tpu.memory_space<hbm>>
          %dma_start3A_564 = arith.constant 0 : i32
          %dma_start3A_565 = tpu.memref_slice %arg6[%dma_start3A_559, %dma_start3A_564] : memref<4x128xi32, #tpu.memory_space<vmem>> -> memref<1x128xi32, #tpu.memory_space<vmem>>
          %dma_start3A_566 = tpu.memref_squeeze %dma_start3A_565 : memref<1x128xi32, #tpu.memory_space<vmem>> -> memref<128xi32, #tpu.memory_space<vmem>>
          %dma_start3A_567 = tpu.memref_slice %arg3[%multiple_of3A_545] : memref<320000xi32, #tpu.memory_space<hbm>> -> memref<128xi32, #tpu.memory_space<hbm>>
          tpu.enqueue_dma source(%dma_start3A_567 : memref<128xi32, #tpu.memory_space<hbm>>) target(%dma_start3A_566 : memref<128xi32, #tpu.memory_space<vmem>>) target_semaphore(%arg12 : memref<!tpu.dma_semaphore, #tpu.memory_space<semaphore_mem>>)
        } else {
        }
      } else {
      }
    }
    %barrier3A_263 = arith.constant 0 : index
    tpu.barrier barrier_id(%barrier3A_263)
    %mul3A_264 = arith.constant 5000 : i32
    %mul3A_265 = arith.muli %arg0, %mul3A_264 : i32
    %add3A_266 = arith.addi %mul3A_265, %multiple_of3A : i32
    %multiple_of3A_267 = tpu.assume_multiple %add3A_266, 8 : i32
    "tpu.region"() ({
      %run_scoped3A = tpu.sem_alloc : memref<!tpu.dma_semaphore, #tpu.memory_space<semaphore_mem>>
      %dma_start3A_292 = arith.constant 0 : i32
      %dma_start3A_293 = tpu.memref_slice %arg4[%multiple_of3A_267, %dma_start3A_292] : memref<10000x128xf32, #tpu.memory_space<hbm>> -> memref<312x128xf32, #tpu.memory_space<hbm>>
      %dma_start3A_294 = arith.constant 0 : i32
      %dma_start3A_295 = tpu.memref_slice %arg8[%multiple_of3A, %dma_start3A_294] : memref<5008x128xf32, #tpu.memory_space<vmem_shared>> -> memref<312x128xf32, #tpu.memory_space<vmem_shared>>
      tpu.enqueue_dma source(%dma_start3A_295 : memref<312x128xf32, #tpu.memory_space<vmem_shared>>) target(%dma_start3A_293 : memref<312x128xf32, #tpu.memory_space<hbm>>) target_semaphore(%run_scoped3A : memref<!tpu.dma_semaphore, #tpu.memory_space<semaphore_mem>>)
      %dma_wait3A_296 = arith.constant 0 : i32
      %dma_wait3A_297 = tpu.memref_slice %arg4[%multiple_of3A_267, %dma_wait3A_296] : memref<10000x128xf32, #tpu.memory_space<hbm>> -> memref<312x128xf32, #tpu.memory_space<hbm>>
      %dma_wait3A_298 = arith.constant 0 : i32
      %dma_wait3A_299 = tpu.memref_slice %arg8[%multiple_of3A, %dma_wait3A_298] : memref<5008x128xf32, #tpu.memory_space<vmem_shared>> -> memref<312x128xf32, #tpu.memory_space<vmem_shared>>
      tpu.wait_dma2 semaphore(%run_scoped3A : memref<!tpu.dma_semaphore, #tpu.memory_space<semaphore_mem>>) src(%dma_wait3A_299 : memref<312x128xf32, #tpu.memory_space<vmem_shared>>) dst(%dma_wait3A_297 : memref<312x128xf32, #tpu.memory_space<hbm>>)
      tpu.yield
    }) : () -> ()
    %jit3A_268 = arith.constant 8 : i32
    %eq3A_269 = arith.constant 0 : i32
    %eq3A_270 = arith.cmpi eq, %jit3A_268, %eq3A_269 : i32
    %jit3A_271 = arith.constant 1 : i32
    %select_n3A_272 = arith.select %eq3A_270, %jit3A_271, %jit3A_268 : i32
    %rem3A_273 = arith.remsi %arg1, %select_n3A_272 : i32
    %ne3A_274 = arith.constant 0 : i32
    %ne3A_275 = arith.cmpi ne, %rem3A_273, %ne3A_274 : i32
    %lt3A_276 = arith.constant 0 : i32
    %lt3A_277 = arith.cmpi slt, %rem3A_273, %lt3A_276 : i32
    %lt3A_278 = arith.constant 0 : i32
    %lt3A_279 = arith.cmpi slt, %select_n3A_272, %lt3A_278 : i32
    %ne3A_280 = arith.xori %lt3A_277, %lt3A_279 : i1
    %and3A_281 = arith.andi %ne3A_280, %ne3A_275 : i1
    %add3A_282 = arith.addi %rem3A_273, %select_n3A_272 : i32
    %select_n3A_283 = arith.select %and3A_281, %add3A_282, %rem3A_273 : i32
    %eq3A_284 = arith.constant 7 : i32
    %eq3A_285 = arith.cmpi eq, %select_n3A_283, %eq3A_284 : i32
    %lt3A_286 = arith.constant 15 : i32
    %lt3A_287 = arith.cmpi slt, %arg1, %lt3A_286 : i32
    %and3A_288 = arith.andi %eq3A_285, %lt3A_287 : i1
    %convert_element_type3A_289 = arith.extui %and3A_288 : i1 to i32
    %cond3A_290 = arith.constant 0 : i32
    %cond3A_291 = arith.cmpi ne, %convert_element_type3A_289, %cond3A_290 : i32
    scf.if %cond3A_291 {
      %add3A_292 = arith.constant 312 : i32
      %add3A_293 = arith.addi %multiple_of3A, %add3A_292 : i32
      %multiple_of3A_294 = tpu.assume_multiple %add3A_293, 8 : i32
      %mul3A_295 = arith.constant 5000 : i32
      %mul3A_296 = arith.muli %arg0, %mul3A_295 : i32
      %add3A_297 = arith.addi %mul3A_296, %multiple_of3A : i32
      %add3A_298 = arith.constant 312 : i32
      %add3A_299 = arith.addi %add3A_297, %add3A_298 : i32
      %multiple_of3A_300 = tpu.assume_multiple %add3A_299, 8 : i32
      "tpu.region"() ({
        %run_scoped3A = tpu.sem_alloc : memref<!tpu.dma_semaphore, #tpu.memory_space<semaphore_mem>>
        %dma_start3A_301 = arith.constant 0 : i32
        %dma_start3A_302 = tpu.memref_slice %arg4[%multiple_of3A_300, %dma_start3A_301] : memref<10000x128xf32, #tpu.memory_space<hbm>> -> memref<8x128xf32, #tpu.memory_space<hbm>>
        %dma_start3A_303 = arith.constant 0 : i32
        %dma_start3A_304 = tpu.memref_slice %arg8[%multiple_of3A_294, %dma_start3A_303] : memref<5008x128xf32, #tpu.memory_space<vmem_shared>> -> memref<8x128xf32, #tpu.memory_space<vmem_shared>>
        tpu.enqueue_dma source(%dma_start3A_304 : memref<8x128xf32, #tpu.memory_space<vmem_shared>>) target(%dma_start3A_302 : memref<8x128xf32, #tpu.memory_space<hbm>>) target_semaphore(%run_scoped3A : memref<!tpu.dma_semaphore, #tpu.memory_space<semaphore_mem>>)
        %dma_wait3A_305 = arith.constant 0 : i32
        %dma_wait3A_306 = tpu.memref_slice %arg4[%multiple_of3A_300, %dma_wait3A_305] : memref<10000x128xf32, #tpu.memory_space<hbm>> -> memref<8x128xf32, #tpu.memory_space<hbm>>
        %dma_wait3A_307 = arith.constant 0 : i32
        %dma_wait3A_308 = tpu.memref_slice %arg8[%multiple_of3A_294, %dma_wait3A_307] : memref<5008x128xf32, #tpu.memory_space<vmem_shared>> -> memref<8x128xf32, #tpu.memory_space<vmem_shared>>
        tpu.wait_dma2 semaphore(%run_scoped3A : memref<!tpu.dma_semaphore, #tpu.memory_space<semaphore_mem>>) src(%dma_wait3A_308 : memref<8x128xf32, #tpu.memory_space<vmem_shared>>) dst(%dma_wait3A_306 : memref<8x128xf32, #tpu.memory_space<hbm>>)
        tpu.yield
      }) : () -> ()
    } else {
    }
    return
  }
}

</mosaic_0001>

<sc_bundles>
// kernel: kernel.3.cloned.1.call-start
scs
__scs_entry_jumppad:
0x0: {  	(pc) =	sbr.rel $0x88, $3  }
0x1: {  	(tag) =	ssettag $0x0;
	lr =	simm.s32 $0x1  }
0x2: {  	[smem:$0x3F9F] =	sst lr;
	_ =	strace $0xD0000000  }
0x3: {  	_ = 	snop  }
0x4: {  	_ = 	snop  }
0x5: {  	_ = 	snop  }
0x6: {  	_ = 	snop  }
0x7: {  	_ = 	snop  }
__scs_overlays_trampoline_lowered:
0x8: {  	[smem:$0x3FAE] =	sst s0  }
0x9: {  	[smem:$0x3FAF] =	sst s1  }
0xa: {  	[smem:$0x3FB0] =	sst s2  }
0xb: {  	[smem:$0x3FB1] =	sst s3  }
0xc: {  	[smem:$0x3FB2] =	sst s4  }
0xd: {  	[smem:$0x3FB3] =	sst s5  }
0xe: {  	[smem:$0x3FB4] =	sst s6  }
0xf: {  	[smem:$0x3FB5] =	sst s7  }
0x10: {  	[smem:$0x3FB6] =	sst s8  }
0x11: {  	[smem:$0x3FB7] =	sst s9;
	s0 =	simm.s32 @!p0 $0x0  }
0x12: {  	s1 =	sld [smem:$0x3F9D];
	s0 =	simm.s32 @p0 $0x1  }
0x13: {  	[smem:$0x3FB8] =	sst s0;
	s0 =	simm.s32 @!p1 $0x0  }
0x14: {  	s2 =	sld [smem:$0x3F9C];
	s0 =	simm.s32 @p1 $0x1  }
0x15: {  	[smem:$0x3FB9] =	sst s0;
	s0 =	simm.s32 @!p2 $0x0  }
0x16: {  	s3 =	sld [smem:$0x3FDB];
	s0 =	simm.s32 @p2 $0x1  }
0x17: {  	s4 =	simm.s32 $0x1BF5;
	[smem:$0x3FBB] =	sst s0  }
0x18: {  	s0 =	sld [smem:$0x3F9E];
	_ =	swait.ge [sflag:s4], $0x0  }
0x19: {  	s7 =	sld [smem:$0x3F9F]  }
0x1a: {  	s8 =	sadd.s32 $0xFFFFE003, lr  }
0x1b: {  	s9 =	sadd.s32 $0xFFFFFEF7, lr;
	s5 =	simm.s32 $0xFFFFFFFF;
	p2 =	slt.u32 s8, $0xFFFFF086  }
0x1c: {  	p1 =	slt.u32 s9, $0xF7A;
	s5 =	simm.s32 @!p2 $0x0  }
0x1d: {  	s5 =	simm.s32 @p1 $0x1;
	p0 =	seq.s32 s7, s2  }
0x1e: {  	s7 =	smul.u32 @!p0 $0xF7A, s2;
	p2 =	seq.s32 @!p0 s5, $0x0  }
0x1f: {  	s9 =	smul.u32 $0xF7A, s1;
	s8 =	simm.s32 @!p0 $0x1BF5;
	p2 =	por !p2, p0  }
0x20: {  	[sflag:s8] =	ssyncset.s32 @!p0 $0xFFFFF086;
	s6 =	sadd.s32 @!p0 s3, s7;
	s7 =	simm.s32 @!p0 $0x108  }
0x21: {  	s3 =	sadd.s32 s3, s9;
	s6 =	sadd.s32 @!p0 $0x88, s6;
	s7 =	simm.s32 @p2 $0x1082  }
0x22: {  	[simem:s7], [sflag:s8] =	dma.local @!p0 [hbm:s6], $0xF7A  }
0x23: {  	s9 =	sor.u32 $0xD0000000, s2;
	s6 =	simm.s32 $0x108;
	_ =	swait.ge @!p0 [sflag:s8], $0x0  }
0x24: {  	s3 =	sadd.s32 $0x88, s3;
	s6 =	simm.s32 @!p1 $0x1082;
	[sflag:s4] =	ssyncset.s32 $0xFFFFF086  }
0x25: {  	[simem:s6], [sflag:s4] =	dma.local [hbm:s3], $0xF7A  }
0x26: {  	[smem:$0x3F9F] =	sst s1;
	(tag) =	ssettag s2;
	_ =	strace s9  }
0x27: {  	s1 =	sld [smem:$0x3FAF]  }
0x28: {  	s2 =	sld [smem:$0x3FB0]  }
0x29: {  	s4 =	sld [smem:$0x3FB2]  }
0x2a: {  	p0 =	seq.s32 s5, $0x0;
	s5 =	sld [smem:$0x3FB3]  }
0x2b: {  	s6 =	sld [smem:$0x3FB4]  }
0x2c: {  	s7 =	sld [smem:$0x3FB5]  }
0x2d: {  	s3 =	simm.s32 $0x108;
	s8 =	sld [smem:$0x3FB6]  }
0x2e: {  	s3 =	simm.s32 @!p0 $0x1082;
	s9 =	sld [smem:$0x3FB7]  }
0x2f: {  	lr =	sadd.s32 s0, s3;
	s0 =	sld [smem:$0x3FAE]  }
0x30: {  	s3 =	sld [smem:$0x3FB1]  }
0x31: {  	[smem:$0x3FBA] =	sst s10  }
0x32: {  	s10 =	sld [smem:$0x3FB8];
	_ =	sdelay $0x3  }
0x33: {  	p0 =	seq.s32 s10, $0x1;
	s10 =	sld [smem:$0x3FBA];
	_ =	sdelay $0x3  }
0x34: {  	[smem:$0x3FBA] =	sst s10  }
0x35: {  	s10 =	sld [smem:$0x3FB9];
	_ =	sdelay $0x3  }
0x36: {  	p1 =	seq.s32 s10, $0x1;
	s10 =	sld [smem:$0x3FBA];
	_ =	sdelay $0x3  }
0x37: {  	[smem:$0x3FBA] =	sst s10  }
0x38: {  	s10 =	sld [smem:$0x3FBB]  }
0x39: {  	_ = 	snop;
	(pc) =	sbr.ind lr, $3  }
0x3a: {  	_ = 	snop  }
0x3b: {  	_ = 	snop  }
0x3c: {  	p2 =	seq.s32 s10, $0x1;
	s10 =	sld [smem:$0x3FBA]  }
0x3d: {  	_ =	shalt  }
0x3e: {  	_ =	shalt  }
0x3f: {  	_ =	shalt  }
0x40: {  	_ =	shalt  }
0x41: {  	_ =	shalt  }
0x42: {  	_ =	shalt  }
0x43: {  	_ =	shalt  }
0x44: {  	_ =	shalt  }
0x45: {  	_ =	shalt  }
0x46: {  	_ =	shalt  }
0x47: {  	_ =	shalt  }
0x48: {  	_ =	shalt  }
0x49: {  	_ =	shalt  }
0x4a: {  	_ =	shalt  }
0x4b: {  	_ =	shalt  }
0x4c: {  	_ =	shalt  }
0x4d: {  	_ =	shalt  }
0x4e: {  	_ =	shalt  }
0x4f: {  	_ =	shalt  }
0x50: {  	_ =	shalt  }
0x51: {  	_ =	shalt  }
0x52: {  	_ =	shalt  }
0x53: {  	_ =	shalt  }
0x54: {  	_ =	shalt  }
0x55: {  	_ =	shalt  }
0x56: {  	_ =	shalt  }
0x57: {  	_ =	shalt  }
0x58: {  	_ =	shalt  }
0x59: {  	_ =	shalt  }
0x5a: {  	_ =	shalt  }
0x5b: {  	_ =	shalt  }
0x5c: {  	_ =	shalt  }
0x5d: {  	_ =	shalt  }
0x5e: {  	_ =	shalt  }
0x5f: {  	_ =	shalt  }
0x60: {  	_ =	shalt  }
0x61: {  	_ =	shalt  }
0x62: {  	_ =	shalt  }
0x63: {  	_ =	shalt  }
0x64: {  	_ =	shalt  }
0x65: {  	_ =	shalt  }
0x66: {  	_ =	shalt  }
0x67: {  	_ =	shalt  }
0x68: {  	_ =	shalt  }
0x69: {  	_ =	shalt  }
0x6a: {  	_ =	shalt  }
0x6b: {  	_ =	shalt  }
0x6c: {  	_ =	shalt  }
0x6d: {  	_ =	shalt  }
0x6e: {  	_ =	shalt  }
0x6f: {  	_ =	shalt  }
0x70: {  	_ =	shalt  }
0x71: {  	_ =	shalt  }
0x72: {  	_ =	shalt  }
0x73: {  	_ =	shalt  }
0x74: {  	_ =	shalt  }
0x75: {  	_ =	shalt  }
0x76: {  	_ =	shalt  }
0x77: {  	_ =	shalt  }
0x78: {  	_ =	shalt  }
0x79: {  	_ =	shalt  }
0x7a: {  	_ =	shalt  }
0x7b: {  	_ =	shalt  }
0x7c: {  	_ =	shalt  }
0x7d: {  	_ =	shalt  }
0x7e: {  	_ =	shalt  }
0x7f: {  	_ =	shalt  }
0x80: {  	_ =	shalt  }
0x81: {  	_ =	shalt  }
0x82: {  	_ =	shalt  }
0x83: {  	_ =	shalt  }
0x84: {  	_ =	shalt  }
0x85: {  	_ =	shalt  }
0x86: {  	_ =	shalt  }
0x87: {  	_ =	shalt  }
.Lfunc_end0:
.L_simem_size_0:
called_computation_lowered:
.L_overlay_start_0:
0x88: {  	s2 =	sld [smem:$0x3FD9]  }
0x89: {  	s3 =	sld [smem:$0x3FFE];
	_ =	sdelay $0x1  }
0x8a: {  	s1 =	srdreg.scid  }
0x8b: {  	s0 =	sand.u32 $0x1, s1  }
0x8c: {  	s18 =	sshll.u32 s0, $0xA;
	s2 =	sadd.s32 s3, s2  }
0x8d: {  	s2 =	sadd.s32 s2, s18  }
0x8e: {  	[smem:$0x3FC6] =	sst s2  }
0x8f: {  	_ = 	snop  }
0x90: {  	s2 =	sld [smem:$0x3FC9]  }
0x91: {  	s19 =	sld [smem:$0x3FC8]  }
0x92: {  	s4 =	sld [smem:$0x3FD0];
	(tm) =	ssettm $0x1  }
0x93: {  	s5 =	sld [smem:$0x3FFB];
	_ =	sdelay $0x3  }
0x94: {  	_ =	strace s5  }
0x95: {  	s5 =	sld [smem:$0x3FFC];
	_ =	sdelay $0x3  }
0x96: {  	_ =	strace s5  }
0x97: {  	s5 =	sld [smem:$0x3FFD];
	_ =	sdelay $0x3  }
0x98: {  	_ =	strace s5  }
0x99: {  	_ =	strace $0x8FFFFFFF  }
0x9a: {  	s20 =	sld [smem:$0x3FDB];
	_ =	sdelay $0x1  }
0x9b: {  	s6 =	simm.s32 $_scs_section_size  }
0x9c: {  	s7 =	simm.s32 $_size__tile_overlayer_lowered;
	s8 =	simm.s32 $_tile_overlayer_lowered  }
0x9d: {  	s23 =	simm.s32 $0x1BFF;
	s22 =	sshll.u32 s8, $0x1;
	s5 =	sadd.s32 s6, s20  }
0x9e: {  	s9 =	simm.s32 $0x0;
	s21 =	sshll.u32 s7, $0x1;
	s7 =	sadd.s32 s22, s5  }
0x9f: {  	[timem:s9], [sflag:s23] =	dma.local [hbm:s7], s21  }
0xa0: {  	_ =	swait.ge [sflag:s23], s21  }
0xa1: {  	s6 =	ssub.s32 $0x0, s21;
	[sflag:s23] =	ssyncset.done $0x0  }
0xa2: {  	[sflag:s23] =	ssyncadd.s32 s6;
	_ =	sdelay $0x1  }
0xa3: {  	s24 =	simm.s32 $0x1B8B  }
0xa4: {  	_ =	swait.ge [sflag:s24], $0x1  }
0xa5: {  	[sflag:s24] =	ssyncset.done $0x0  }
0xa6: {  	s25 =	simm.s32 $0x1B8E;
	[sflag:s24] =	ssyncadd.s32 $0xFFFFFFFF  }
0xa7: {  	s26 =	simm.s32 $execute0_lowered;
	[smem:$0x3FD2] =	sst s25  }
0xa8: {  	s6 =	sshll.u32 s26, $0x1;
	_ =	strace $0x80000046;
	[dreg:$0x1] =	wrdreg $0xFFFFFFFF  }
0xa9: {  	s28 =	simm.s32 $_size_execute0_lowered;
	s5 =	sadd.s32 s5, s6;
	[dreg:$0x0] =	wrdreg $0x0  }
0xaa: {  	s6 =	sshll.u32 s28, $0x1;
	[dreg:$0x2] =	wrdreg s5  }
0xab: {  	[dreg:$0x3] =	wrdreg s6  }
0xac: {  	[dreg:$0x4] =	wrdreg $0xC0  }
0xad: {  	_ =	task [dreg:s9], $0x5FFFF  }
0xae: {  	[dreg:$0x1] =	wrdreg $0xFFFFFFFF  }
0xaf: {  	[dreg:$0x0] =	wrdreg $0x60  }
0xb0: {  	[dreg:$0x2] =	wrdreg s2  }
0xb1: {  	[dreg:$0x3] =	wrdreg s19  }
0xb2: {  	[dreg:$0x4] =	wrdreg s4  }
0xb3: {  	[dreg:$0x5] =	wrdreg $0x102800  }
0xb4: {  	[dreg:$0x6] =	wrdreg $0x9  }
0xb5: {  	_ =	task.clear_ibuf [dreg:s9], $0x7FFFF;
	_ =	strace $0x90000046  }
0xb6: {  	s29 =	simm.s32 $0x9;
	_ =	strace $0x80000048  }
0xb7: {  	_ =	swait.ge [sflag:s29], $0x1  }
0xb8: {  	[sflag:s29] =	ssyncadd.s32 $0xFFFFFFFF  }
0xb9: {  	_ =	strace $0x90000048  }
0xba: {  	_ =	sfence  }
0xbb: {  	s30 =	sld [smem:$0x0];
	_ =	sdelay $0x2  }
0xbc: {  	s31 =	sshll.u32 s1, $0xD;
	s1 =	sshrl.u32 s1, $0x2  }
0xbd: {  	s3 =	sand.u32 $0x4000, s31;
	s1 =	sadd.s32 s1, s30  }
0xbe: {  	s0 =	sor.u32 s3, s0;
	s1 =	sshll.u32 s1, $0x11  }
0xbf: {  	s0 =	sor.u32 s1, s0  }
0xc0: {  	s0 =	sadd.s32 $0x8F2B, s0  }
0xc1: {  	[sflag:s0] =	ssyncadd.remote.s32 $0x1  }
0xc2: {  	_ =	sfence.sel $0xFFFF  }
0xc3: {  	[dreg:$0x0] =	wrdreg $0xFFFFFFFF;
	(pc) =	sbr.abs _section_cstart, $3  }
0xc4: {  	[dreg:$0x1] =	wrdreg $0xFFFFFFFF  }
0xc5: {  	_ =	task.clear_ibuf [dreg:s9], $0x2FFFF;
	_ =	strace $0x9FFFFFFF  }
0xc6: {  	(tm) =	ssettm $0x7FFFFFFF  }
0xc7: {  	_ =	shalt  }
tec
execute0_lowered:
.L_overlay_start_1:
0x0: {  	(tag) =	ssettag $0x1  }
0x1: {  	s1 =	rddreg [dreg:$0x0]  }
0x2: {  	s3 =	rddreg [dreg:$0x1]  }
0x3: {  	s0 =	stileid.u32;
	s12 =	rddreg [dreg:$0x2]  }
0x4: {  	s4 =	rddreg [dreg:$0x3];
	s6 =	srdreg.scid;
	s21 =	simm.s32 $0x6  }
0x5: {  	s22 =	simm.s32 $0x0;
	s5 =	smul.u32 $0x139, s0;
	s19 =	sand.u32 $0x7, s0  }
0x6: {  	s6 =	sand.u32 $0x1, s6;
	p1 =	sne.s32 s0, $0xF;
	s15 =	sshll.u32 s0, $0x4  }
0x7: {  	s17 =	sshll.u32 s0, $0xB;
	s8 =	ssub.s32 $0x2, s6;
	s20 =	smul.u32 $0x1388, s6  }
0x8: {  	p0 =	seq.s32 s19, $0x7;
	s16 =	sshll.u32 s6, $0x4;
	s18 =	sshll.u32 s6, $0xB  }
0x9: {  	s10 =	ssub.s32 s5, s19;
	s5 =	simm.s32 $0x0;
	s9 =	sshrl.u32 s8, $0x1  }
0xa: {  	p0 =	por !p1, !p0;
	p1 =	sne.s32 s19, $0x7;
	s19 =	simm.s32 $0x5  }
0xb: {  	s7 =	sshll.u32 s10, $0x7;
	[smem:$0x7FF] =	sst s5;
	s14 =	ssub.s32 s8, s9  }
.Ltmp0:
0xc: {  	s11 =	sadd.s32 s20, s10;
	v0 =	vmov s20;
	s20 =	simm.s32 $0x10000;
	(pc) =	sbr.rel .LBB2_1-.Ltmp0, $4  }
0xd: {  	p0 =	por !p0, !p0;
	s7 =	sand.u32 $0x3FFFFF80, s7;
	_ =	strace $0x80000047  }
0xe: {  	s13 =	sshll.u32 s11, $0x4;
	s11 =	sxor.u32 $0x1, s6;
	s7 =	sadd.s32 s7, s4  }
0xf: {  	s14 =	smax.u32 s14, $0x1;
	s12 =	sadd.s32 s12, s13;
	s8 =	sadd.s32 $0x4000, s7  }
0x10: {  	v1 =	vimm.f32 $0.0e+00;
	s9 =	sadd.s32 $0x8000, s7;
	s10 =	sadd.s32 $0x9C00, s7;
	s13 =	sadd.s32 $0x1380, s12  }
.LBB2_10:
0x11: {  	s2 =	sshll.u32 s0, $0x6  }
0x12: {  	[bflag:$0x0] =	sbarrier.arrive $0xFFFF;
	s23 =	sshrl.u32 s7, $0x3;
	s2 =	sor.u32 $0x1C06, s2  }
0x13: {  	[hbm:s12], [sflag:s2] =	dma.local [spmem:s23], $0x1380  }
0x14: {  	_ =	swait.ge [sflag:s21], $0x1380  }
0x15: {  	s22 =	sadd.s32 $0x1, s22;
	[sflag:s21] =	ssyncset.done $0x0  }
0x16: {  	p2 =	sne.s32 s22, s14;
	s23 =	sshrl.u32 @p0 s10, $0x3;
	[sflag:s21] =	ssyncadd.s32 $0xFFFFEC80  }
0x17: {  	[hbm:s13], [sflag:s2] =	dma.local @p0 [spmem:s23], $0x80  }
.Ltmp1:
0x18: {  	_ = 	snop;
	(pc) =	sbr.rel @!p2 .LBB2_11-.Ltmp1, $4  }
0x19: {  	s2 =	simm.s32 @p0 $0x6  }
0x1a: {  	_ =	swait.ge @p0 [sflag:s2], $0x80  }
0x1b: {  	[sflag:s2] =	ssyncset.done @p0 $0x0  }
0x1c: {  	[sflag:s2] =	ssyncadd.s32 @p0 $0xFFFFFF80  }
.LBB2_1:
0x1d: {  	s23 =	simm.s32 $0x0;
	s24 =	simm.s32 $0x200  }
.LBB2_2:
0x1e: {  	p2 =	sne.s32 s24, $0xFE00;
	[tilespmem:s23+$0x70] =	vst v1  }
0x1f: {  	[tilespmem:s23+$0x0] =	vst v1  }
0x20: {  	[tilespmem:s23+$0x10] =	vst v1  }
.Ltmp2:
0x21: {  	[tilespmem:s23+$0x20] =	vst v1;
	(pc) =	sbr.rel @p2 .LBB2_2-.Ltmp2, $4  }
0x22: {  	[tilespmem:s23+$0x30] =	vst v1  }
0x23: {  	[tilespmem:s23+$0x40] =	vst v1  }
0x24: {  	[tilespmem:s23+$0x50] =	vst v1  }
0x25: {  	[tilespmem:s23+$0x60] =	vst v1;
	s23 =	sshra.s32 s24, $0x2;
	s24 =	sadd.s32 $0x200, s24  }
0x26: {  	[tilespmem:s23+$0x70] =	vst v1  }
0x27: {  	[tilespmem:s23+$0x0] =	vst v1  }
0x28: {  	[tilespmem:s23+$0x10] =	vst v1  }
0x29: {  	[tilespmem:s23+$0x20] =	vst v1  }
0x2a: {  	[tilespmem:s23+$0x30] =	vst v1  }
0x2b: {  	[tilespmem:s23+$0x40] =	vst v1  }
0x2c: {  	[tilespmem:s23+$0x50] =	vst v1  }
0x2d: {  	[tilespmem:s23+$0x60] =	vst v1  }
0x2e: {  	[spmem:s7] =	stream.linear.scatter [tilespmem:s5], [sflag:$0x5], $0x4000, $0x38;
	[tilespmem:$0x19F00] =	vst v63  }
0x2f: {  	_ = 	snop  }
0x30: {  	[spmem:s8] =	stream.linear.scatter [tilespmem:s5], [sflag:$0x5], $0x4000, $0x38;
	[tilespmem:$0x19F00] =	vst v63  }
0x31: {  	_ = 	snop  }
0x32: {  	[spmem:s9] =	stream.linear.scatter [tilespmem:s5], [sflag:$0x5], $0x1C00, $0x38;
	[tilespmem:$0x19F00] =	vst v63  }
0x33: {  	s23 =	simm.s32 @!p1 $0x0;
	p2 =	por $0x0, $0x0  }
0x34: {  	[spmem:s10] =	stream.linear.scatter @!p1 [tilespmem:s23], [sflag:$0x5], $0x400, $0x38;
	[tilespmem:$0x19F00] =	vst v63  }
0x35: {  	s23 =	simm.s32 @!p2 $0x9C4  }
0x36: {  	s23 =	sand.u32 @!p2 $0x1, s23  }
0x37: {  	p3 =	por @!p2 $0x0, $0x0;
	p4 =	seq.s32 @!p2 s23, $0x1  }
0x38: {  	p3 =	por @!p2 !p3, !p4  }
0x39: {  	p3 =	por @!p2 !p3, !p3  }
0x3a: {  	s23 =	simm.s32 @!p2 $0x1;
	p3 =	por !p3, p2  }
0x3b: {  	s23 =	simm.s32 @p3 $0x0  }
0x3c: {  	s29 =	ssub.s32 @!p2 $0x4E2, s23  }
0x3d: {  	s23 =	sshll.u32 @!p2 s29, $0x4  }
0x3e: {  	s24 =	simm.s32 @!p2 $0x6;
	s23 =	sand.u32 @!p2 $0x1FFFFFF0, s23  }
0x3f: {  	s25 =	simm.s32 @!p2 $0x0;
	s26 =	simm.s32 @!p2 $0x10200;
	s23 =	sadd.s32 @!p2 s3, s23  }
0x40: {  	[tilespmem:s26], [sflag:$0x6] =	stream.linear.gather @!p2 [hbm4b:s23+s25], $0x10, $0x38;
	[tilespmem:$0x19F00] =	vst v63  }
0x41: {  	_ =	swait.ge @!p2 [sflag:s24], $0x10  }
0x42: {  	[sflag:s24] =	ssyncset.done @!p2 $0x0  }
0x43: {  	[sflag:s24] =	ssyncadd.s32 @!p2 $0xFFFFFFF0  }
0x44: {  	v2 =	vld @!p2 [tilespmem:$0x10200];
	_ =	sdelay $0x4  }
0x45: {  	(v2sf) =	vpush @!p2 v2, $0x0;
	_ =	sdelay $0xe  }
0x46: {  	s24 =	spop @!p2 (v2sf)  }
0x47: {  	s28 =	simm.s32 $0x0;
	s23 =	simm.s32 $0x9C4;
	p3 =	slt.s32 @!p2 s24, $0x1388  }
0x48: {  	s26 =	simm.s32 $0x9C4;
	s24 =	sadd.s32 @!p2 $0x1, s29;
	p3 =	por !p3, p2  }
0x49: {  	s25 =	simm.s32 $0xB;
	s26 =	smov.u32 @p3 s29;
	s24 =	smov.u32 @p3 s28  }
.LBB2_4:
0x4a: {  	s29 =	smov.u32 s23;
	s23 =	smov.u32 s26  }
0x4b: {  	s25 =	sadd.s32 $0xFFFFFFFF, s25;
	s24 =	smov.u32 @p2 s28;
	s23 =	smov.u32 @p2 s29  }
0x4c: {  	p3 =	sne.s32 s25, $0x0;
	p2 =	sge.s32 s24, s23  }
0x4d: {  	s26 =	sadd.s32 @!p2 s24, s23  }
0x4e: {  	s28 =	sshrl.u32 @!p2 s26, $0x1F;
	p4 =	slt.s32 @!p2 s26, $0x1;
	s29 =	sand.u32 @!p2 $0x1, s26  }
0x4f: {  	s26 =	sadd.s32 @!p2 s28, s26;
	p5 =	seq.s32 @!p2 s29, $0x1  }
0x50: {  	s26 =	sshra.s32 @!p2 s26, $0x1;
	p4 =	por @!p2 !p4, !p5  }
0x51: {  	p4 =	por @!p2 !p4, !p4  }
0x52: {  	s28 =	simm.s32 @!p2 $0x1;
	p4 =	por !p4, p2  }
0x53: {  	s28 =	simm.s32 @p4 $0x0  }
0x54: {  	s28 =	ssub.s32 @!p2 s26, s28  }
0x55: {  	s26 =	sshll.u32 @!p2 s28, $0x4;
	s29 =	sadd.s32 @!p2 $0x1, s28  }
0x56: {  	s30 =	simm.s32 @!p2 $0x6;
	s26 =	sand.u32 @!p2 $0x1FFFFFF0, s26  }
0x57: {  	s31 =	simm.s32 @!p2 $0x0;
	s2 =	simm.s32 @!p2 $0x10200;
	s26 =	sadd.s32 @!p2 s3, s26  }
0x58: {  	[tilespmem:s2], [sflag:$0x6] =	stream.linear.gather @!p2 [hbm4b:s26+s31], $0x10, $0x38;
	[tilespmem:$0x19F00] =	vst v63  }
0x59: {  	_ =	swait.ge @!p2 [sflag:s30], $0x10  }
0x5a: {  	[sflag:s30] =	ssyncset.done @!p2 $0x0  }
0x5b: {  	[sflag:s30] =	ssyncadd.s32 @!p2 $0xFFFFFFF0  }
0x5c: {  	v2 =	vld @!p2 [tilespmem:$0x10200];
	_ =	sdelay $0x4  }
0x5d: {  	(v2sf) =	vpush @!p2 v2, $0x0;
	_ =	sdelay $0xe  }
.Ltmp3:
0x5e: {  	s2 =	spop @!p2 (v2sf);
	(pc) =	sbr.rel @p3 .LBB2_4-.Ltmp3, $4  }
0x5f: {  	p4 =	slt.s32 @!p2 s2, $0x1388  }
0x60: {  	p4 =	por !p4, p2  }
0x61: {  	s26 =	smov.u32 s23;
	s29 =	smov.u32 @p4 s24  }
0x62: {  	s26 =	smov.u32 @p4 s28;
	s28 =	smov.u32 s24;
	s24 =	smov.u32 s29  }
0x63: {  	s26 =	smov.u32 @p2 s23  }
0x64: {  	s25 =	sadd.s32 $0xFFFFFFFF, s26  }
0x65: {  	p2 =	sgt.s32 s25, $0x0  }
0x66: {  	s25 =	simm.s32 @!p2 $0x0  }
0x67: {  	s2 =	smul.u32 s11, s26;
	s29 =	ssub.s32 $0x9C4, s25  }
0x68: {  	s23 =	smul.u32 s6, s29;
	_ =	sdelay $0x1  }
0x69: {  	s2 =	sadd.s32 s2, s23  }
0x6a: {  	s23 =	sadd.s32 $0xF, s2  }
0x6b: {  	s24 =	sand.u32 $0xF, s23  }
0x6c: {  	s30 =	sshra.s32 s23, $0x1F;
	p6 =	slt.s32 s23, $0x1;
	p3 =	sne.s32 s24, $0x0  }
0x6d: {  	s31 =	sshrl.u32 s30, $0x1C;
	p2 =	por !p6, !p3  }
0x6e: {  	s24 =	simm.s32 $0x1;
	s23 =	sadd.s32 s31, s23;
	p2 =	por !p2, !p2  }
0x6f: {  	s23 =	sshra.s32 s23, $0x4;
	s24 =	simm.s32 @!p2 $0x0  }
0x70: {  	_ =	swait.ge [sflag:s19], $0x4000;
	s26 =	ssub.s32 s23, s24  }
0x71: {  	[sflag:s19] =	ssyncset.done $0x0;
	s24 =	smul.u32 s0, s26  }
0x72: {  	[sflag:s19] =	ssyncadd.s32 $0xFFFFC000  }
0x73: {  	_ =	swait.ge [sflag:s19], $0x4000;
	s2 =	ssub.s32 s2, s24  }
0x74: {  	[sflag:s19] =	ssyncset.done $0x0;
	p2 =	sgt.s32 s2, $0x0  }
0x75: {  	[sflag:s19] =	ssyncadd.s32 $0xFFFFC000;
	s2 =	simm.s32 @!p2 $0x0  }
0x76: {  	_ =	swait.ge [sflag:s19], $0x1C00;
	s23 =	smov.u32 s26;
	p2 =	slt.s32 s2, s26  }
0x77: {  	[sflag:s19] =	ssyncset.done $0x0;
	s23 =	smov.u32 @p2 s2  }
0x78: {  	s28 =	simm.s32 @!p1 $0x5;
	[sflag:s19] =	ssyncadd.s32 $0xFFFFE400;
	p2 =	slt.s32 s23, $0x1  }
.Ltmp4:
0x79: {  	_ =	swait.ge @!p1 [sflag:s28], $0x400;
	(pc) =	sbr.rel @p2 .LBB2_7-.Ltmp4, $3  }
0x7a: {  	[sflag:s28] =	ssyncset.done @!p1 $0x0  }
0x7b: {  	[sflag:s28] =	ssyncadd.s32 @!p1 $0xFFFFFC00  }
0x7c: {  	[bflag:$0x0] =	sbarrier.arrive $0xFFFF;
	_ =	sdelay $0x1  }
0x7d: {  	s2 =	smul.u32 s6, s25;
	_ =	sdelay $0x1  }
0x7e: {  	s2 =	sadd.s32 s2, s24  }
0x7f: {  	s24 =	sshll.u32 s2, $0xB  }
0x80: {  	s24 =	sand.u32 $0x1FFFF800, s24  }
0x81: {  	s31 =	sshll.u32 s2, $0x4;
	s24 =	sadd.s32 s1, s24  }
0x82: {  	[tilespmem:s5], [sflag:$0x1] =	stream.linear.gather [hbm4b:s24+s5], $0x4000, $0x38;
	[tilespmem:$0x19F00] =	vst v63  }
0x83: {  	p2 =	seq.s32 s23, $0x1;
	s24 =	sand.u32 $0x1FFFFFF0, s31  }
0x84: {  	s2 =	sshll.u32 @!p2 s2, $0x7;
	s24 =	sadd.s32 s3, s24  }
0x85: {  	[tilespmem:s20], [sflag:$0x1] =	stream.linear.gather [hbm4b:s24+s5], $0x80, $0x38;
	[tilespmem:$0x19F00] =	vst v63  }
0x86: {  	s24 =	sadd.s32 @!p2 $0x80, s2  }
0x87: {  	s29 =	simm.s32 @!p2 $0x0;
	s30 =	simm.s32 @!p2 $0x4000;
	s28 =	sshll.u32 @!p2 s24, $0x4  }
0x88: {  	p3 =	slt.u32 @!p2 s23, $0x3;
	s24 =	sshrl.u32 @!p2 s24, $0x3;
	s28 =	sadd.s32 @!p2 s1, s28  }
0x89: {  	[tilespmem:s30], [sflag:$0x2] =	stream.linear.gather @!p2 [hbm4b:s28+s29], $0x4000, $0x38;
	[tilespmem:$0x19F00] =	vst v63  }
0x8a: {  	p4 =	por p3, p2;
	s24 =	sadd.s32 @!p2 s3, s24;
	s28 =	simm.s32 @!p2 $0x10080  }
0x8b: {  	[tilespmem:s28], [sflag:$0x2] =	stream.linear.gather @!p2 [hbm4b:s24+s29], $0x80, $0x38;
	[tilespmem:$0x19F00] =	vst v63  }
0x8c: {  	s24 =	sadd.s32 @!p4 $0x100, s2  }
0x8d: {  	s30 =	simm.s32 @!p4 $0x8000;
	s28 =	sshll.u32 @!p4 s24, $0x4  }
0x8e: {  	s29 =	simm.s32 @!p4 $0x0;
	s24 =	sshrl.u32 @!p4 s24, $0x3;
	s28 =	sadd.s32 @!p4 s1, s28  }
0x8f: {  	[tilespmem:s30], [sflag:$0x3] =	stream.linear.gather @!p4 [hbm4b:s28+s29], $0x4000, $0x38;
	[tilespmem:$0x19F00] =	vst v63  }
0x90: {  	s24 =	sadd.s32 @!p4 s3, s24;
	s28 =	simm.s32 @!p4 $0x10100  }
0x91: {  	[tilespmem:s28], [sflag:$0x3] =	stream.linear.gather @!p4 [hbm4b:s24+s29], $0x80, $0x38;
	[tilespmem:$0x19F00] =	vst v63  }
0x92: {  	p4 =	seq.s32 @!p4 s23, $0x3  }
0x93: {  	p3 =	por @!p2 p4, p3  }
0x94: {  	p2 =	por p3, p2  }
0x95: {  	s2 =	sadd.s32 @!p2 $0x180, s2  }
0x96: {  	s28 =	simm.s32 @!p2 $0x0;
	s24 =	sshll.u32 @!p2 s2, $0x4  }
0x97: {  	s29 =	simm.s32 @!p2 $0xC000;
	s2 =	sshrl.u32 @!p2 s2, $0x3;
	s24 =	sadd.s32 @!p2 s1, s24  }
0x98: {  	[tilespmem:s29], [sflag:$0x4] =	stream.linear.gather @!p2 [hbm4b:s24+s28], $0x4000, $0x38;
	[tilespmem:$0x19F00] =	vst v63  }
0x99: {  	s2 =	sadd.s32 @!p2 s3, s2;
	s24 =	simm.s32 @!p2 $0x10180  }
0x9a: {  	[tilespmem:s24], [sflag:$0x4] =	stream.linear.gather @!p2 [hbm4b:s2+s28], $0x80, $0x38;
	[tilespmem:$0x19F00] =	vst v63  }
.LBB2_7:
0x9b: {  	s2 =	sadd.s32 $0x3, s26  }
0x9c: {  	s24 =	sand.u32 $0x3, s2  }
0x9d: {  	p2 =	slt.s32 s26, $0xFFFFFFFE;
	p3 =	sne.s32 s24, $0x0  }
0x9e: {  	s31 =	sshrl.u32 s2, $0x1E;
	p2 =	por !p2, !p3  }
0x9f: {  	s2 =	sadd.s32 s31, s2;
	s24 =	simm.s32 $0x1;
	p2 =	por !p2, !p2  }
0xa0: {  	s2 =	sshra.s32 s2, $0x2;
	s24 =	simm.s32 @!p2 $0x0  }
0xa1: {  	s24 =	ssub.s32 s2, s24  }
0xa2: {  	p2 =	slt.s32 s24, $0x1  }
.Ltmp5:
0xa3: {  	_ = 	snop;
	(pc) =	sbr.rel @p2 .LBB2_10-.Ltmp5, $1  }
0xa4: {  	_ =	sdelay $0x3  }
0xa5: {  	s2 =	smul.u32 s26, s15  }
0xa6: {  	s28 =	smul.u32 s25, s16  }
0xa7: {  	s31 =	smul.u32 s26, s17  }
0xa8: {  	s29 =	smul.u32 s25, s18;
	_ =	sdelay $0x1  }
0xa9: {  	s25 =	sadd.s32 s28, s2;
	s26 =	sadd.s32 s29, s31;
	s28 =	simm.s32 $0x3  }
.LBB2_9:
0xaa: {  	s2 =	sadd.s32 $0xFFFFFFFD, s28  }
0xab: {  	p2 =	sge.s32 s2, s23  }
0xac: {  	s2 =	simm.s32 @!p2 $0x1  }
0xad: {  	_ =	swait.ge @!p2 [sflag:s2], $0x4000  }
0xae: {  	[sflag:s2] =	ssyncset.done @!p2 $0x0  }
0xaf: {  	[sflag:s2] =	ssyncadd.s32 @!p2 $0xFFFFC000  }
0xb0: {  	_ =	swait.ge @!p2 [sflag:s2], $0x80  }
0xb1: {  	[sflag:s2] =	ssyncset.done @!p2 $0x0  }
0xb2: {  	[sflag:s2] =	ssyncadd.s32 @!p2 $0xFFFFFF80  }
0xb3: {  	v2 =	vld @!p2 [tilespmem:$0x10000]  }
0xb4: {  	v3 =	vld @!p2 [tilespmem:$0x10010]  }
0xb5: {  	v4 =	vld @!p2 [tilespmem:$0x10020]  }
0xb6: {  	v5 =	vld @!p2 [tilespmem:$0x10030]  }
0xb7: {  	v6 =	vld @!p2 [tilespmem:$0x10040]  }
0xb8: {  	v7 =	vld @!p2 [tilespmem:$0x10050];
	v2 =	vsub.s32 @!p2 v2, v0  }
0xb9: {  	v8 =	vld @!p2 [tilespmem:$0x10060];
	v3 =	vsub.s32 @!p2 v3, v0;
	v2 =	vmin.u32 @!p2 v2, $0x1388  }
0xba: {  	[tilespmem:$0x10000] =	vst @!p2 v2;
	v2 =	vmin.u32 @!p2 v3, $0x1388;
	v3 =	vsub.s32 @!p2 v4, v0;
	v4 =	vld @!p2 [tilespmem:$0x10070]  }
0xbb: {  	[tilespmem:$0x10010] =	vst @!p2 v2;
	v2 =	vmin.u32 @!p2 v3, $0x1388;
	v3 =	vsub.s32 @!p2 v5, v0  }
0xbc: {  	[tilespmem:$0x10020] =	vst @!p2 v2;
	v2 =	vmin.u32 @!p2 v3, $0x1388;
	v3 =	vsub.s32 @!p2 v6, v0  }
0xbd: {  	[tilespmem:$0x10030] =	vst @!p2 v2;
	v2 =	vmin.u32 @!p2 v3, $0x1388;
	v3 =	vsub.s32 @!p2 v7, v0  }
0xbe: {  	[tilespmem:$0x10040] =	vst @!p2 v2;
	v2 =	vmin.u32 @!p2 v3, $0x1388;
	v3 =	vsub.s32 @!p2 v8, v0  }
0xbf: {  	[tilespmem:$0x10050] =	vst @!p2 v2;
	v2 =	vmin.u32 @!p2 v3, $0x1388;
	v3 =	vsub.s32 @!p2 v4, v0  }
0xc0: {  	[tilespmem:$0x10060] =	vst @!p2 v2;
	v2 =	vmin.u32 @!p2 v3, $0x1388  }
0xc1: {  	s29 =	simm.s32 @!p2 $0x10000;
	s30 =	simm.s32 @!p2 $0x0;
	s2 =	simm.s32 @!p2 $0x80;
	[tilespmem:$0x10070] =	vst @!p2 v2  }
0xc2: {  	[spmem:s4] =	stream.indirect.scatter.add.f32 @!p2 [tilespmem:s30], [sflag:$0x6], $0x80, s29, s2, $0xb8;
	[tilespmem:$0x19F00] =	vst v63  }
0xc3: {  	s2 =	sadd.s32 @!p2 $0x1, s28  }
0xc4: {  	p3 =	sge.s32 @!p2 s2, s23  }
0xc5: {  	s2 =	simm.s32 @!p2 $0x6;
	p3 =	por p3, p2  }
0xc6: {  	_ =	swait.ge @!p2 [sflag:s2], $0x4000;
	s29 =	sadd.s32 @!p3 $0x2000, s26  }
0xc7: {  	[sflag:s2] =	ssyncset.done @!p2 $0x0;
	s29 =	sand.u32 @!p3 $0x1FFFF800, s29  }
0xc8: {  	[sflag:s2] =	ssyncadd.s32 @!p2 $0xFFFFC000;
	s2 =	sadd.s32 @!p3 s1, s29;
	s29 =	simm.s32 @!p3 $0x0  }
0xc9: {  	[tilespmem:s29], [sflag:$0x1] =	stream.linear.gather @!p3 [hbm4b:s2+s29], $0x4000, $0x38;
	[tilespmem:$0x19F00] =	vst v63  }
0xca: {  	s2 =	sadd.s32 @!p3 $0x40, s25  }
0xcb: {  	s2 =	sand.u32 @!p3 $0x1FFFFFF0, s2  }
0xcc: {  	s30 =	simm.s32 @!p3 $0x10000;
	s2 =	sadd.s32 @!p3 s3, s2  }
0xcd: {  	[tilespmem:s30], [sflag:$0x1] =	stream.linear.gather @!p3 [hbm4b:s2+s29], $0x80, $0x38;
	[tilespmem:$0x19F00] =	vst v63  }
0xce: {  	s30 =	sadd.s32 $0xFFFFFFFE, s28  }
0xcf: {  	p2 =	sge.s32 s30, s23  }
0xd0: {  	s2 =	simm.s32 @!p2 $0x2  }
0xd1: {  	_ =	swait.ge @!p2 [sflag:s2], $0x4000  }
0xd2: {  	[sflag:s2] =	ssyncset.done @!p2 $0x0  }
0xd3: {  	[sflag:s2] =	ssyncadd.s32 @!p2 $0xFFFFC000  }
0xd4: {  	_ =	swait.ge @!p2 [sflag:s2], $0x80  }
0xd5: {  	[sflag:s2] =	ssyncset.done @!p2 $0x0  }
0xd6: {  	[sflag:s2] =	ssyncadd.s32 @!p2 $0xFFFFFF80  }
0xd7: {  	v2 =	vld @!p2 [tilespmem:$0x10080]  }
0xd8: {  	v3 =	vld @!p2 [tilespmem:$0x10090]  }
0xd9: {  	v4 =	vld @!p2 [tilespmem:$0x100A0]  }
0xda: {  	v5 =	vld @!p2 [tilespmem:$0x100B0]  }
0xdb: {  	v6 =	vld @!p2 [tilespmem:$0x100C0]  }
0xdc: {  	v7 =	vld @!p2 [tilespmem:$0x100D0];
	v2 =	vsub.s32 @!p2 v2, v0  }
0xdd: {  	v8 =	vld @!p2 [tilespmem:$0x100E0];
	v3 =	vsub.s32 @!p2 v3, v0;
	v2 =	vmin.u32 @!p2 v2, $0x1388  }
0xde: {  	[tilespmem:$0x10080] =	vst @!p2 v2;
	v2 =	vmin.u32 @!p2 v3, $0x1388;
	v3 =	vsub.s32 @!p2 v4, v0;
	v4 =	vld @!p2 [tilespmem:$0x100F0]  }
0xdf: {  	[tilespmem:$0x10090] =	vst @!p2 v2;
	v2 =	vmin.u32 @!p2 v3, $0x1388;
	v3 =	vsub.s32 @!p2 v5, v0  }
0xe0: {  	[tilespmem:$0x100A0] =	vst @!p2 v2;
	v2 =	vmin.u32 @!p2 v3, $0x1388;
	v3 =	vsub.s32 @!p2 v6, v0  }
0xe1: {  	[tilespmem:$0x100B0] =	vst @!p2 v2;
	v2 =	vmin.u32 @!p2 v3, $0x1388;
	v3 =	vsub.s32 @!p2 v7, v0  }
0xe2: {  	[tilespmem:$0x100C0] =	vst @!p2 v2;
	v2 =	vmin.u32 @!p2 v3, $0x1388;
	v3 =	vsub.s32 @!p2 v8, v0  }
0xe3: {  	[tilespmem:$0x100D0] =	vst @!p2 v2;
	v2 =	vmin.u32 @!p2 v3, $0x1388;
	v3 =	vsub.s32 @!p2 v4, v0  }
0xe4: {  	[tilespmem:$0x100E0] =	vst @!p2 v2;
	v2 =	vmin.u32 @!p2 v3, $0x1388  }
0xe5: {  	s29 =	simm.s32 @!p2 $0x10080;
	s30 =	simm.s32 @!p2 $0x4000;
	s2 =	simm.s32 @!p2 $0x80;
	[tilespmem:$0x100F0] =	vst @!p2 v2  }
0xe6: {  	[spmem:s4] =	stream.indirect.scatter.add.f32 @!p2 [tilespmem:s30], [sflag:$0x6], $0x80, s29, s2, $0xb8;
	[tilespmem:$0x19F00] =	vst v63  }
0xe7: {  	s2 =	sadd.s32 @!p2 $0x2, s28  }
0xe8: {  	s29 =	simm.s32 @!p2 $0x6;
	p3 =	sge.s32 @!p2 s2, s23  }
0xe9: {  	_ =	swait.ge @!p2 [sflag:s29], $0x4000;
	p3 =	por p3, p2  }
0xea: {  	[sflag:s29] =	ssyncset.done @!p2 $0x0;
	s2 =	sadd.s32 @!p3 $0x2800, s26  }
0xeb: {  	[sflag:s29] =	ssyncadd.s32 @!p2 $0xFFFFC000;
	s2 =	sand.u32 @!p3 $0x1FFFF800, s2  }
0xec: {  	s29 =	simm.s32 @!p3 $0x0;
	s30 =	simm.s32 @!p3 $0x4000;
	s2 =	sadd.s32 @!p3 s1, s2  }
0xed: {  	[tilespmem:s30], [sflag:$0x2] =	stream.linear.gather @!p3 [hbm4b:s2+s29], $0x4000, $0x38;
	[tilespmem:$0x19F00] =	vst v63  }
0xee: {  	s2 =	sadd.s32 @!p3 $0x50, s25  }
0xef: {  	s31 =	sadd.s32 $0xFFFFFFFF, s28;
	s2 =	sand.u32 @!p3 $0x1FFFFFF0, s2  }
0xf0: {  	p2 =	sge.s32 s31, s23;
	s30 =	simm.s32 @!p3 $0x10080;
	s2 =	sadd.s32 @!p3 s3, s2  }
0xf1: {  	[tilespmem:s30], [sflag:$0x2] =	stream.linear.gather @!p3 [hbm4b:s2+s29], $0x80, $0x38;
	[tilespmem:$0x19F00] =	vst v63  }
0xf2: {  	s2 =	simm.s32 @!p2 $0x3  }
0xf3: {  	_ =	swait.ge @!p2 [sflag:s2], $0x4000  }
0xf4: {  	[sflag:s2] =	ssyncset.done @!p2 $0x0  }
0xf5: {  	[sflag:s2] =	ssyncadd.s32 @!p2 $0xFFFFC000  }
0xf6: {  	_ =	swait.ge @!p2 [sflag:s2], $0x80  }
0xf7: {  	[sflag:s2] =	ssyncset.done @!p2 $0x0  }
0xf8: {  	[sflag:s2] =	ssyncadd.s32 @!p2 $0xFFFFFF80  }
0xf9: {  	v2 =	vld @!p2 [tilespmem:$0x10100]  }
0xfa: {  	v3 =	vld @!p2 [tilespmem:$0x10110]  }
0xfb: {  	v4 =	vld @!p2 [tilespmem:$0x10120]  }
0xfc: {  	v5 =	vld @!p2 [tilespmem:$0x10130]  }
0xfd: {  	v6 =	vld @!p2 [tilespmem:$0x10140]  }
0xfe: {  	v7 =	vld @!p2 [tilespmem:$0x10150];
	v2 =	vsub.s32 @!p2 v2, v0  }
0xff: {  	v8 =	vld @!p2 [tilespmem:$0x10160];
	v3 =	vsub.s32 @!p2 v3, v0;
	v2 =	vmin.u32 @!p2 v2, $0x1388  }
0x100: {  	[tilespmem:$0x10100] =	vst @!p2 v2;
	v2 =	vmin.u32 @!p2 v3, $0x1388;
	v3 =	vsub.s32 @!p2 v4, v0;
	v4 =	vld @!p2 [tilespmem:$0x10170]  }
0x101: {  	[tilespmem:$0x10110] =	vst @!p2 v2;
	v2 =	vmin.u32 @!p2 v3, $0x1388;
	v3 =	vsub.s32 @!p2 v5, v0  }
0x102: {  	[tilespmem:$0x10120] =	vst @!p2 v2;
	v2 =	vmin.u32 @!p2 v3, $0x1388;
	v3 =	vsub.s32 @!p2 v6, v0  }
0x103: {  	[tilespmem:$0x10130] =	vst @!p2 v2;
	v2 =	vmin.u32 @!p2 v3, $0x1388;
	v3 =	vsub.s32 @!p2 v7, v0  }
0x104: {  	[tilespmem:$0x10140] =	vst @!p2 v2;
	v2 =	vmin.u32 @!p2 v3, $0x1388;
	v3 =	vsub.s32 @!p2 v8, v0  }
0x105: {  	[tilespmem:$0x10150] =	vst @!p2 v2;
	v2 =	vmin.u32 @!p2 v3, $0x1388;
	v3 =	vsub.s32 @!p2 v4, v0  }
0x106: {  	[tilespmem:$0x10160] =	vst @!p2 v2;
	v2 =	vmin.u32 @!p2 v3, $0x1388  }
0x107: {  	s29 =	simm.s32 @!p2 $0x10100;
	s30 =	simm.s32 @!p2 $0x8000;
	s2 =	simm.s32 @!p2 $0x80;
	[tilespmem:$0x10170] =	vst @!p2 v2  }
0x108: {  	[spmem:s4] =	stream.indirect.scatter.add.f32 @!p2 [tilespmem:s30], [sflag:$0x6], $0x80, s29, s2, $0xb8;
	[tilespmem:$0x19F00] =	vst v63  }
0x109: {  	s2 =	sadd.s32 @!p2 $0x3, s28  }
0x10a: {  	s29 =	simm.s32 @!p2 $0x6;
	p3 =	sge.s32 @!p2 s2, s23  }
0x10b: {  	_ =	swait.ge @!p2 [sflag:s29], $0x4000;
	p3 =	por p3, p2  }
0x10c: {  	[sflag:s29] =	ssyncset.done @!p2 $0x0;
	s2 =	sadd.s32 @!p3 $0x3000, s26  }
0x10d: {  	[sflag:s29] =	ssyncadd.s32 @!p2 $0xFFFFC000;
	s2 =	sand.u32 @!p3 $0x1FFFF800, s2  }
0x10e: {  	s29 =	simm.s32 @!p3 $0x0;
	s30 =	simm.s32 @!p3 $0x8000;
	s2 =	sadd.s32 @!p3 s1, s2  }
0x10f: {  	[tilespmem:s30], [sflag:$0x3] =	stream.linear.gather @!p3 [hbm4b:s2+s29], $0x4000, $0x38;
	[tilespmem:$0x19F00] =	vst v63  }
0x110: {  	s2 =	sadd.s32 @!p3 $0x60, s25  }
0x111: {  	s2 =	sand.u32 @!p3 $0x1FFFFFF0, s2  }
0x112: {  	p2 =	sge.s32 s28, s23;
	s30 =	simm.s32 @!p3 $0x10100;
	s2 =	sadd.s32 @!p3 s3, s2  }
0x113: {  	[tilespmem:s30], [sflag:$0x3] =	stream.linear.gather @!p3 [hbm4b:s2+s29], $0x80, $0x38;
	[tilespmem:$0x19F00] =	vst v63  }
0x114: {  	s2 =	simm.s32 @!p2 $0x4  }
0x115: {  	_ =	swait.ge @!p2 [sflag:s2], $0x4000  }
0x116: {  	[sflag:s2] =	ssyncset.done @!p2 $0x0  }
0x117: {  	[sflag:s2] =	ssyncadd.s32 @!p2 $0xFFFFC000  }
0x118: {  	_ =	swait.ge @!p2 [sflag:s2], $0x80  }
0x119: {  	[sflag:s2] =	ssyncset.done @!p2 $0x0  }
0x11a: {  	[sflag:s2] =	ssyncadd.s32 @!p2 $0xFFFFFF80  }
0x11b: {  	v2 =	vld @!p2 [tilespmem:$0x10180]  }
0x11c: {  	v3 =	vld @!p2 [tilespmem:$0x10190]  }
0x11d: {  	v4 =	vld @!p2 [tilespmem:$0x101A0]  }
0x11e: {  	v5 =	vld @!p2 [tilespmem:$0x101B0]  }
0x11f: {  	v6 =	vld @!p2 [tilespmem:$0x101C0]  }
0x120: {  	v7 =	vld @!p2 [tilespmem:$0x101D0];
	v2 =	vsub.s32 @!p2 v2, v0  }
0x121: {  	v8 =	vld @!p2 [tilespmem:$0x101E0];
	v3 =	vsub.s32 @!p2 v3, v0;
	v2 =	vmin.u32 @!p2 v2, $0x1388  }
0x122: {  	[tilespmem:$0x10180] =	vst @!p2 v2;
	v2 =	vmin.u32 @!p2 v3, $0x1388;
	v3 =	vsub.s32 @!p2 v4, v0;
	v4 =	vld @!p2 [tilespmem:$0x101F0]  }
0x123: {  	[tilespmem:$0x10190] =	vst @!p2 v2;
	v2 =	vmin.u32 @!p2 v3, $0x1388;
	v3 =	vsub.s32 @!p2 v5, v0  }
0x124: {  	[tilespmem:$0x101A0] =	vst @!p2 v2;
	v2 =	vmin.u32 @!p2 v3, $0x1388;
	v3 =	vsub.s32 @!p2 v6, v0  }
0x125: {  	[tilespmem:$0x101B0] =	vst @!p2 v2;
	v2 =	vmin.u32 @!p2 v3, $0x1388;
	v3 =	vsub.s32 @!p2 v7, v0  }
0x126: {  	[tilespmem:$0x101C0] =	vst @!p2 v2;
	v2 =	vmin.u32 @!p2 v3, $0x1388;
	v3 =	vsub.s32 @!p2 v8, v0  }
0x127: {  	[tilespmem:$0x101D0] =	vst @!p2 v2;
	v2 =	vmin.u32 @!p2 v3, $0x1388;
	v3 =	vsub.s32 @!p2 v4, v0  }
0x128: {  	[tilespmem:$0x101E0] =	vst @!p2 v2;
	v2 =	vmin.u32 @!p2 v3, $0x1388  }
0x129: {  	s29 =	simm.s32 @!p2 $0x10180;
	s30 =	simm.s32 @!p2 $0xC000;
	s2 =	simm.s32 @!p2 $0x80;
	[tilespmem:$0x101F0] =	vst @!p2 v2  }
0x12a: {  	[spmem:s4] =	stream.indirect.scatter.add.f32 @!p2 [tilespmem:s30], [sflag:$0x6], $0x80, s29, s2, $0xb8;
	[tilespmem:$0x19F00] =	vst v63  }
0x12b: {  	s2 =	sadd.s32 @!p2 $0x4, s28  }
0x12c: {  	s29 =	simm.s32 @!p2 $0x6;
	p3 =	sge.s32 @!p2 s2, s23  }
0x12d: {  	_ =	swait.ge @!p2 [sflag:s29], $0x4000;
	p3 =	por p3, p2  }
0x12e: {  	s24 =	sadd.s32 $0xFFFFFFFF, s24;
	[sflag:s29] =	ssyncset.done @!p2 $0x0;
	s2 =	sadd.s32 @!p3 $0x3800, s26  }
0x12f: {  	[sflag:s29] =	ssyncadd.s32 @!p2 $0xFFFFC000;
	s29 =	simm.s32 @!p3 $0x0;
	s2 =	sand.u32 @!p3 $0x1FFFF800, s2  }
0x130: {  	s30 =	simm.s32 @!p3 $0xC000;
	p2 =	sne.s32 s24, $0x0;
	s2 =	sadd.s32 @!p3 s1, s2  }
0x131: {  	[tilespmem:s30], [sflag:$0x4] =	stream.linear.gather @!p3 [hbm4b:s2+s29], $0x4000, $0x38;
	[tilespmem:$0x19F00] =	vst v63  }
.Ltmp6:
0x132: {  	_ = 	snop;
	(pc) =	sbr.rel @p2 .LBB2_9-.Ltmp6, $4  }
0x133: {  	s2 =	sadd.s32 @!p3 $0x70, s25  }
0x134: {  	s28 =	sadd.s32 $0x4, s28;
	s26 =	sadd.s32 $0x2000, s26;
	s2 =	sand.u32 @!p3 $0x1FFFFFF0, s2  }
0x135: {  	s30 =	simm.s32 @!p3 $0x10180;
	s25 =	sadd.s32 $0x40, s25;
	s2 =	sadd.s32 @!p3 s3, s2  }
0x136: {  	[tilespmem:s30], [sflag:$0x4] =	stream.linear.gather @!p3 [hbm4b:s2+s29], $0x80, $0x38;
	[tilespmem:$0x19F00] =	vst v63  }
.Ltmp7:
0x137: {  	_ = 	snop;
	(pc) =	sbr.rel .LBB2_10-.Ltmp7, $1  }
0x138: {  	_ =	sdelay $0x3  }
.LBB2_11:
0x139: {  	_ =	sfence.sel $0x180000  }
0x13a: {  	[bflag:$0x0] =	sbarrier.arrive $0xFFFF  }
0x13b: {  	_ =	strace $0x90000047  }
0x13c: {  	[bflag:$0x2] =	sbarrier.arrive $0xFFFF  }
0x13d: {  	p0 =	sne.s32 s0, $0x0;
	s0 =	rddreg [dreg:$0x4]  }
0x13e: {  	s0 =	sadd.s32 @!p0 $0x100000, s0  }
0x13f: {  	[sflag:s0] =	ssyncadd.tile.s32 @!p0 $0x1;
	_ =	shalt  }
.Lfunc_end2:
_tile_overlayer_lowered:
.L_overlay_start_2:
0x140: {  	(tag) =	ssettag $0x2  }
0x141: {  	s0 =	rddreg [dreg:$0x0];
	s2 =	stileid.u32  }
0x142: {  	s1 =	rddreg [dreg:$0x1];
	p0 =	sne.s32 s2, $0x0  }
0x143: {  	s3 =	rddreg [dreg:$0x2];
	[bflag:$0x3] =	sbarrier.arrive $0xFFFF;
	s2 =	simm.s32 @!p0 $0x1C06  }
0x144: {  	[timem:s3], [sflag:s2] =	dma.local @!p0 [hbm:s0], s1  }
0x145: {  	s0 =	simm.s32 @!p0 $0x6  }
0x146: {  	_ =	swait.ge @!p0 [sflag:s0], s1  }
0x147: {  	s1 =	ssub.s32 @!p0 $0x0, s1;
	[sflag:s0] =	ssyncset.done @!p0 $0x0  }
0x148: {  	[sflag:s0] =	ssyncadd.s32 @!p0 s1  }
0x149: {  	[bflag:$0x3] =	sbarrier.arrive $0xFFFF  }
0x14a: {  	_ =	shalt  }

</sc_bundles>
